<compile_context>
chip_gen: v7x
topology: tpu7x:2x2x1
jax: 0.10.2.dev20260603
libtpu: 0.0.44.dev20260713+nightly
codegen_flags: <defaults>
</compile_context>

<pallas_src>
import functools

import jax
import jax.numpy as jnp
from jax import lax
from jax.experimental import pallas as pl
from jax.experimental.pallas import tpu as pltpu
from jax.experimental.pallas import tpu_sc as plsc

_NC, _NS = 2, 16
_NW = _NC * _NS
_KC = 80


def _silu(x):
    return x * jax.nn.sigmoid(x)


def _p0_body(h_ref, w_ref, a_ref, b_ref, c_ref):
    hw = lax.dot_general(h_ref[...], w_ref[...], (((1,), (0,)), ((), ())),
                         preferred_element_type=jnp.float32)
    a_ref[...] = hw[:, 0:128]
    b_ref[...] = hw[:, 128:256]
    c_ref[...] = hw[:, 256:384]


def _precompute_tables(hf, Wcat):
    n, f = hf.shape
    blk = 2000
    grid = n // blk
    return pl.pallas_call(
        _p0_body,
        grid=(grid,),
        in_specs=[
            pl.BlockSpec((blk, f), lambda i: (i, 0)),
            pl.BlockSpec((f, 384), lambda i: (0, 0)),
        ],
        out_specs=[
            pl.BlockSpec((blk, 128), lambda i: (i, 0)),
            pl.BlockSpec((blk, 128), lambda i: (i, 0)),
            pl.BlockSpec((blk, 128), lambda i: (i, 0)),
        ],
        out_shape=[jax.ShapeDtypeStruct((n, 128), jnp.float32)] * 3,
    )(hf, Wcat)


def _sc_gather_add(A, Bm, row, col):
    n, f = A.shape
    e = row.shape[0]
    e_per_w = e // _NW
    nchunks = e_per_w // _KC
    mesh = plsc.VectorSubcoreMesh(core_axis_name="c", subcore_axis_name="s",
                                  num_cores=_NC, num_subcores=_NS)

    @functools.partial(
        pl.kernel, mesh=mesh,
        out_type=jax.ShapeDtypeStruct((e, f // 2), jnp.float32),
        scratch_types=[
            pltpu.VMEM((e_per_w,), jnp.int32),
            pltpu.VMEM((e_per_w,), jnp.int32),
            pltpu.VMEM((3, _KC, 128), jnp.float32),
            pltpu.VMEM((3, _KC, 128), jnp.float32),
            pltpu.VMEM((3, _KC, 64), jnp.float32),
            pltpu.SemaphoreType.DMA((3,)),
            pltpu.SemaphoreType.DMA((3,)),
            pltpu.SemaphoreType.DMA((3,)),
        ],
    )
    def k(a_hbm, b_hbm, row_hbm, col_hbm, out_hbm,
          idxr_v, idxc_v, arows_v, brows_v, obuf_v, sem_a, sem_b, sem_w):
        wid = lax.axis_index("s") * _NC + lax.axis_index("c")
        base = wid * e_per_w
        pltpu.sync_copy(row_hbm.at[pl.ds(base, e_per_w)], idxr_v)
        pltpu.sync_copy(col_hbm.at[pl.ds(base, e_per_w)], idxc_v)

        def fire(j, s):
            pltpu.async_copy(a_hbm.at[idxr_v.at[pl.ds(j * _KC, _KC)]],
                             arows_v.at[s], sem_a.at[s])
            pltpu.async_copy(b_hbm.at[idxc_v.at[pl.ds(j * _KC, _KC)]],
                             brows_v.at[s], sem_b.at[s])

        fire(0, 0)
        fire(1, 1)

        def chunk(j, carry):
            s = lax.rem(j, 3)

            @pl.when(j >= 3)
            def _drain_wb():
                pltpu.make_async_copy(
                    obuf_v.at[s], out_hbm.at[pl.ds(base + (j - 3) * _KC, _KC)],
                    sem_w.at[s]).wait()

            @pl.when(j + 2 < nchunks)
            def _prefetch():
                fire(j + 2, lax.rem(j + 2, 3))

            pltpu.make_async_copy(a_hbm.at[idxr_v.at[pl.ds(j * _KC, _KC)]],
                                  arows_v.at[s], sem_a.at[s]).wait()
            pltpu.make_async_copy(b_hbm.at[idxc_v.at[pl.ds(j * _KC, _KC)]],
                                  brows_v.at[s], sem_b.at[s]).wait()

            def rnd16(x):
                u = lax.bitcast_convert_type(x, jnp.uint32)
                rnd = jnp.uint32(0x7FFF) + (
                    lax.shift_right_logical(u, jnp.uint32(16)) & jnp.uint32(1))
                return lax.shift_right_logical(u + rnd, jnp.uint32(16))

            def add_loop(b):
                def addrow(r, c2):
                    for g in range(4):
                        lo = pl.ds(g * 32, 16)
                        hi = pl.ds(g * 32 + 16, 16)
                        s_lo = arows_v[b, r, lo] + brows_v[b, r, lo]
                        s_hi = arows_v[b, r, hi] + brows_v[b, r, hi]
                        word = rnd16(s_lo) | lax.shift_left(
                            rnd16(s_hi), jnp.uint32(16))
                        obuf_v[b, r, pl.ds(g * 16, 16)] = (
                            lax.bitcast_convert_type(word, jnp.float32))
                    return c2
                lax.fori_loop(0, _KC, addrow, 0, unroll=2)

            @pl.when(s == 0)
            def _add0():
                add_loop(0)

            @pl.when(s == 1)
            def _add1():
                add_loop(1)

            @pl.when(s == 2)
            def _add2():
                add_loop(2)

            pltpu.async_copy(obuf_v.at[s],
                             out_hbm.at[pl.ds(base + j * _KC, _KC)],
                             sem_w.at[s])
            return carry

        lax.fori_loop(0, nchunks, chunk, 0)
        for jj in (nchunks - 3, nchunks - 2, nchunks - 1):
            pltpu.make_async_copy(
                obuf_v.at[jj % 3], out_hbm.at[pl.ds(base + jj * _KC, _KC)],
                sem_w.at[jj % 3]).wait()

    return k(A, Bm, row, col)


def _sc_scatter_add(mij, row, n):
    e, f = mij.shape
    e_per_w = e // _NW
    nchunks = e_per_w // _KC
    n_main = 624
    n_tail = n - _NS * n_main
    zrows = 48
    mesh = plsc.VectorSubcoreMesh(core_axis_name="c", subcore_axis_name="s",
                                  num_cores=_NC, num_subcores=_NS)

    @functools.partial(
        pl.kernel, mesh=mesh,
        out_type=jax.ShapeDtypeStruct((_NC * n, f), jnp.float32),
        scratch_types=[
            pltpu.VMEM((e_per_w,), jnp.int32),
            pltpu.VMEM((_KC,), jnp.int32),
            pltpu.VMEM((3, _KC, 128), jnp.float32),
            pltpu.VMEM((zrows, 128), jnp.float32),
            pltpu.VMEM_SHARED((n, 128), jnp.float32),
            pltpu.SemaphoreType.DMA((3,)),
        ],
    )
    def k(mij_hbm, row_hbm, out_hbm, idx_all, idx_sc, rows_v, zero_v,
          agg_sh, sem):
        cid = lax.axis_index("c")
        sid = lax.axis_index("s")
        wid = sid * _NC + cid
        base = wid * e_per_w
        pltpu.sync_copy(row_hbm.at[pl.ds(base, e_per_w)], idx_all)

        def zrow(r, c2):
            def zvec(v, c3):
                zero_v[r, pl.ds(v * 16, 16)] = jnp.zeros((16,), jnp.float32)
                return c3
            return lax.fori_loop(0, 8, zvec, c2)
        lax.fori_loop(0, zrows, zrow, 0)

        def zcp(b, c2):
            pltpu.sync_copy(zero_v,
                            agg_sh.at[pl.ds(sid * n_main + b * zrows, zrows)])
            return c2
        lax.fori_loop(0, n_main // zrows, zcp, 0)

        @pl.when(sid == _NS - 1)
        def _ztail():
            pltpu.sync_copy(zero_v.at[pl.ds(0, n_tail)],
                            agg_sh.at[pl.ds(_NS * n_main, n_tail)])
        plsc.subcore_barrier()

        def fire(j, s):
            pltpu.async_copy(mij_hbm.at[pl.ds(base + j * _KC, _KC)],
                             rows_v.at[s], sem.at[s])

        fire(0, 0)
        fire(1, 1)

        def chunk(j, carry):
            s = lax.rem(j, 3)

            @pl.when(j + 2 < nchunks)
            def _prefetch():
                fire(j + 2, lax.rem(j + 2, 3))

            def icp(v, c2):
                sl = pl.ds(v * 16, 16)
                idx_sc[sl] = idx_all[pl.ds(j * _KC + v * 16, 16)]
                return c2
            lax.fori_loop(0, _KC // 16, icp, 0)

            pltpu.make_async_copy(mij_hbm.at[pl.ds(base + j * _KC, _KC)],
                                  rows_v.at[s], sem.at[s]).wait()
            pltpu.sync_copy(rows_v.at[s], agg_sh.at[idx_sc], add=True)
            return carry
        lax.fori_loop(0, nchunks, chunk, 0)
        plsc.subcore_barrier()

        pltpu.sync_copy(agg_sh.at[pl.ds(sid * n_main, n_main)],
                        out_hbm.at[pl.ds(cid * n + sid * n_main, n_main)])

        @pl.when(sid == _NS - 1)
        def _otail():
            pltpu.sync_copy(agg_sh.at[pl.ds(_NS * n_main, n_tail)],
                            out_hbm.at[pl.ds(cid * n + _NS * n_main, n_tail)])

    res = k(mij, row)
    return res.reshape(_NC, n, f)


def _p2_body(gath_ref, ea_ref, mask_ref, w1e_ref, b1_ref, w2_ref, b2_ref,
             mij_ref):
    u = lax.bitcast_convert_type(gath_ref[...], jnp.uint32)
    f_even = lax.bitcast_convert_type(u << 16, jnp.float32)
    f_odd = lax.bitcast_convert_type(u & jnp.uint32(0xFFFF0000), jnp.float32)
    gath = jnp.concatenate([f_even, f_odd], axis=1)
    pre1 = mask_ref[...] * gath
    pre1 += lax.dot_general(ea_ref[...], w1e_ref[...], (((1,), (0,)), ((), ())),
                            preferred_element_type=jnp.float32)
    pre1 += b1_ref[...]
    h1 = _silu(pre1)
    h2 = lax.dot_general(h1, w2_ref[...], (((1,), (0,)), ((), ())),
                         preferred_element_type=jnp.float32) + b2_ref[...]
    mij_ref[...] = _silu(h2)


def _edge_mlp(gath, ea, mask, We1e, be1, We2, be2):
    e = gath.shape[0]
    blk = 4000
    grid = e // blk
    return pl.pallas_call(
        _p2_body,
        grid=(grid,),
        in_specs=[
            pl.BlockSpec((blk, 64), lambda i: (i, 0)),
            pl.BlockSpec((blk, 16), lambda i: (i, 0)),
            pl.BlockSpec((blk, 1), lambda i: (i, 0)),
            pl.BlockSpec((16, 128), lambda i: (0, 0)),
            pl.BlockSpec((1, 128), lambda i: (0, 0)),
            pl.BlockSpec((128, 128), lambda i: (0, 0)),
            pl.BlockSpec((1, 128), lambda i: (0, 0)),
        ],
        out_specs=pl.BlockSpec((blk, 128), lambda i: (i, 0)),
        out_shape=jax.ShapeDtypeStruct((e, 128), jnp.float32),
    )(gath, ea, mask, We1e, be1.reshape(1, 128), We2, be2.reshape(1, 128))


def _p4_body(h_ref, c_ref, p0_ref, p1_ref, w1b_ref, b1_ref, w2_ref, b2_ref,
             out_ref):
    pre = c_ref[...] + b1_ref[...]
    agg = p0_ref[...] + p1_ref[...]
    pre += lax.dot_general(agg, w1b_ref[...], (((1,), (0,)), ((), ())),
                           preferred_element_type=jnp.float32)
    h1 = _silu(pre)
    o = lax.dot_general(h1, w2_ref[...], (((1,), (0,)), ((), ())),
                        preferred_element_type=jnp.float32) + b2_ref[...]
    out_ref[...] = h_ref[...] + o


def _node_mlp(hf, C, p0, p1, Wn1b, bn1, Wn2, bn2):
    n, f = hf.shape
    blk = 2000
    grid = n // blk
    return pl.pallas_call(
        _p4_body,
        grid=(grid,),
        in_specs=[
            pl.BlockSpec((blk, f), lambda i: (i, 0)),
            pl.BlockSpec((blk, 128), lambda i: (i, 0)),
            pl.BlockSpec((blk, 128), lambda i: (i, 0)),
            pl.BlockSpec((blk, 128), lambda i: (i, 0)),
            pl.BlockSpec((128, 128), lambda i: (0, 0)),
            pl.BlockSpec((1, 128), lambda i: (0, 0)),
            pl.BlockSpec((128, f), lambda i: (0, 0)),
            pl.BlockSpec((1, f), lambda i: (0, 0)),
        ],
        out_specs=pl.BlockSpec((blk, f), lambda i: (i, 0)),
        out_shape=jax.ShapeDtypeStruct((n, f), jnp.float32),
    )(hf, C, p0, p1, Wn1b, bn1.reshape(1, 128), Wn2, bn2.reshape(1, f))


def kernel(h, edge_index, edge_attr, edge_mask, We1, be1, We2, be2,
           Wn1, bn1, Wn2, bn2):
    B, N, F = h.shape
    E = edge_index.shape[1]
    hf = h.reshape(N, F)
    row = edge_index[0, :, 0].astype(jnp.int32)
    col = edge_index[0, :, 1].astype(jnp.int32)
    ea = edge_attr.reshape(E, -1)
    mask = edge_mask.reshape(E, 1)

    Wcat = jnp.concatenate([We1[:F], We1[F:2 * F], Wn1[:F]], axis=1)
    A, Bm, C = _precompute_tables(hf, Wcat)

    gath = _sc_gather_add(A, Bm, row, col)

    k64 = jnp.arange(64)
    perm = jnp.concatenate([32 * (k64 // 16) + k64 % 16,
                            32 * (k64 // 16) + 16 + k64 % 16])
    mij = _edge_mlp(gath, ea, mask, We1[2 * F:][:, perm], be1[perm],
                    We2[perm, :], be2)

    partials = _sc_scatter_add(mij, row, N)

    out = _node_mlp(hf, C, partials[0], partials[1], Wn1[F:], bn1, Wn2, bn2)
    return (out.reshape(B, N, F), mij.reshape(B, E, 128))

# --- scband reference (transcript-rebuilt; emitter-appended) ---
"""Pipeline reference for scband-gcl-3015067042086 (READ-ONLY COPY).

The authoritative reference and input builder live on the scoring server;
editing this copy changes nothing except your own understanding.
"""

import jax, jax.numpy as jnp
import numpy as np

def silu(x):
    return x * jax.nn.sigmoid(x)

def setup_inputs(seed: int = 0) -> dict:
    key = jax.random.key(seed)
    ks = jax.random.split(key, 12)
    B, N, E, F, H, De = 1, 10000, 320000, 128, 128, 16
    h = jax.random.normal(ks[0], (B, N, F), jnp.float32)
    edge_index = jax.random.randint(ks[1], (B, E, 2), 0, N).astype(jnp.int64)
    edge_attr = jax.random.normal(ks[2], (B, E, De), jnp.float32)
    edge_mask = jnp.ones((B, E, 1), jnp.float32)
    s = 0.05
    We1 = jax.random.normal(ks[3], (2 * F + De, H), jnp.float32) * s
    be1 = jnp.zeros((H,), jnp.float32)
    We2 = jax.random.normal(ks[4], (H, H), jnp.float32) * s
    be2 = jnp.zeros((H,), jnp.float32)
    Wn1 = jax.random.normal(ks[5], (H + F, H), jnp.float32) * s
    bn1 = jnp.zeros((H,), jnp.float32)
    Wn2 = jax.random.normal(ks[6], (H, F), jnp.float32) * s
    bn2 = jnp.zeros((F,), jnp.float32)
    return {"h": h, "edge_index": edge_index, "edge_attr": edge_attr, "edge_mask": edge_mask,
            "We1": We1, "be1": be1, "We2": We2, "be2": be2,
            "Wn1": Wn1, "bn1": bn1, "Wn2": Wn2, "bn2": bn2}

def reference(h, edge_index, edge_attr, edge_mask, We1, be1, We2, be2, Wn1, bn1, Wn2, bn2):
    B, N, F = h.shape
    E = edge_index.shape[1]
    row = edge_index[:, :, 0]
    col = edge_index[:, :, 1]
    offs = (jnp.arange(B) * N).reshape(B, 1)
    row_idx = (row + offs).reshape(-1)
    col_idx = (col + offs).reshape(-1)
    hf = h.reshape(-1, F)
    src = jnp.take(hf, row_idx, axis=0).reshape(B, E, F) * edge_mask
    tgt = jnp.take(hf, col_idx, axis=0).reshape(B, E, F) * edge_mask
    inp = jnp.concatenate([src, tgt, edge_attr], axis=2)
    mij = silu(silu(inp @ We1 + be1) @ We2 + be2)
    edge_feat = mij * edge_mask
    Hd = edge_feat.shape[2]
    res = jnp.zeros((B * N, Hd), h.dtype).at[row_idx].add(edge_feat.reshape(-1, Hd))
    agg = res.reshape(B, N, Hd)
    agg2 = jnp.concatenate([h, agg], axis=2)
    out = h + (silu(agg2 @ Wn1 + bn1) @ Wn2 + bn2)
    return (out, mij)

if __name__ == "__main__":
    import jax
    _d = setup_inputs()
    print(jax.jit(kernel)(*tuple(_d.values())))

</pallas_src>

<mosaic_0001>
#map = affine_map<(d0, d1) -> (0, 0)>
#map1 = affine_map<(d0, d1) -> (0)>
module attributes {stable_mosaic.version = 14 : i64} {
  func.func @k(%arg0: i32, %arg1: i32, %arg2: memref<320000x128xf32, #tpu.memory_space<hbm>>, %arg3: memref<320000xi32, #tpu.memory_space<hbm>>, %arg4: memref<20000x128xf32, #tpu.memory_space<hbm>>, %arg5: memref<10000xi32, #tpu.memory_space<vmem>>, %arg6: memref<80xi32, #tpu.memory_space<vmem>>, %arg7: memref<3x80x128xf32, #tpu.memory_space<vmem>>, %arg8: memref<48x128xf32, #tpu.memory_space<vmem>>, %arg9: memref<10000x128xf32, #tpu.memory_space<vmem_shared>>, %arg10: memref<3x!tpu.dma_semaphore, #tpu.memory_space<semaphore_mem>>) attributes {dimension_semantics = [#tpu.dimension_semantics<core_parallel>, #tpu.dimension_semantics<subcore_parallel>], iteration_bounds = array<i64: 2, 16>, scalar_prefetch = 0 : i64, scratch_operands = 6 : i64, tpu.core_type = #tpu.core_type<sc_vector_subcore>, window_params = [{transform_indices = #map}, {transform_indices = #map1}, {transform_indices = #map}]} {
    %mul3A = arith.constant 2 : i32
    %mul3A_0 = arith.muli %arg1, %mul3A : i32
    %add3A = arith.addi %mul3A_0, %arg0 : i32
    %mul3A_1 = arith.constant 10000 : i32
    %mul3A_2 = arith.muli %add3A, %mul3A_1 : i32
    "tpu.region"() ({
      %run_scoped3A = tpu.sem_alloc : memref<!tpu.dma_semaphore, #tpu.memory_space<semaphore_mem>>
      %dma_start3A_70 = tpu.memref_slice %arg3[%mul3A_2] : memref<320000xi32, #tpu.memory_space<hbm>> -> memref<10000xi32, #tpu.memory_space<hbm>>
      %dma_start3A_71 = tpu.memref_slice %arg3[%mul3A_2] : memref<320000xi32, #tpu.memory_space<hbm>> -> memref<10000xi32, #tpu.memory_space<hbm>>
      tpu.enqueue_dma source(%dma_start3A_71 : memref<10000xi32, #tpu.memory_space<hbm>>) target(%arg5 : memref<10000xi32, #tpu.memory_space<vmem>>) target_semaphore(%run_scoped3A : memref<!tpu.dma_semaphore, #tpu.memory_space<semaphore_mem>>)
      %dma_wait3A = tpu.memref_slice %arg3[%mul3A_2] : memref<320000xi32, #tpu.memory_space<hbm>> -> memref<10000xi32, #tpu.memory_space<hbm>>
      %dma_wait3A_72 = tpu.memref_slice %arg3[%mul3A_2] : memref<320000xi32, #tpu.memory_space<hbm>> -> memref<10000xi32, #tpu.memory_space<hbm>>
      tpu.wait_dma2 semaphore(%run_scoped3A : memref<!tpu.dma_semaphore, #tpu.memory_space<semaphore_mem>>) src(%dma_wait3A_72 : memref<10000xi32, #tpu.memory_space<hbm>>) dst(%arg5 : memref<10000xi32, #tpu.memory_space<vmem>>)
      tpu.yield
    }) : () -> ()
    %scan3A = arith.constant 0 : i32
    %scan3A_3 = arith.constant 0 : i32
    %scan3A_4 = arith.constant 48 : i32
    %scan3A_5 = arith.addi %scan3A_3, %scan3A_4 : i32
    %scan3A_6 = arith.constant 1 : i32
    scf.for %scan3A_70 = %scan3A_3 to %scan3A_5 step %scan3A_6  : i32 {
      %scan3A_71 = arith.constant 0 : i32
      %scan3A_72 = arith.constant 8 : i32
      %scan3A_73 = arith.addi %scan3A_71, %scan3A_72 : i32
      %scan3A_74 = arith.constant 1 : i32
      scf.for %scan3A_76 = %scan3A_71 to %scan3A_73 step %scan3A_74  : i32 {
        %broadcast_in_dim3A = arith.constant 0.000000e+00 : f32
        %broadcast_in_dim3A_77 = vector.broadcast %broadcast_in_dim3A : f32 to vector<16xf32>
        %mul3A_78 = arith.constant 16 : i32
        %mul3A_79 = arith.muli %scan3A_76, %mul3A_78 : i32
        %swap3A = arith.index_cast %scan3A_70 : i32 to index
        %swap3A_80 = arith.index_cast %mul3A_79 : i32 to index
        %swap3A_81 = tpu.vector_load %arg8[%swap3A, %swap3A_80] {strides = array<i32>} : memref<48x128xf32, #tpu.memory_space<vmem>>, vector<1x16xf32>,
        %swap3A_82 = vector.shape_cast %swap3A_81 : vector<1x16xf32> to vector<16xf32>
        %swap3A_83 = vector.shape_cast %broadcast_in_dim3A_77 : vector<16xf32> to vector<1x16xf32>
        tpu.vector_store %arg8[%swap3A, %swap3A_80], %swap3A_83 {strides = array<i32>} : memref<48x128xf32, #tpu.memory_space<vmem>>, vector<1x16xf32>,
      }
      %scan3A_75 = arith.constant 8 : i32
    }
    %scan3A_7 = arith.constant 48 : i32
    %scan3A_8 = arith.constant 0 : i32
    %scan3A_9 = arith.constant 0 : i32
    %scan3A_10 = arith.constant 13 : i32
    %scan3A_11 = arith.addi %scan3A_9, %scan3A_10 : i32
    %scan3A_12 = arith.constant 1 : i32
    scf.for %scan3A_70 = %scan3A_9 to %scan3A_11 step %scan3A_12  : i32 {
      %mul3A_71 = arith.constant 624 : i32
      %mul3A_72 = arith.muli %arg1, %mul3A_71 : i32
      %mul3A_73 = arith.constant 48 : i32
      %mul3A_74 = arith.muli %scan3A_70, %mul3A_73 : i32
      %add3A_75 = arith.addi %mul3A_72, %mul3A_74 : i32
      "tpu.region"() ({
        %run_scoped3A = tpu.sem_alloc : memref<!tpu.dma_semaphore, #tpu.memory_space<semaphore_mem>>
        %dma_start3A_76 = arith.constant 0 : i32
        %dma_start3A_77 = tpu.memref_slice %arg9[%add3A_75, %dma_start3A_76] : memref<10000x128xf32, #tpu.memory_space<vmem_shared>> -> memref<48x128xf32, #tpu.memory_space<vmem_shared>>
        %dma_start3A_78 = arith.constant 0 : i32
        %dma_start3A_79 = tpu.memref_slice %arg9[%add3A_75, %dma_start3A_78] : memref<10000x128xf32, #tpu.memory_space<vmem_shared>> -> memref<48x128xf32, #tpu.memory_space<vmem_shared>>
        tpu.enqueue_dma source(%arg8 : memref<48x128xf32, #tpu.memory_space<vmem>>) target(%dma_start3A_79 : memref<48x128xf32, #tpu.memory_space<vmem_shared>>) target_semaphore(%run_scoped3A : memref<!tpu.dma_semaphore, #tpu.memory_space<semaphore_mem>>)
        %dma_wait3A = arith.constant 0 : i32
        %dma_wait3A_80 = tpu.memref_slice %arg9[%add3A_75, %dma_wait3A] : memref<10000x128xf32, #tpu.memory_space<vmem_shared>> -> memref<48x128xf32, #tpu.memory_space<vmem_shared>>
        %dma_wait3A_81 = arith.constant 0 : i32
        %dma_wait3A_82 = tpu.memref_slice %arg9[%add3A_75, %dma_wait3A_81] : memref<10000x128xf32, #tpu.memory_space<vmem_shared>> -> memref<48x128xf32, #tpu.memory_space<vmem_shared>>
        tpu.wait_dma2 semaphore(%run_scoped3A : memref<!tpu.dma_semaphore, #tpu.memory_space<semaphore_mem>>) src(%arg8 : memref<48x128xf32, #tpu.memory_space<vmem>>) dst(%dma_wait3A_82 : memref<48x128xf32, #tpu.memory_space<vmem_shared>>)
        tpu.yield
      }) : () -> ()
    }
    %scan3A_13 = arith.constant 13 : i32
    %eq3A = arith.constant 15 : i32
    %eq3A_14 = arith.cmpi eq, %arg1, %eq3A : i32
    %convert_element_type3A = arith.extui %eq3A_14 : i1 to i32
    %cond3A = arith.constant 0 : i32
    %cond3A_15 = arith.cmpi ne, %convert_element_type3A, %cond3A : i32
    scf.if %cond3A_15 {
      "tpu.region"() ({
        %run_scoped3A = tpu.sem_alloc : memref<!tpu.dma_semaphore, #tpu.memory_space<semaphore_mem>>
        %dma_start3A_70 = arith.constant 0 : i32
        %dma_start3A_71 = arith.constant 0 : i32
        %dma_start3A_72 = tpu.memref_slice %arg8[%dma_start3A_70, %dma_start3A_71] : memref<48x128xf32, #tpu.memory_space<vmem>> -> memref<16x128xf32, #tpu.memory_space<vmem>>
        %dma_start3A_73 = arith.constant 9984 : i32
        %dma_start3A_74 = arith.constant 0 : i32
        %dma_start3A_75 = tpu.memref_slice %arg9[%dma_start3A_73, %dma_start3A_74] : memref<10000x128xf32, #tpu.memory_space<vmem_shared>> -> memref<16x128xf32, #tpu.memory_space<vmem_shared>>
        %dma_start3A_76 = arith.constant 9984 : i32
        %dma_start3A_77 = arith.constant 0 : i32
        %dma_start3A_78 = tpu.memref_slice %arg9[%dma_start3A_76, %dma_start3A_77] : memref<10000x128xf32, #tpu.memory_space<vmem_shared>> -> memref<16x128xf32, #tpu.memory_space<vmem_shared>>
        %dma_start3A_79 = arith.constant 0 : i32
        %dma_start3A_80 = arith.constant 0 : i32
        %dma_start3A_81 = tpu.memref_slice %arg8[%dma_start3A_79, %dma_start3A_80] : memref<48x128xf32, #tpu.memory_space<vmem>> -> memref<16x128xf32, #tpu.memory_space<vmem>>
        tpu.enqueue_dma source(%dma_start3A_81 : memref<16x128xf32, #tpu.memory_space<vmem>>) target(%dma_start3A_78 : memref<16x128xf32, #tpu.memory_space<vmem_shared>>) target_semaphore(%run_scoped3A : memref<!tpu.dma_semaphore, #tpu.memory_space<semaphore_mem>>)
        %dma_wait3A = arith.constant 0 : i32
        %dma_wait3A_82 = arith.constant 0 : i32
        %dma_wait3A_83 = tpu.memref_slice %arg8[%dma_wait3A, %dma_wait3A_82] : memref<48x128xf32, #tpu.memory_space<vmem>> -> memref<16x128xf32, #tpu.memory_space<vmem>>
        %dma_wait3A_84 = arith.constant 9984 : i32
        %dma_wait3A_85 = arith.constant 0 : i32
        %dma_wait3A_86 = tpu.memref_slice %arg9[%dma_wait3A_84, %dma_wait3A_85] : memref<10000x128xf32, #tpu.memory_space<vmem_shared>> -> memref<16x128xf32, #tpu.memory_space<vmem_shared>>
        %dma_wait3A_87 = arith.constant 9984 : i32
        %dma_wait3A_88 = arith.constant 0 : i32
        %dma_wait3A_89 = tpu.memref_slice %arg9[%dma_wait3A_87, %dma_wait3A_88] : memref<10000x128xf32, #tpu.memory_space<vmem_shared>> -> memref<16x128xf32, #tpu.memory_space<vmem_shared>>
        %dma_wait3A_90 = arith.constant 0 : i32
        %dma_wait3A_91 = arith.constant 0 : i32
        %dma_wait3A_92 = tpu.memref_slice %arg8[%dma_wait3A_90, %dma_wait3A_91] : memref<48x128xf32, #tpu.memory_space<vmem>> -> memref<16x128xf32, #tpu.memory_space<vmem>>
        tpu.wait_dma2 semaphore(%run_scoped3A : memref<!tpu.dma_semaphore, #tpu.memory_space<semaphore_mem>>) src(%dma_wait3A_92 : memref<16x128xf32, #tpu.memory_space<vmem>>) dst(%dma_wait3A_89 : memref<16x128xf32, #tpu.memory_space<vmem_shared>>)
        tpu.yield
      }) : () -> ()
    } else {
    }
    %barrier3A = arith.constant 0 : index
    tpu.barrier barrier_id(%barrier3A)
    %add3A_16 = arith.constant 0 : i32
    %add3A_17 = arith.addi %mul3A_2, %add3A_16 : i32
    %dma_start3A = arith.constant 0 : i32
    %dma_start3A_18 = arith.constant 0 : i32
    %dma_start3A_19 = arith.constant 0 : i32
    %dma_start3A_20 = arith.constant 0 : i32
    %dma_start3A_21 = tpu.memref_slice %arg7[%dma_start3A, %dma_start3A_19, %dma_start3A_20] : memref<3x80x128xf32, #tpu.memory_space<vmem>> -> memref<1x80x128xf32, #tpu.memory_space<vmem>>
    %dma_start3A_22 = tpu.memref_squeeze %dma_start3A_21 : memref<1x80x128xf32, #tpu.memory_space<vmem>> -> memref<80x128xf32, #tpu.memory_space<vmem>>
    %dma_start3A_23 = arith.constant 0 : i32
    %dma_start3A_24 = tpu.memref_slice %arg2[%add3A_17, %dma_start3A_23] : memref<320000x128xf32, #tpu.memory_space<hbm>> -> memref<80x128xf32, #tpu.memory_space<hbm>>
    %dma_start3A_25 = tpu.memref_slice %arg10[%dma_start3A_18] : memref<3x!tpu.dma_semaphore, #tpu.memory_space<semaphore_mem>> -> memref<1x!tpu.dma_semaphore, #tpu.memory_space<semaphore_mem>>
    %dma_start3A_26 = tpu.memref_squeeze %dma_start3A_25 : memref<1x!tpu.dma_semaphore, #tpu.memory_space<semaphore_mem>> -> memref<!tpu.dma_semaphore, #tpu.memory_space<semaphore_mem>>
    %dma_start3A_27 = arith.constant 0 : i32
    %dma_start3A_28 = arith.constant 0 : i32
    %dma_start3A_29 = tpu.memref_slice %arg7[%dma_start3A, %dma_start3A_27, %dma_start3A_28] : memref<3x80x128xf32, #tpu.memory_space<vmem>> -> memref<1x80x128xf32, #tpu.memory_space<vmem>>
    %dma_start3A_30 = tpu.memref_squeeze %dma_start3A_29 : memref<1x80x128xf32, #tpu.memory_space<vmem>> -> memref<80x128xf32, #tpu.memory_space<vmem>>
    %dma_start3A_31 = arith.constant 0 : i32
    %dma_start3A_32 = tpu.memref_slice %arg2[%add3A_17, %dma_start3A_31] : memref<320000x128xf32, #tpu.memory_space<hbm>> -> memref<80x128xf32, #tpu.memory_space<hbm>>
    tpu.enqueue_dma source(%dma_start3A_32 : memref<80x128xf32, #tpu.memory_space<hbm>>) target(%dma_start3A_30 : memref<80x128xf32, #tpu.memory_space<vmem>>) target_semaphore(%dma_start3A_26 : memref<!tpu.dma_semaphore, #tpu.memory_space<semaphore_mem>>)
    %add3A_33 = arith.constant 80 : i32
    %add3A_34 = arith.addi %mul3A_2, %add3A_33 : i32
    %dma_start3A_35 = arith.constant 1 : i32
    %dma_start3A_36 = arith.constant 1 : i32
    %dma_start3A_37 = arith.constant 0 : i32
    %dma_start3A_38 = arith.constant 0 : i32
    %dma_start3A_39 = tpu.memref_slice %arg7[%dma_start3A_35, %dma_start3A_37, %dma_start3A_38] : memref<3x80x128xf32, #tpu.memory_space<vmem>> -> memref<1x80x128xf32, #tpu.memory_space<vmem>>
    %dma_start3A_40 = tpu.memref_squeeze %dma_start3A_39 : memref<1x80x128xf32, #tpu.memory_space<vmem>> -> memref<80x128xf32, #tpu.memory_space<vmem>>
    %dma_start3A_41 = arith.constant 0 : i32
    %dma_start3A_42 = tpu.memref_slice %arg2[%add3A_34, %dma_start3A_41] : memref<320000x128xf32, #tpu.memory_space<hbm>> -> memref<80x128xf32, #tpu.memory_space<hbm>>
    %dma_start3A_43 = tpu.memref_slice %arg10[%dma_start3A_36] : memref<3x!tpu.dma_semaphore, #tpu.memory_space<semaphore_mem>> -> memref<1x!tpu.dma_semaphore, #tpu.memory_space<semaphore_mem>>
    %dma_start3A_44 = tpu.memref_squeeze %dma_start3A_43 : memref<1x!tpu.dma_semaphore, #tpu.memory_space<semaphore_mem>> -> memref<!tpu.dma_semaphore, #tpu.memory_space<semaphore_mem>>
    %dma_start3A_45 = arith.constant 0 : i32
    %dma_start3A_46 = arith.constant 0 : i32
    %dma_start3A_47 = tpu.memref_slice %arg7[%dma_start3A_35, %dma_start3A_45, %dma_start3A_46] : memref<3x80x128xf32, #tpu.memory_space<vmem>> -> memref<1x80x128xf32, #tpu.memory_space<vmem>>
    %dma_start3A_48 = tpu.memref_squeeze %dma_start3A_47 : memref<1x80x128xf32, #tpu.memory_space<vmem>> -> memref<80x128xf32, #tpu.memory_space<vmem>>
    %dma_start3A_49 = arith.constant 0 : i32
    %dma_start3A_50 = tpu.memref_slice %arg2[%add3A_34, %dma_start3A_49] : memref<320000x128xf32, #tpu.memory_space<hbm>> -> memref<80x128xf32, #tpu.memory_space<hbm>>
    tpu.enqueue_dma source(%dma_start3A_50 : memref<80x128xf32, #tpu.memory_space<hbm>>) target(%dma_start3A_48 : memref<80x128xf32, #tpu.memory_space<vmem>>) target_semaphore(%dma_start3A_44 : memref<!tpu.dma_semaphore, #tpu.memory_space<semaphore_mem>>)
    %scan3A_51 = arith.constant 0 : i32
    %scan3A_52 = arith.constant 0 : i32
    %scan3A_53 = arith.constant 125 : i32
    %scan3A_54 = arith.addi %scan3A_52, %scan3A_53 : i32
    %scan3A_55 = arith.constant 1 : i32
    scf.for %scan3A_70 = %scan3A_52 to %scan3A_54 step %scan3A_55  : i32 {
      %rem3A = arith.constant 3 : i32
      %rem3A_71 = arith.remsi %scan3A_70, %rem3A : i32
      %add3A_72 = arith.constant 2 : i32
      %add3A_73 = arith.addi %scan3A_70, %add3A_72 : i32
      %lt3A = arith.constant 125 : i32
      %lt3A_74 = arith.cmpi slt, %add3A_73, %lt3A : i32
      %convert_element_type3A_75 = arith.extui %lt3A_74 : i1 to i32
      %cond3A_76 = arith.constant 0 : i32
      %cond3A_77 = arith.cmpi ne, %convert_element_type3A_75, %cond3A_76 : i32
      scf.if %cond3A_77 {
        %add3A_100 = arith.constant 2 : i32
        %add3A_101 = arith.addi %scan3A_70, %add3A_100 : i32
        %add3A_102 = arith.constant 2 : i32
        %add3A_103 = arith.addi %scan3A_70, %add3A_102 : i32
        %rem3A_104 = arith.constant 3 : i32
        %rem3A_105 = arith.remsi %add3A_103, %rem3A_104 : i32
        %mul3A_106 = arith.constant 80 : i32
        %mul3A_107 = arith.muli %add3A_101, %mul3A_106 : i32
        %add3A_108 = arith.addi %mul3A_2, %mul3A_107 : i32
        %dma_start3A_109 = arith.constant 0 : i32
        %dma_start3A_110 = arith.constant 0 : i32
        %dma_start3A_111 = tpu.memref_slice %arg7[%rem3A_105, %dma_start3A_109, %dma_start3A_110] : memref<3x80x128xf32, #tpu.memory_space<vmem>> -> memref<1x80x128xf32, #tpu.memory_space<vmem>>
        %dma_start3A_112 = tpu.memref_squeeze %dma_start3A_111 : memref<1x80x128xf32, #tpu.memory_space<vmem>> -> memref<80x128xf32, #tpu.memory_space<vmem>>
        %dma_start3A_113 = arith.constant 0 : i32
        %dma_start3A_114 = tpu.memref_slice %arg2[%add3A_108, %dma_start3A_113] : memref<320000x128xf32, #tpu.memory_space<hbm>> -> memref<80x128xf32, #tpu.memory_space<hbm>>
        %dma_start3A_115 = tpu.memref_slice %arg10[%rem3A_105] : memref<3x!tpu.dma_semaphore, #tpu.memory_space<semaphore_mem>> -> memref<1x!tpu.dma_semaphore, #tpu.memory_space<semaphore_mem>>
        %dma_start3A_116 = tpu.memref_squeeze %dma_start3A_115 : memref<1x!tpu.dma_semaphore, #tpu.memory_space<semaphore_mem>> -> memref<!tpu.dma_semaphore, #tpu.memory_space<semaphore_mem>>
        %dma_start3A_117 = arith.constant 0 : i32
        %dma_start3A_118 = arith.constant 0 : i32
        %dma_start3A_119 = tpu.memref_slice %arg7[%rem3A_105, %dma_start3A_117, %dma_start3A_118] : memref<3x80x128xf32, #tpu.memory_space<vmem>> -> memref<1x80x128xf32, #tpu.memory_space<vmem>>
        %dma_start3A_120 = tpu.memref_squeeze %dma_start3A_119 : memref<1x80x128xf32, #tpu.memory_space<vmem>> -> memref<80x128xf32, #tpu.memory_space<vmem>>
        %dma_start3A_121 = arith.constant 0 : i32
        %dma_start3A_122 = tpu.memref_slice %arg2[%add3A_108, %dma_start3A_121] : memref<320000x128xf32, #tpu.memory_space<hbm>> -> memref<80x128xf32, #tpu.memory_space<hbm>>
        tpu.enqueue_dma source(%dma_start3A_122 : memref<80x128xf32, #tpu.memory_space<hbm>>) target(%dma_start3A_120 : memref<80x128xf32, #tpu.memory_space<vmem>>) target_semaphore(%dma_start3A_116 : memref<!tpu.dma_semaphore, #tpu.memory_space<semaphore_mem>>)
      } else {
      }
      %scan3A_78 = arith.constant 0 : i32
      %scan3A_79 = arith.constant 0 : i32
      %scan3A_80 = arith.constant 5 : i32
      %scan3A_81 = arith.addi %scan3A_79, %scan3A_80 : i32
      %scan3A_82 = arith.constant 1 : i32
      scf.for %scan3A_100 = %scan3A_79 to %scan3A_81 step %scan3A_82  : i32 {
        %mul3A_101 = arith.constant 16 : i32
        %mul3A_102 = arith.muli %scan3A_100, %mul3A_101 : i32
        %mul3A_103 = arith.constant 80 : i32
        %mul3A_104 = arith.muli %scan3A_70, %mul3A_103 : i32
        %mul3A_105 = arith.constant 16 : i32
        %mul3A_106 = arith.muli %scan3A_100, %mul3A_105 : i32
        %add3A_107 = arith.addi %mul3A_104, %mul3A_106 : i32
        %get3A = arith.index_cast %add3A_107 : i32 to index
        %get3A_108 = tpu.vector_load %arg5[%get3A] {strides = array<i32>} : memref<10000xi32, #tpu.memory_space<vmem>>, vector<16xi32>,
        %get3A_109 = vector.shape_cast %get3A_108 : vector<16xi32> to vector<16xi32>
        %swap3A = arith.index_cast %mul3A_102 : i32 to index
        %swap3A_110 = tpu.vector_load %arg6[%swap3A] {strides = array<i32>} : memref<80xi32, #tpu.memory_space<vmem>>, vector<16xi32>,
        %swap3A_111 = vector.shape_cast %swap3A_110 : vector<16xi32> to vector<16xi32>
        %swap3A_112 = vector.shape_cast %get3A_109 : vector<16xi32> to vector<16xi32>
        tpu.vector_store %arg6[%swap3A], %swap3A_112 {strides = array<i32>} : memref<80xi32, #tpu.memory_space<vmem>>, vector<16xi32>,
      }
      %scan3A_83 = arith.constant 5 : i32
      %mul3A_84 = arith.constant 80 : i32
      %mul3A_85 = arith.muli %scan3A_70, %mul3A_84 : i32
      %add3A_86 = arith.addi %mul3A_2, %mul3A_85 : i32
      %dma_wait3A = arith.constant 0 : i32
      %dma_wait3A_87 = arith.constant 0 : i32
      %dma_wait3A_88 = tpu.memref_slice %arg7[%rem3A_71, %dma_wait3A, %dma_wait3A_87] : memref<3x80x128xf32, #tpu.memory_space<vmem>> -> memref<1x80x128xf32, #tpu.memory_space<vmem>>
      %dma_wait3A_89 = tpu.memref_squeeze %dma_wait3A_88 : memref<1x80x128xf32, #tpu.memory_space<vmem>> -> memref<80x128xf32, #tpu.memory_space<vmem>>
      %dma_wait3A_90 = arith.constant 0 : i32
      %dma_wait3A_91 = tpu.memref_slice %arg2[%add3A_86, %dma_wait3A_90] : memref<320000x128xf32, #tpu.memory_space<hbm>> -> memref<80x128xf32, #tpu.memory_space<hbm>>
      %dma_wait3A_92 = tpu.memref_slice %arg10[%rem3A_71] : memref<3x!tpu.dma_semaphore, #tpu.memory_space<semaphore_mem>> -> memref<1x!tpu.dma_semaphore, #tpu.memory_space<semaphore_mem>>
      %dma_wait3A_93 = tpu.memref_squeeze %dma_wait3A_92 : memref<1x!tpu.dma_semaphore, #tpu.memory_space<semaphore_mem>> -> memref<!tpu.dma_semaphore, #tpu.memory_space<semaphore_mem>>
      %dma_wait3A_94 = arith.constant 0 : i32
      %dma_wait3A_95 = arith.constant 0 : i32
      %dma_wait3A_96 = tpu.memref_slice %arg7[%rem3A_71, %dma_wait3A_94, %dma_wait3A_95] : memref<3x80x128xf32, #tpu.memory_space<vmem>> -> memref<1x80x128xf32, #tpu.memory_space<vmem>>
      %dma_wait3A_97 = tpu.memref_squeeze %dma_wait3A_96 : memref<1x80x128xf32, #tpu.memory_space<vmem>> -> memref<80x128xf32, #tpu.memory_space<vmem>>
      %dma_wait3A_98 = arith.constant 0 : i32
      %dma_wait3A_99 = tpu.memref_slice %arg2[%add3A_86, %dma_wait3A_98] : memref<320000x128xf32, #tpu.memory_space<hbm>> -> memref<80x128xf32, #tpu.memory_space<hbm>>
      tpu.wait_dma2 semaphore(%dma_wait3A_93 : memref<!tpu.dma_semaphore, #tpu.memory_space<semaphore_mem>>) src(%dma_wait3A_99 : memref<80x128xf32, #tpu.memory_space<hbm>>) dst(%dma_wait3A_97 : memref<80x128xf32, #tpu.memory_space<vmem>>)
      "tpu.region"() ({
        %run_scoped3A = tpu.sem_alloc : memref<!tpu.dma_semaphore, #tpu.memory_space<semaphore_mem>>
        %dma_start3A_100 = arith.constant 0 : i32
        %dma_start3A_101 = arith.constant 0 : i32
        %dma_start3A_102 = tpu.memref_slice %arg7[%rem3A_71, %dma_start3A_100, %dma_start3A_101] : memref<3x80x128xf32, #tpu.memory_space<vmem>> -> memref<1x80x128xf32, #tpu.memory_space<vmem>>
        %dma_start3A_103 = tpu.memref_squeeze %dma_start3A_102 : memref<1x80x128xf32, #tpu.memory_space<vmem>> -> memref<80x128xf32, #tpu.memory_space<vmem>>
        %dma_start3A_104 = arith.constant 0 : i32
        %dma_start3A_105 = arith.constant 0 : i32
        %dma_start3A_106 = tpu.memref_slice %arg9[%dma_start3A_104, %dma_start3A_105] : memref<10000x128xf32, #tpu.memory_space<vmem_shared>> -> memref<10000x128xf32, #tpu.memory_space<vmem_shared>>
        tpu.enqueue_indirect_dma source(%dma_start3A_103 : memref<80x128xf32, #tpu.memory_space<vmem>>) target(%dma_start3A_106 : memref<10000x128xf32, #tpu.memory_space<vmem_shared>>) offsets(%arg6 : memref<80xi32, #tpu.memory_space<vmem>>) semaphore(%run_scoped3A : memref<!tpu.dma_semaphore, #tpu.memory_space<semaphore_mem>>) {add = true}
        %dma_wait3A_107 = arith.constant 0 : i32
        %dma_wait3A_108 = arith.constant 0 : i32
        %dma_wait3A_109 = tpu.memref_slice %arg7[%rem3A_71, %dma_wait3A_107, %dma_wait3A_108] : memref<3x80x128xf32, #tpu.memory_space<vmem>> -> memref<1x80x128xf32, #tpu.memory_space<vmem>>
        %dma_wait3A_110 = tpu.memref_squeeze %dma_wait3A_109 : memref<1x80x128xf32, #tpu.memory_space<vmem>> -> memref<80x128xf32, #tpu.memory_space<vmem>>
        %dma_wait3A_111 = arith.constant 0 : i32
        %dma_wait3A_112 = arith.constant 0 : i32
        %dma_wait3A_113 = tpu.memref_slice %arg9[%dma_wait3A_111, %dma_wait3A_112] : memref<10000x128xf32, #tpu.memory_space<vmem_shared>> -> memref<10000x128xf32, #tpu.memory_space<vmem_shared>>
        tpu.wait_indirect_dma semaphore(%run_scoped3A : memref<!tpu.dma_semaphore, #tpu.memory_space<semaphore_mem>>) src(%dma_wait3A_110 : memref<80x128xf32, #tpu.memory_space<vmem>>) dst(%dma_wait3A_113 : memref<10000x128xf32, #tpu.memory_space<vmem_shared>>)
        tpu.yield
      }) : () -> ()
    }
    %scan3A_56 = arith.constant 125 : i32
    %barrier3A_57 = arith.constant 0 : index
    tpu.barrier barrier_id(%barrier3A_57)
    %mul3A_58 = arith.constant 624 : i32
    %mul3A_59 = arith.muli %arg1, %mul3A_58 : i32
    %mul3A_60 = arith.constant 10000 : i32
    %mul3A_61 = arith.muli %arg0, %mul3A_60 : i32
    %mul3A_62 = arith.constant 624 : i32
    %mul3A_63 = arith.muli %arg1, %mul3A_62 : i32
    %add3A_64 = arith.addi %mul3A_61, %mul3A_63 : i32
    "tpu.region"() ({
      %run_scoped3A = tpu.sem_alloc : memref<!tpu.dma_semaphore, #tpu.memory_space<semaphore_mem>>
      %dma_start3A_70 = arith.constant 0 : i32
      %dma_start3A_71 = tpu.memref_slice %arg4[%add3A_64, %dma_start3A_70] : memref<20000x128xf32, #tpu.memory_space<hbm>> -> memref<624x128xf32, #tpu.memory_space<hbm>>
      %dma_start3A_72 = arith.constant 0 : i32
      %dma_start3A_73 = tpu.memref_slice %arg9[%mul3A_59, %dma_start3A_72] : memref<10000x128xf32, #tpu.memory_space<vmem_shared>> -> memref<624x128xf32, #tpu.memory_space<vmem_shared>>
      tpu.enqueue_dma source(%dma_start3A_73 : memref<624x128xf32, #tpu.memory_space<vmem_shared>>) target(%dma_start3A_71 : memref<624x128xf32, #tpu.memory_space<hbm>>) target_semaphore(%run_scoped3A : memref<!tpu.dma_semaphore, #tpu.memory_space<semaphore_mem>>)
      %dma_wait3A = arith.constant 0 : i32
      %dma_wait3A_74 = tpu.memref_slice %arg4[%add3A_64, %dma_wait3A] : memref<20000x128xf32, #tpu.memory_space<hbm>> -> memref<624x128xf32, #tpu.memory_space<hbm>>
      %dma_wait3A_75 = arith.constant 0 : i32
      %dma_wait3A_76 = tpu.memref_slice %arg9[%mul3A_59, %dma_wait3A_75] : memref<10000x128xf32, #tpu.memory_space<vmem_shared>> -> memref<624x128xf32, #tpu.memory_space<vmem_shared>>
      tpu.wait_dma2 semaphore(%run_scoped3A : memref<!tpu.dma_semaphore, #tpu.memory_space<semaphore_mem>>) src(%dma_wait3A_76 : memref<624x128xf32, #tpu.memory_space<vmem_shared>>) dst(%dma_wait3A_74 : memref<624x128xf32, #tpu.memory_space<hbm>>)
      tpu.yield
    }) : () -> ()
    %eq3A_65 = arith.constant 15 : i32
    %eq3A_66 = arith.cmpi eq, %arg1, %eq3A_65 : i32
    %convert_element_type3A_67 = arith.extui %eq3A_66 : i1 to i32
    %cond3A_68 = arith.constant 0 : i32
    %cond3A_69 = arith.cmpi ne, %convert_element_type3A_67, %cond3A_68 : i32
    scf.if %cond3A_69 {
      %mul3A_70 = arith.constant 10000 : i32
      %mul3A_71 = arith.muli %arg0, %mul3A_70 : i32
      %add3A_72 = arith.constant 9984 : i32
      %add3A_73 = arith.addi %mul3A_71, %add3A_72 : i32
      "tpu.region"() ({
        %run_scoped3A = tpu.sem_alloc : memref<!tpu.dma_semaphore, #tpu.memory_space<semaphore_mem>>
        %dma_start3A_74 = arith.constant 0 : i32
        %dma_start3A_75 = tpu.memref_slice %arg4[%add3A_73, %dma_start3A_74] : memref<20000x128xf32, #tpu.memory_space<hbm>> -> memref<16x128xf32, #tpu.memory_space<hbm>>
        %dma_start3A_76 = arith.constant 9984 : i32
        %dma_start3A_77 = arith.constant 0 : i32
        %dma_start3A_78 = tpu.memref_slice %arg9[%dma_start3A_76, %dma_start3A_77] : memref<10000x128xf32, #tpu.memory_space<vmem_shared>> -> memref<16x128xf32, #tpu.memory_space<vmem_shared>>
        tpu.enqueue_dma source(%dma_start3A_78 : memref<16x128xf32, #tpu.memory_space<vmem_shared>>) target(%dma_start3A_75 : memref<16x128xf32, #tpu.memory_space<hbm>>) target_semaphore(%run_scoped3A : memref<!tpu.dma_semaphore, #tpu.memory_space<semaphore_mem>>)
        %dma_wait3A = arith.constant 0 : i32
        %dma_wait3A_79 = tpu.memref_slice %arg4[%add3A_73, %dma_wait3A] : memref<20000x128xf32, #tpu.memory_space<hbm>> -> memref<16x128xf32, #tpu.memory_space<hbm>>
        %dma_wait3A_80 = arith.constant 9984 : i32
        %dma_wait3A_81 = arith.constant 0 : i32
        %dma_wait3A_82 = tpu.memref_slice %arg9[%dma_wait3A_80, %dma_wait3A_81] : memref<10000x128xf32, #tpu.memory_space<vmem_shared>> -> memref<16x128xf32, #tpu.memory_space<vmem_shared>>
        tpu.wait_dma2 semaphore(%run_scoped3A : memref<!tpu.dma_semaphore, #tpu.memory_space<semaphore_mem>>) src(%dma_wait3A_82 : memref<16x128xf32, #tpu.memory_space<vmem_shared>>) dst(%dma_wait3A_79 : memref<16x128xf32, #tpu.memory_space<hbm>>)
        tpu.yield
      }) : () -> ()
    } else {
    }
    return
  }
}

#map = affine_map<(d0, d1) -> (0, 0)>
#map1 = affine_map<(d0, d1) -> (0)>
module attributes {stable_mosaic.version = 14 : i64} {
  func.func @k(%arg0: i32, %arg1: i32, %arg2: memref<10000x128xf32, #tpu.memory_space<hbm>>, %arg3: memref<10000x128xf32, #tpu.memory_space<hbm>>, %arg4: memref<320000xi32, #tpu.memory_space<hbm>>, %arg5: memref<320000xi32, #tpu.memory_space<hbm>>, %arg6: memref<320000x64xf32, #tpu.memory_space<hbm>>, %arg7: memref<10000xi32, #tpu.memory_space<vmem>>, %arg8: memref<10000xi32, #tpu.memory_space<vmem>>, %arg9: memref<3x80x128xf32, #tpu.memory_space<vmem>>, %arg10: memref<3x80x128xf32, #tpu.memory_space<vmem>>, %arg11: memref<3x80x64xf32, #tpu.memory_space<vmem>>, %arg12: memref<3x!tpu.dma_semaphore, #tpu.memory_space<semaphore_mem>>, %arg13: memref<3x!tpu.dma_semaphore, #tpu.memory_space<semaphore_mem>>, %arg14: memref<3x!tpu.dma_semaphore, #tpu.memory_space<semaphore_mem>>) attributes {dimension_semantics = [#tpu.dimension_semantics<core_parallel>, #tpu.dimension_semantics<subcore_parallel>], iteration_bounds = array<i64: 2, 16>, scalar_prefetch = 0 : i64, scratch_operands = 8 : i64, tpu.core_type = #tpu.core_type<sc_vector_subcore>, window_params = [{transform_indices = #map}, {transform_indices = #map}, {transform_indices = #map1}, {transform_indices = #map1}, {transform_indices = #map}]} {
    %mul3A = arith.constant 2 : i32
    %mul3A_0 = arith.muli %arg1, %mul3A : i32
    %add3A = arith.addi %mul3A_0, %arg0 : i32
    %mul3A_1 = arith.constant 10000 : i32
    %mul3A_2 = arith.muli %add3A, %mul3A_1 : i32
    "tpu.region"() ({
      %run_scoped3A = tpu.sem_alloc : memref<!tpu.dma_semaphore, #tpu.memory_space<semaphore_mem>>
      %dma_start3A_112 = tpu.memref_slice %arg4[%mul3A_2] : memref<320000xi32, #tpu.memory_space<hbm>> -> memref<10000xi32, #tpu.memory_space<hbm>>
      %dma_start3A_113 = tpu.memref_slice %arg4[%mul3A_2] : memref<320000xi32, #tpu.memory_space<hbm>> -> memref<10000xi32, #tpu.memory_space<hbm>>
      tpu.enqueue_dma source(%dma_start3A_113 : memref<10000xi32, #tpu.memory_space<hbm>>) target(%arg7 : memref<10000xi32, #tpu.memory_space<vmem>>) target_semaphore(%run_scoped3A : memref<!tpu.dma_semaphore, #tpu.memory_space<semaphore_mem>>)
      %dma_wait3A_114 = tpu.memref_slice %arg4[%mul3A_2] : memref<320000xi32, #tpu.memory_space<hbm>> -> memref<10000xi32, #tpu.memory_space<hbm>>
      %dma_wait3A_115 = tpu.memref_slice %arg4[%mul3A_2] : memref<320000xi32, #tpu.memory_space<hbm>> -> memref<10000xi32, #tpu.memory_space<hbm>>
      tpu.wait_dma2 semaphore(%run_scoped3A : memref<!tpu.dma_semaphore, #tpu.memory_space<semaphore_mem>>) src(%dma_wait3A_115 : memref<10000xi32, #tpu.memory_space<hbm>>) dst(%arg7 : memref<10000xi32, #tpu.memory_space<vmem>>)
      tpu.yield
    }) : () -> ()
    "tpu.region"() ({
      %run_scoped3A = tpu.sem_alloc : memref<!tpu.dma_semaphore, #tpu.memory_space<semaphore_mem>>
      %dma_start3A_112 = tpu.memref_slice %arg5[%mul3A_2] : memref<320000xi32, #tpu.memory_space<hbm>> -> memref<10000xi32, #tpu.memory_space<hbm>>
      %dma_start3A_113 = tpu.memref_slice %arg5[%mul3A_2] : memref<320000xi32, #tpu.memory_space<hbm>> -> memref<10000xi32, #tpu.memory_space<hbm>>
      tpu.enqueue_dma source(%dma_start3A_113 : memref<10000xi32, #tpu.memory_space<hbm>>) target(%arg8 : memref<10000xi32, #tpu.memory_space<vmem>>) target_semaphore(%run_scoped3A : memref<!tpu.dma_semaphore, #tpu.memory_space<semaphore_mem>>)
      %dma_wait3A_114 = tpu.memref_slice %arg5[%mul3A_2] : memref<320000xi32, #tpu.memory_space<hbm>> -> memref<10000xi32, #tpu.memory_space<hbm>>
      %dma_wait3A_115 = tpu.memref_slice %arg5[%mul3A_2] : memref<320000xi32, #tpu.memory_space<hbm>> -> memref<10000xi32, #tpu.memory_space<hbm>>
      tpu.wait_dma2 semaphore(%run_scoped3A : memref<!tpu.dma_semaphore, #tpu.memory_space<semaphore_mem>>) src(%dma_wait3A_115 : memref<10000xi32, #tpu.memory_space<hbm>>) dst(%arg8 : memref<10000xi32, #tpu.memory_space<vmem>>)
      tpu.yield
    }) : () -> ()
    %dma_start3A = arith.constant 0 : i32
    %dma_start3A_3 = arith.constant 0 : i32
    %dma_start3A_4 = arith.constant 0 : i32
    %dma_start3A_5 = arith.constant 0 : i32
    %dma_start3A_6 = tpu.memref_slice %arg9[%dma_start3A, %dma_start3A_4, %dma_start3A_5] : memref<3x80x128xf32, #tpu.memory_space<vmem>> -> memref<1x80x128xf32, #tpu.memory_space<vmem>>
    %dma_start3A_7 = tpu.memref_squeeze %dma_start3A_6 : memref<1x80x128xf32, #tpu.memory_space<vmem>> -> memref<80x128xf32, #tpu.memory_space<vmem>>
    %dma_start3A_8 = arith.constant 0 : i32
    %dma_start3A_9 = tpu.memref_slice %arg7[%dma_start3A_8] : memref<10000xi32, #tpu.memory_space<vmem>> -> memref<80xi32, #tpu.memory_space<vmem>>
    %dma_start3A_10 = arith.constant 0 : i32
    %dma_start3A_11 = arith.constant 0 : i32
    %dma_start3A_12 = tpu.memref_slice %arg2[%dma_start3A_10, %dma_start3A_11] : memref<10000x128xf32, #tpu.memory_space<hbm>> -> memref<10000x128xf32, #tpu.memory_space<hbm>>
    %dma_start3A_13 = tpu.memref_slice %arg12[%dma_start3A_3] : memref<3x!tpu.dma_semaphore, #tpu.memory_space<semaphore_mem>> -> memref<1x!tpu.dma_semaphore, #tpu.memory_space<semaphore_mem>>
    %dma_start3A_14 = tpu.memref_squeeze %dma_start3A_13 : memref<1x!tpu.dma_semaphore, #tpu.memory_space<semaphore_mem>> -> memref<!tpu.dma_semaphore, #tpu.memory_space<semaphore_mem>>
    tpu.enqueue_indirect_dma source(%dma_start3A_12 : memref<10000x128xf32, #tpu.memory_space<hbm>>) target(%dma_start3A_7 : memref<80x128xf32, #tpu.memory_space<vmem>>) offsets(%dma_start3A_9 : memref<80xi32, #tpu.memory_space<vmem>>) semaphore(%dma_start3A_14 : memref<!tpu.dma_semaphore, #tpu.memory_space<semaphore_mem>>)
    %dma_start3A_15 = arith.constant 0 : i32
    %dma_start3A_16 = arith.constant 0 : i32
    %dma_start3A_17 = arith.constant 0 : i32
    %dma_start3A_18 = arith.constant 0 : i32
    %dma_start3A_19 = tpu.memref_slice %arg10[%dma_start3A_15, %dma_start3A_17, %dma_start3A_18] : memref<3x80x128xf32, #tpu.memory_space<vmem>> -> memref<1x80x128xf32, #tpu.memory_space<vmem>>
    %dma_start3A_20 = tpu.memref_squeeze %dma_start3A_19 : memref<1x80x128xf32, #tpu.memory_space<vmem>> -> memref<80x128xf32, #tpu.memory_space<vmem>>
    %dma_start3A_21 = arith.constant 0 : i32
    %dma_start3A_22 = tpu.memref_slice %arg8[%dma_start3A_21] : memref<10000xi32, #tpu.memory_space<vmem>> -> memref<80xi32, #tpu.memory_space<vmem>>
    %dma_start3A_23 = arith.constant 0 : i32
    %dma_start3A_24 = arith.constant 0 : i32
    %dma_start3A_25 = tpu.memref_slice %arg3[%dma_start3A_23, %dma_start3A_24] : memref<10000x128xf32, #tpu.memory_space<hbm>> -> memref<10000x128xf32, #tpu.memory_space<hbm>>
    %dma_start3A_26 = tpu.memref_slice %arg13[%dma_start3A_16] : memref<3x!tpu.dma_semaphore, #tpu.memory_space<semaphore_mem>> -> memref<1x!tpu.dma_semaphore, #tpu.memory_space<semaphore_mem>>
    %dma_start3A_27 = tpu.memref_squeeze %dma_start3A_26 : memref<1x!tpu.dma_semaphore, #tpu.memory_space<semaphore_mem>> -> memref<!tpu.dma_semaphore, #tpu.memory_space<semaphore_mem>>
    tpu.enqueue_indirect_dma source(%dma_start3A_25 : memref<10000x128xf32, #tpu.memory_space<hbm>>) target(%dma_start3A_20 : memref<80x128xf32, #tpu.memory_space<vmem>>) offsets(%dma_start3A_22 : memref<80xi32, #tpu.memory_space<vmem>>) semaphore(%dma_start3A_27 : memref<!tpu.dma_semaphore, #tpu.memory_space<semaphore_mem>>)
    %dma_start3A_28 = arith.constant 1 : i32
    %dma_start3A_29 = arith.constant 1 : i32
    %dma_start3A_30 = arith.constant 0 : i32
    %dma_start3A_31 = arith.constant 0 : i32
    %dma_start3A_32 = tpu.memref_slice %arg9[%dma_start3A_28, %dma_start3A_30, %dma_start3A_31] : memref<3x80x128xf32, #tpu.memory_space<vmem>> -> memref<1x80x128xf32, #tpu.memory_space<vmem>>
    %dma_start3A_33 = tpu.memref_squeeze %dma_start3A_32 : memref<1x80x128xf32, #tpu.memory_space<vmem>> -> memref<80x128xf32, #tpu.memory_space<vmem>>
    %dma_start3A_34 = arith.constant 80 : i32
    %dma_start3A_35 = tpu.memref_slice %arg7[%dma_start3A_34] : memref<10000xi32, #tpu.memory_space<vmem>> -> memref<80xi32, #tpu.memory_space<vmem>>
    %dma_start3A_36 = arith.constant 0 : i32
    %dma_start3A_37 = arith.constant 0 : i32
    %dma_start3A_38 = tpu.memref_slice %arg2[%dma_start3A_36, %dma_start3A_37] : memref<10000x128xf32, #tpu.memory_space<hbm>> -> memref<10000x128xf32, #tpu.memory_space<hbm>>
    %dma_start3A_39 = tpu.memref_slice %arg12[%dma_start3A_29] : memref<3x!tpu.dma_semaphore, #tpu.memory_space<semaphore_mem>> -> memref<1x!tpu.dma_semaphore, #tpu.memory_space<semaphore_mem>>
    %dma_start3A_40 = tpu.memref_squeeze %dma_start3A_39 : memref<1x!tpu.dma_semaphore, #tpu.memory_space<semaphore_mem>> -> memref<!tpu.dma_semaphore, #tpu.memory_space<semaphore_mem>>
    tpu.enqueue_indirect_dma source(%dma_start3A_38 : memref<10000x128xf32, #tpu.memory_space<hbm>>) target(%dma_start3A_33 : memref<80x128xf32, #tpu.memory_space<vmem>>) offsets(%dma_start3A_35 : memref<80xi32, #tpu.memory_space<vmem>>) semaphore(%dma_start3A_40 : memref<!tpu.dma_semaphore, #tpu.memory_space<semaphore_mem>>)
    %dma_start3A_41 = arith.constant 1 : i32
    %dma_start3A_42 = arith.constant 1 : i32
    %dma_start3A_43 = arith.constant 0 : i32
    %dma_start3A_44 = arith.constant 0 : i32
    %dma_start3A_45 = tpu.memref_slice %arg10[%dma_start3A_41, %dma_start3A_43, %dma_start3A_44] : memref<3x80x128xf32, #tpu.memory_space<vmem>> -> memref<1x80x128xf32, #tpu.memory_space<vmem>>
    %dma_start3A_46 = tpu.memref_squeeze %dma_start3A_45 : memref<1x80x128xf32, #tpu.memory_space<vmem>> -> memref<80x128xf32, #tpu.memory_space<vmem>>
    %dma_start3A_47 = arith.constant 80 : i32
    %dma_start3A_48 = tpu.memref_slice %arg8[%dma_start3A_47] : memref<10000xi32, #tpu.memory_space<vmem>> -> memref<80xi32, #tpu.memory_space<vmem>>
    %dma_start3A_49 = arith.constant 0 : i32
    %dma_start3A_50 = arith.constant 0 : i32
    %dma_start3A_51 = tpu.memref_slice %arg3[%dma_start3A_49, %dma_start3A_50] : memref<10000x128xf32, #tpu.memory_space<hbm>> -> memref<10000x128xf32, #tpu.memory_space<hbm>>
    %dma_start3A_52 = tpu.memref_slice %arg13[%dma_start3A_42] : memref<3x!tpu.dma_semaphore, #tpu.memory_space<semaphore_mem>> -> memref<1x!tpu.dma_semaphore, #tpu.memory_space<semaphore_mem>>
    %dma_start3A_53 = tpu.memref_squeeze %dma_start3A_52 : memref<1x!tpu.dma_semaphore, #tpu.memory_space<semaphore_mem>> -> memref<!tpu.dma_semaphore, #tpu.memory_space<semaphore_mem>>
    tpu.enqueue_indirect_dma source(%dma_start3A_51 : memref<10000x128xf32, #tpu.memory_space<hbm>>) target(%dma_start3A_46 : memref<80x128xf32, #tpu.memory_space<vmem>>) offsets(%dma_start3A_48 : memref<80xi32, #tpu.memory_space<vmem>>) semaphore(%dma_start3A_53 : memref<!tpu.dma_semaphore, #tpu.memory_space<semaphore_mem>>)
    %scan3A = arith.constant 0 : i32
    %scan3A_54 = arith.constant 0 : i32
    %scan3A_55 = arith.constant 125 : i32
    %scan3A_56 = arith.addi %scan3A_54, %scan3A_55 : i32
    %scan3A_57 = arith.constant 1 : i32
    scf.for %scan3A_112 = %scan3A_54 to %scan3A_56 step %scan3A_57  : i32 {
      %rem3A = arith.constant 3 : i32
      %rem3A_113 = arith.remsi %scan3A_112, %rem3A : i32
      %ge3A = arith.constant 3 : i32
      %ge3A_114 = arith.cmpi sge, %scan3A_112, %ge3A : i32
      %convert_element_type3A = arith.extui %ge3A_114 : i1 to i32
      %cond3A = arith.constant 0 : i32
      %cond3A_115 = arith.cmpi ne, %convert_element_type3A, %cond3A : i32
      scf.if %cond3A_115 {
        %sub3A = arith.constant 3 : i32
        %sub3A_177 = arith.subi %scan3A_112, %sub3A : i32
        %mul3A_178 = arith.constant 80 : i32
        %mul3A_179 = arith.muli %sub3A_177, %mul3A_178 : i32
        %add3A_180 = arith.addi %mul3A_2, %mul3A_179 : i32
        %dma_wait3A_181 = arith.constant 0 : i32
        %dma_wait3A_182 = arith.constant 0 : i32
        %dma_wait3A_183 = tpu.memref_slice %arg11[%rem3A_113, %dma_wait3A_181, %dma_wait3A_182] : memref<3x80x64xf32, #tpu.memory_space<vmem>> -> memref<1x80x64xf32, #tpu.memory_space<vmem>>
        %dma_wait3A_184 = tpu.memref_squeeze %dma_wait3A_183 : memref<1x80x64xf32, #tpu.memory_space<vmem>> -> memref<80x64xf32, #tpu.memory_space<vmem>>
        %dma_wait3A_185 = arith.constant 0 : i32
        %dma_wait3A_186 = tpu.memref_slice %arg6[%add3A_180, %dma_wait3A_185] : memref<320000x64xf32, #tpu.memory_space<hbm>> -> memref<80x64xf32, #tpu.memory_space<hbm>>
        %dma_wait3A_187 = tpu.memref_slice %arg14[%rem3A_113] : memref<3x!tpu.dma_semaphore, #tpu.memory_space<semaphore_mem>> -> memref<1x!tpu.dma_semaphore, #tpu.memory_space<semaphore_mem>>
        %dma_wait3A_188 = tpu.memref_squeeze %dma_wait3A_187 : memref<1x!tpu.dma_semaphore, #tpu.memory_space<semaphore_mem>> -> memref<!tpu.dma_semaphore, #tpu.memory_space<semaphore_mem>>
        %dma_wait3A_189 = arith.constant 0 : i32
        %dma_wait3A_190 = tpu.memref_slice %arg6[%add3A_180, %dma_wait3A_189] : memref<320000x64xf32, #tpu.memory_space<hbm>> -> memref<80x64xf32, #tpu.memory_space<hbm>>
        %dma_wait3A_191 = arith.constant 0 : i32
        %dma_wait3A_192 = arith.constant 0 : i32
        %dma_wait3A_193 = tpu.memref_slice %arg11[%rem3A_113, %dma_wait3A_191, %dma_wait3A_192] : memref<3x80x64xf32, #tpu.memory_space<vmem>> -> memref<1x80x64xf32, #tpu.memory_space<vmem>>
        %dma_wait3A_194 = tpu.memref_squeeze %dma_wait3A_193 : memref<1x80x64xf32, #tpu.memory_space<vmem>> -> memref<80x64xf32, #tpu.memory_space<vmem>>
        tpu.wait_dma2 semaphore(%dma_wait3A_188 : memref<!tpu.dma_semaphore, #tpu.memory_space<semaphore_mem>>) src(%dma_wait3A_194 : memref<80x64xf32, #tpu.memory_space<vmem>>) dst(%dma_wait3A_190 : memref<80x64xf32, #tpu.memory_space<hbm>>)
      } else {
      }
      %add3A_116 = arith.constant 2 : i32
      %add3A_117 = arith.addi %scan3A_112, %add3A_116 : i32
      %lt3A = arith.constant 125 : i32
      %lt3A_118 = arith.cmpi slt, %add3A_117, %lt3A : i32
      %convert_element_type3A_119 = arith.extui %lt3A_118 : i1 to i32
      %cond3A_120 = arith.constant 0 : i32
      %cond3A_121 = arith.cmpi ne, %convert_element_type3A_119, %cond3A_120 : i32
      scf.if %cond3A_121 {
        %add3A_177 = arith.constant 2 : i32
        %add3A_178 = arith.addi %scan3A_112, %add3A_177 : i32
        %add3A_179 = arith.constant 2 : i32
        %add3A_180 = arith.addi %scan3A_112, %add3A_179 : i32
        %rem3A_181 = arith.constant 3 : i32
        %rem3A_182 = arith.remsi %add3A_180, %rem3A_181 : i32
        %mul3A_183 = arith.constant 80 : i32
        %mul3A_184 = arith.muli %add3A_178, %mul3A_183 : i32
        %dma_start3A_185 = arith.constant 0 : i32
        %dma_start3A_186 = arith.constant 0 : i32
        %dma_start3A_187 = tpu.memref_slice %arg9[%rem3A_182, %dma_start3A_185, %dma_start3A_186] : memref<3x80x128xf32, #tpu.memory_space<vmem>> -> memref<1x80x128xf32, #tpu.memory_space<vmem>>
        %dma_start3A_188 = tpu.memref_squeeze %dma_start3A_187 : memref<1x80x128xf32, #tpu.memory_space<vmem>> -> memref<80x128xf32, #tpu.memory_space<vmem>>
        %dma_start3A_189 = tpu.memref_slice %arg7[%mul3A_184] : memref<10000xi32, #tpu.memory_space<vmem>> -> memref<80xi32, #tpu.memory_space<vmem>>
        %dma_start3A_190 = arith.constant 0 : i32
        %dma_start3A_191 = arith.constant 0 : i32
        %dma_start3A_192 = tpu.memref_slice %arg2[%dma_start3A_190, %dma_start3A_191] : memref<10000x128xf32, #tpu.memory_space<hbm>> -> memref<10000x128xf32, #tpu.memory_space<hbm>>
        %dma_start3A_193 = tpu.memref_slice %arg12[%rem3A_182] : memref<3x!tpu.dma_semaphore, #tpu.memory_space<semaphore_mem>> -> memref<1x!tpu.dma_semaphore, #tpu.memory_space<semaphore_mem>>
        %dma_start3A_194 = tpu.memref_squeeze %dma_start3A_193 : memref<1x!tpu.dma_semaphore, #tpu.memory_space<semaphore_mem>> -> memref<!tpu.dma_semaphore, #tpu.memory_space<semaphore_mem>>
        tpu.enqueue_indirect_dma source(%dma_start3A_192 : memref<10000x128xf32, #tpu.memory_space<hbm>>) target(%dma_start3A_188 : memref<80x128xf32, #tpu.memory_space<vmem>>) offsets(%dma_start3A_189 : memref<80xi32, #tpu.memory_space<vmem>>) semaphore(%dma_start3A_194 : memref<!tpu.dma_semaphore, #tpu.memory_space<semaphore_mem>>)
        %mul3A_195 = arith.constant 80 : i32
        %mul3A_196 = arith.muli %add3A_178, %mul3A_195 : i32
        %dma_start3A_197 = arith.constant 0 : i32
        %dma_start3A_198 = arith.constant 0 : i32
        %dma_start3A_199 = tpu.memref_slice %arg10[%rem3A_182, %dma_start3A_197, %dma_start3A_198] : memref<3x80x128xf32, #tpu.memory_space<vmem>> -> memref<1x80x128xf32, #tpu.memory_space<vmem>>
        %dma_start3A_200 = tpu.memref_squeeze %dma_start3A_199 : memref<1x80x128xf32, #tpu.memory_space<vmem>> -> memref<80x128xf32, #tpu.memory_space<vmem>>
        %dma_start3A_201 = tpu.memref_slice %arg8[%mul3A_196] : memref<10000xi32, #tpu.memory_space<vmem>> -> memref<80xi32, #tpu.memory_space<vmem>>
        %dma_start3A_202 = arith.constant 0 : i32
        %dma_start3A_203 = arith.constant 0 : i32
        %dma_start3A_204 = tpu.memref_slice %arg3[%dma_start3A_202, %dma_start3A_203] : memref<10000x128xf32, #tpu.memory_space<hbm>> -> memref<10000x128xf32, #tpu.memory_space<hbm>>
        %dma_start3A_205 = tpu.memref_slice %arg13[%rem3A_182] : memref<3x!tpu.dma_semaphore, #tpu.memory_space<semaphore_mem>> -> memref<1x!tpu.dma_semaphore, #tpu.memory_space<semaphore_mem>>
        %dma_start3A_206 = tpu.memref_squeeze %dma_start3A_205 : memref<1x!tpu.dma_semaphore, #tpu.memory_space<semaphore_mem>> -> memref<!tpu.dma_semaphore, #tpu.memory_space<semaphore_mem>>
        tpu.enqueue_indirect_dma source(%dma_start3A_204 : memref<10000x128xf32, #tpu.memory_space<hbm>>) target(%dma_start3A_200 : memref<80x128xf32, #tpu.memory_space<vmem>>) offsets(%dma_start3A_201 : memref<80xi32, #tpu.memory_space<vmem>>) semaphore(%dma_start3A_206 : memref<!tpu.dma_semaphore, #tpu.memory_space<semaphore_mem>>)
      } else {
      }
      %mul3A_122 = arith.constant 80 : i32
      %mul3A_123 = arith.muli %scan3A_112, %mul3A_122 : i32
      %dma_wait3A_124 = arith.constant 0 : i32
      %dma_wait3A_125 = arith.constant 0 : i32
      %dma_wait3A_126 = tpu.memref_slice %arg9[%rem3A_113, %dma_wait3A_124, %dma_wait3A_125] : memref<3x80x128xf32, #tpu.memory_space<vmem>> -> memref<1x80x128xf32, #tpu.memory_space<vmem>>
      %dma_wait3A_127 = tpu.memref_squeeze %dma_wait3A_126 : memref<1x80x128xf32, #tpu.memory_space<vmem>> -> memref<80x128xf32, #tpu.memory_space<vmem>>
      %dma_wait3A_128 = tpu.memref_slice %arg7[%mul3A_123] : memref<10000xi32, #tpu.memory_space<vmem>> -> memref<80xi32, #tpu.memory_space<vmem>>
      %dma_wait3A_129 = arith.constant 0 : i32
      %dma_wait3A_130 = arith.constant 0 : i32
      %dma_wait3A_131 = tpu.memref_slice %arg2[%dma_wait3A_129, %dma_wait3A_130] : memref<10000x128xf32, #tpu.memory_space<hbm>> -> memref<10000x128xf32, #tpu.memory_space<hbm>>
      %dma_wait3A_132 = tpu.memref_slice %arg12[%rem3A_113] : memref<3x!tpu.dma_semaphore, #tpu.memory_space<semaphore_mem>> -> memref<1x!tpu.dma_semaphore, #tpu.memory_space<semaphore_mem>>
      %dma_wait3A_133 = tpu.memref_squeeze %dma_wait3A_132 : memref<1x!tpu.dma_semaphore, #tpu.memory_space<semaphore_mem>> -> memref<!tpu.dma_semaphore, #tpu.memory_space<semaphore_mem>>
      tpu.wait_indirect_dma semaphore(%dma_wait3A_133 : memref<!tpu.dma_semaphore, #tpu.memory_space<semaphore_mem>>) src(%dma_wait3A_131 : memref<10000x128xf32, #tpu.memory_space<hbm>>) dst(%dma_wait3A_127 : memref<80x128xf32, #tpu.memory_space<vmem>>)
      %mul3A_134 = arith.constant 80 : i32
      %mul3A_135 = arith.muli %scan3A_112, %mul3A_134 : i32
      %dma_wait3A_136 = arith.constant 0 : i32
      %dma_wait3A_137 = arith.constant 0 : i32
      %dma_wait3A_138 = tpu.memref_slice %arg10[%rem3A_113, %dma_wait3A_136, %dma_wait3A_137] : memref<3x80x128xf32, #tpu.memory_space<vmem>> -> memref<1x80x128xf32, #tpu.memory_space<vmem>>
      %dma_wait3A_139 = tpu.memref_squeeze %dma_wait3A_138 : memref<1x80x128xf32, #tpu.memory_space<vmem>> -> memref<80x128xf32, #tpu.memory_space<vmem>>
      %dma_wait3A_140 = tpu.memref_slice %arg8[%mul3A_135] : memref<10000xi32, #tpu.memory_space<vmem>> -> memref<80xi32, #tpu.memory_space<vmem>>
      %dma_wait3A_141 = arith.constant 0 : i32
      %dma_wait3A_142 = arith.constant 0 : i32
      %dma_wait3A_143 = tpu.memref_slice %arg3[%dma_wait3A_141, %dma_wait3A_142] : memref<10000x128xf32, #tpu.memory_space<hbm>> -> memref<10000x128xf32, #tpu.memory_space<hbm>>
      %dma_wait3A_144 = tpu.memref_slice %arg13[%rem3A_113] : memref<3x!tpu.dma_semaphore, #tpu.memory_space<semaphore_mem>> -> memref<1x!tpu.dma_semaphore, #tpu.memory_space<semaphore_mem>>
      %dma_wait3A_145 = tpu.memref_squeeze %dma_wait3A_144 : memref<1x!tpu.dma_semaphore, #tpu.memory_space<semaphore_mem>> -> memref<!tpu.dma_semaphore, #tpu.memory_space<semaphore_mem>>
      tpu.wait_indirect_dma semaphore(%dma_wait3A_145 : memref<!tpu.dma_semaphore, #tpu.memory_space<semaphore_mem>>) src(%dma_wait3A_143 : memref<10000x128xf32, #tpu.memory_space<hbm>>) dst(%dma_wait3A_139 : memref<80x128xf32, #tpu.memory_space<vmem>>)
      %eq3A = arith.constant 0 : i32
      %eq3A_146 = arith.cmpi eq, %rem3A_113, %eq3A : i32
      %convert_element_type3A_147 = arith.extui %eq3A_146 : i1 to i32
      %cond3A_148 = arith.constant 0 : i32
      %cond3A_149 = arith.cmpi ne, %convert_element_type3A_147, %cond3A_148 : i32
      scf.if %cond3A_149 {
        %scan3A_177 = arith.constant 0 : i32
        %scan3A_178 = arith.constant 0 : i32
        %scan3A_179 = arith.constant 80 : i32
        %scan3A_180 = arith.addi %scan3A_178, %scan3A_179 : i32
        %scan3A_181 = arith.constant 2 : i32
        scf.for %scan3A_183 = %scan3A_178 to %scan3A_180 step %scan3A_181  : i32 {
          %get3A = arith.constant 0 : i32
          %get3A_184 = arith.index_cast %get3A : i32 to index
          %get3A_185 = arith.index_cast %scan3A_183 : i32 to index
          %get3A_186 = arith.constant 0 : index
          %get3A_187 = tpu.vector_load %arg9[%get3A_184, %get3A_185, %get3A_186] {strides = array<i32>} : memref<3x80x128xf32, #tpu.memory_space<vmem>>, vector<1x1x16xf32>,
          %get3A_188 = vector.shape_cast %get3A_187 : vector<1x1x16xf32> to vector<16xf32>
          %get3A_189 = arith.constant 0 : i32
          %get3A_190 = arith.index_cast %get3A_189 : i32 to index
          %get3A_191 = arith.index_cast %scan3A_183 : i32 to index
          %get3A_192 = arith.constant 0 : index
          %get3A_193 = tpu.vector_load %arg10[%get3A_190, %get3A_191, %get3A_192] {strides = array<i32>} : memref<3x80x128xf32, #tpu.memory_space<vmem>>, vector<1x1x16xf32>,
          %get3A_194 = vector.shape_cast %get3A_193 : vector<1x1x16xf32> to vector<16xf32>
          %add3A_195 = arith.addf %get3A_188, %get3A_194 : vector<16xf32>
          %get3A_196 = arith.constant 0 : i32
          %get3A_197 = arith.index_cast %get3A_196 : i32 to index
          %get3A_198 = arith.index_cast %scan3A_183 : i32 to index
          %get3A_199 = arith.constant 16 : index
          %get3A_200 = tpu.vector_load %arg9[%get3A_197, %get3A_198, %get3A_199] {strides = array<i32>} : memref<3x80x128xf32, #tpu.memory_space<vmem>>, vector<1x1x16xf32>,
          %get3A_201 = vector.shape_cast %get3A_200 : vector<1x1x16xf32> to vector<16xf32>
          %get3A_202 = arith.constant 0 : i32
          %get3A_203 = arith.index_cast %get3A_202 : i32 to index
          %get3A_204 = arith.index_cast %scan3A_183 : i32 to index
          %get3A_205 = arith.constant 16 : index
          %get3A_206 = tpu.vector_load %arg10[%get3A_203, %get3A_204, %get3A_205] {strides = array<i32>} : memref<3x80x128xf32, #tpu.memory_space<vmem>>, vector<1x1x16xf32>,
          %get3A_207 = vector.shape_cast %get3A_206 : vector<1x1x16xf32> to vector<16xf32>
          %add3A_208 = arith.addf %get3A_201, %get3A_207 : vector<16xf32>
          %bitcast_convert_type3A = tpu.bitcast %add3A_195 : vector<16xf32> -> vector<16xi32>
          %shift_right_logical3A = arith.constant 16 : i32
          %shift_right_logical3A_209 = vector.broadcast %shift_right_logical3A : i32 to vector<16xi32>
          %shift_right_logical3A_210 = arith.shrui %bitcast_convert_type3A, %shift_right_logical3A_209 : vector<16xi32>
          %and3A = arith.constant 1 : i32
          %and3A_211 = vector.broadcast %and3A : i32 to vector<16xi32>
          %and3A_212 = arith.andi %shift_right_logical3A_210, %and3A_211 : vector<16xi32>
          %add3A_213 = arith.constant 32767 : i32
          %add3A_214 = vector.broadcast %add3A_213 : i32 to vector<16xi32>
          %add3A_215 = arith.addi %add3A_214, %and3A_212 : vector<16xi32>
          %add3A_216 = arith.addi %bitcast_convert_type3A, %add3A_215 : vector<16xi32>
          %shift_right_logical3A_217 = arith.constant 16 : i32
          %shift_right_logical3A_218 = vector.broadcast %shift_right_logical3A_217 : i32 to vector<16xi32>
          %shift_right_logical3A_219 = arith.shrui %add3A_216, %shift_right_logical3A_218 : vector<16xi32>
          %bitcast_convert_type3A_220 = tpu.bitcast %add3A_208 : vector<16xf32> -> vector<16xi32>
          %shift_right_logical3A_221 = arith.constant 16 : i32
          %shift_right_logical3A_222 = vector.broadcast %shift_right_logical3A_221 : i32 to vector<16xi32>
          %shift_right_logical3A_223 = arith.shrui %bitcast_convert_type3A_220, %shift_right_logical3A_222 : vector<16xi32>
          %and3A_224 = arith.constant 1 : i32
          %and3A_225 = vector.broadcast %and3A_224 : i32 to vector<16xi32>
          %and3A_226 = arith.andi %shift_right_logical3A_223, %and3A_225 : vector<16xi32>
          %add3A_227 = arith.constant 32767 : i32
          %add3A_228 = vector.broadcast %add3A_227 : i32 to vector<16xi32>
          %add3A_229 = arith.addi %add3A_228, %and3A_226 : vector<16xi32>
          %add3A_230 = arith.addi %bitcast_convert_type3A_220, %add3A_229 : vector<16xi32>
          %shift_right_logical3A_231 = arith.constant 16 : i32
          %shift_right_logical3A_232 = vector.broadcast %shift_right_logical3A_231 : i32 to vector<16xi32>
          %shift_right_logical3A_233 = arith.shrui %add3A_230, %shift_right_logical3A_232 : vector<16xi32>
          %shift_left3A = arith.constant 16 : i32
          %shift_left3A_234 = vector.broadcast %shift_left3A : i32 to vector<16xi32>
          %shift_left3A_235 = arith.shli %shift_right_logical3A_233, %shift_left3A_234 : vector<16xi32>
          %or3A = arith.ori %shift_right_logical3A_219, %shift_left3A_235 : vector<16xi32>
          %bitcast_convert_type3A_236 = tpu.bitcast %or3A : vector<16xi32> -> vector<16xf32>
          %swap3A = arith.constant 0 : i32
          %swap3A_237 = arith.index_cast %swap3A : i32 to index
          %swap3A_238 = arith.index_cast %scan3A_183 : i32 to index
          %swap3A_239 = arith.constant 0 : index
          %swap3A_240 = tpu.vector_load %arg11[%swap3A_237, %swap3A_238, %swap3A_239] {strides = array<i32>} : memref<3x80x64xf32, #tpu.memory_space<vmem>>, vector<1x1x16xf32>,
          %swap3A_241 = vector.shape_cast %swap3A_240 : vector<1x1x16xf32> to vector<16xf32>
          %swap3A_242 = vector.shape_cast %bitcast_convert_type3A_236 : vector<16xf32> to vector<1x1x16xf32>
          tpu.vector_store %arg11[%swap3A_237, %swap3A_238, %swap3A_239], %swap3A_242 {strides = array<i32>} : memref<3x80x64xf32, #tpu.memory_space<vmem>>, vector<1x1x16xf32>,
          %get3A_243 = arith.constant 0 : i32
          %get3A_244 = arith.index_cast %get3A_243 : i32 to index
          %get3A_245 = arith.index_cast %scan3A_183 : i32 to index
          %get3A_246 = arith.constant 32 : index
          %get3A_247 = tpu.vector_load %arg9[%get3A_244, %get3A_245, %get3A_246] {strides = array<i32>} : memref<3x80x128xf32, #tpu.memory_space<vmem>>, vector<1x1x16xf32>,
          %get3A_248 = vector.shape_cast %get3A_247 : vector<1x1x16xf32> to vector<16xf32>
          %get3A_249 = arith.constant 0 : i32
          %get3A_250 = arith.index_cast %get3A_249 : i32 to index
          %get3A_251 = arith.index_cast %scan3A_183 : i32 to index
          %get3A_252 = arith.constant 32 : index
          %get3A_253 = tpu.vector_load %arg10[%get3A_250, %get3A_251, %get3A_252] {strides = array<i32>} : memref<3x80x128xf32, #tpu.memory_space<vmem>>, vector<1x1x16xf32>,
          %get3A_254 = vector.shape_cast %get3A_253 : vector<1x1x16xf32> to vector<16xf32>
          %add3A_255 = arith.addf %get3A_248, %get3A_254 : vector<16xf32>
          %get3A_256 = arith.constant 0 : i32
          %get3A_257 = arith.index_cast %get3A_256 : i32 to index
          %get3A_258 = arith.index_cast %scan3A_183 : i32 to index
          %get3A_259 = arith.constant 48 : index
          %get3A_260 = tpu.vector_load %arg9[%get3A_257, %get3A_258, %get3A_259] {strides = array<i32>} : memref<3x80x128xf32, #tpu.memory_space<vmem>>, vector<1x1x16xf32>,
          %get3A_261 = vector.shape_cast %get3A_260 : vector<1x1x16xf32> to vector<16xf32>
          %get3A_262 = arith.constant 0 : i32
          %get3A_263 = arith.index_cast %get3A_262 : i32 to index
          %get3A_264 = arith.index_cast %scan3A_183 : i32 to index
          %get3A_265 = arith.constant 48 : index
          %get3A_266 = tpu.vector_load %arg10[%get3A_263, %get3A_264, %get3A_265] {strides = array<i32>} : memref<3x80x128xf32, #tpu.memory_space<vmem>>, vector<1x1x16xf32>,
          %get3A_267 = vector.shape_cast %get3A_266 : vector<1x1x16xf32> to vector<16xf32>
          %add3A_268 = arith.addf %get3A_261, %get3A_267 : vector<16xf32>
          %bitcast_convert_type3A_269 = tpu.bitcast %add3A_255 : vector<16xf32> -> vector<16xi32>
          %shift_right_logical3A_270 = arith.constant 16 : i32
          %shift_right_logical3A_271 = vector.broadcast %shift_right_logical3A_270 : i32 to vector<16xi32>
          %shift_right_logical3A_272 = arith.shrui %bitcast_convert_type3A_269, %shift_right_logical3A_271 : vector<16xi32>
          %and3A_273 = arith.constant 1 : i32
          %and3A_274 = vector.broadcast %and3A_273 : i32 to vector<16xi32>
          %and3A_275 = arith.andi %shift_right_logical3A_272, %and3A_274 : vector<16xi32>
          %add3A_276 = arith.constant 32767 : i32
          %add3A_277 = vector.broadcast %add3A_276 : i32 to vector<16xi32>
          %add3A_278 = arith.addi %add3A_277, %and3A_275 : vector<16xi32>
          %add3A_279 = arith.addi %bitcast_convert_type3A_269, %add3A_278 : vector<16xi32>
          %shift_right_logical3A_280 = arith.constant 16 : i32
          %shift_right_logical3A_281 = vector.broadcast %shift_right_logical3A_280 : i32 to vector<16xi32>
          %shift_right_logical3A_282 = arith.shrui %add3A_279, %shift_right_logical3A_281 : vector<16xi32>
          %bitcast_convert_type3A_283 = tpu.bitcast %add3A_268 : vector<16xf32> -> vector<16xi32>
          %shift_right_logical3A_284 = arith.constant 16 : i32
          %shift_right_logical3A_285 = vector.broadcast %shift_right_logical3A_284 : i32 to vector<16xi32>
          %shift_right_logical3A_286 = arith.shrui %bitcast_convert_type3A_283, %shift_right_logical3A_285 : vector<16xi32>
          %and3A_287 = arith.constant 1 : i32
          %and3A_288 = vector.broadcast %and3A_287 : i32 to vector<16xi32>
          %and3A_289 = arith.andi %shift_right_logical3A_286, %and3A_288 : vector<16xi32>
          %add3A_290 = arith.constant 32767 : i32
          %add3A_291 = vector.broadcast %add3A_290 : i32 to vector<16xi32>
          %add3A_292 = arith.addi %add3A_291, %and3A_289 : vector<16xi32>
          %add3A_293 = arith.addi %bitcast_convert_type3A_283, %add3A_292 : vector<16xi32>
          %shift_right_logical3A_294 = arith.constant 16 : i32
          %shift_right_logical3A_295 = vector.broadcast %shift_right_logical3A_294 : i32 to vector<16xi32>
          %shift_right_logical3A_296 = arith.shrui %add3A_293, %shift_right_logical3A_295 : vector<16xi32>
          %shift_left3A_297 = arith.constant 16 : i32
          %shift_left3A_298 = vector.broadcast %shift_left3A_297 : i32 to vector<16xi32>
          %shift_left3A_299 = arith.shli %shift_right_logical3A_296, %shift_left3A_298 : vector<16xi32>
          %or3A_300 = arith.ori %shift_right_logical3A_282, %shift_left3A_299 : vector<16xi32>
          %bitcast_convert_type3A_301 = tpu.bitcast %or3A_300 : vector<16xi32> -> vector<16xf32>
          %swap3A_302 = arith.constant 0 : i32
          %swap3A_303 = arith.index_cast %swap3A_302 : i32 to index
          %swap3A_304 = arith.index_cast %scan3A_183 : i32 to index
          %swap3A_305 = arith.constant 16 : index
          %swap3A_306 = tpu.vector_load %arg11[%swap3A_303, %swap3A_304, %swap3A_305] {strides = array<i32>} : memref<3x80x64xf32, #tpu.memory_space<vmem>>, vector<1x1x16xf32>,
          %swap3A_307 = vector.shape_cast %swap3A_306 : vector<1x1x16xf32> to vector<16xf32>
          %swap3A_308 = vector.shape_cast %bitcast_convert_type3A_301 : vector<16xf32> to vector<1x1x16xf32>
          tpu.vector_store %arg11[%swap3A_303, %swap3A_304, %swap3A_305], %swap3A_308 {strides = array<i32>} : memref<3x80x64xf32, #tpu.memory_space<vmem>>, vector<1x1x16xf32>,
          %get3A_309 = arith.constant 0 : i32
          %get3A_310 = arith.index_cast %get3A_309 : i32 to index
          %get3A_311 = arith.index_cast %scan3A_183 : i32 to index
          %get3A_312 = arith.constant 64 : index
          %get3A_313 = tpu.vector_load %arg9[%get3A_310, %get3A_311, %get3A_312] {strides = array<i32>} : memref<3x80x128xf32, #tpu.memory_space<vmem>>, vector<1x1x16xf32>,
          %get3A_314 = vector.shape_cast %get3A_313 : vector<1x1x16xf32> to vector<16xf32>
          %get3A_315 = arith.constant 0 : i32
          %get3A_316 = arith.index_cast %get3A_315 : i32 to index
          %get3A_317 = arith.index_cast %scan3A_183 : i32 to index
          %get3A_318 = arith.constant 64 : index
          %get3A_319 = tpu.vector_load %arg10[%get3A_316, %get3A_317, %get3A_318] {strides = array<i32>} : memref<3x80x128xf32, #tpu.memory_space<vmem>>, vector<1x1x16xf32>,
          %get3A_320 = vector.shape_cast %get3A_319 : vector<1x1x16xf32> to vector<16xf32>
          %add3A_321 = arith.addf %get3A_314, %get3A_320 : vector<16xf32>
          %get3A_322 = arith.constant 0 : i32
          %get3A_323 = arith.index_cast %get3A_322 : i32 to index
          %get3A_324 = arith.index_cast %scan3A_183 : i32 to index
          %get3A_325 = arith.constant 80 : index
          %get3A_326 = tpu.vector_load %arg9[%get3A_323, %get3A_324, %get3A_325] {strides = array<i32>} : memref<3x80x128xf32, #tpu.memory_space<vmem>>, vector<1x1x16xf32>,
          %get3A_327 = vector.shape_cast %get3A_326 : vector<1x1x16xf32> to vector<16xf32>
          %get3A_328 = arith.constant 0 : i32
          %get3A_329 = arith.index_cast %get3A_328 : i32 to index
          %get3A_330 = arith.index_cast %scan3A_183 : i32 to index
          %get3A_331 = arith.constant 80 : index
          %get3A_332 = tpu.vector_load %arg10[%get3A_329, %get3A_330, %get3A_331] {strides = array<i32>} : memref<3x80x128xf32, #tpu.memory_space<vmem>>, vector<1x1x16xf32>,
          %get3A_333 = vector.shape_cast %get3A_332 : vector<1x1x16xf32> to vector<16xf32>
          %add3A_334 = arith.addf %get3A_327, %get3A_333 : vector<16xf32>
          %bitcast_convert_type3A_335 = tpu.bitcast %add3A_321 : vector<16xf32> -> vector<16xi32>
          %shift_right_logical3A_336 = arith.constant 16 : i32
          %shift_right_logical3A_337 = vector.broadcast %shift_right_logical3A_336 : i32 to vector<16xi32>
          %shift_right_logical3A_338 = arith.shrui %bitcast_convert_type3A_335, %shift_right_logical3A_337 : vector<16xi32>
          %and3A_339 = arith.constant 1 : i32
          %and3A_340 = vector.broadcast %and3A_339 : i32 to vector<16xi32>
          %and3A_341 = arith.andi %shift_right_logical3A_338, %and3A_340 : vector<16xi32>
          %add3A_342 = arith.constant 32767 : i32
          %add3A_343 = vector.broadcast %add3A_342 : i32 to vector<16xi32>
          %add3A_344 = arith.addi %add3A_343, %and3A_341 : vector<16xi32>
          %add3A_345 = arith.addi %bitcast_convert_type3A_335, %add3A_344 : vector<16xi32>
          %shift_right_logical3A_346 = arith.constant 16 : i32
          %shift_right_logical3A_347 = vector.broadcast %shift_right_logical3A_346 : i32 to vector<16xi32>
          %shift_right_logical3A_348 = arith.shrui %add3A_345, %shift_right_logical3A_347 : vector<16xi32>
          %bitcast_convert_type3A_349 = tpu.bitcast %add3A_334 : vector<16xf32> -> vector<16xi32>
          %shift_right_logical3A_350 = arith.constant 16 : i32
          %shift_right_logical3A_351 = vector.broadcast %shift_right_logical3A_350 : i32 to vector<16xi32>
          %shift_right_logical3A_352 = arith.shrui %bitcast_convert_type3A_349, %shift_right_logical3A_351 : vector<16xi32>
          %and3A_353 = arith.constant 1 : i32
          %and3A_354 = vector.broadcast %and3A_353 : i32 to vector<16xi32>
          %and3A_355 = arith.andi %shift_right_logical3A_352, %and3A_354 : vector<16xi32>
          %add3A_356 = arith.constant 32767 : i32
          %add3A_357 = vector.broadcast %add3A_356 : i32 to vector<16xi32>
          %add3A_358 = arith.addi %add3A_357, %and3A_355 : vector<16xi32>
          %add3A_359 = arith.addi %bitcast_convert_type3A_349, %add3A_358 : vector<16xi32>
          %shift_right_logical3A_360 = arith.constant 16 : i32
          %shift_right_logical3A_361 = vector.broadcast %shift_right_logical3A_360 : i32 to vector<16xi32>
          %shift_right_logical3A_362 = arith.shrui %add3A_359, %shift_right_logical3A_361 : vector<16xi32>
          %shift_left3A_363 = arith.constant 16 : i32
          %shift_left3A_364 = vector.broadcast %shift_left3A_363 : i32 to vector<16xi32>
          %shift_left3A_365 = arith.shli %shift_right_logical3A_362, %shift_left3A_364 : vector<16xi32>
          %or3A_366 = arith.ori %shift_right_logical3A_348, %shift_left3A_365 : vector<16xi32>
          %bitcast_convert_type3A_367 = tpu.bitcast %or3A_366 : vector<16xi32> -> vector<16xf32>
          %swap3A_368 = arith.constant 0 : i32
          %swap3A_369 = arith.index_cast %swap3A_368 : i32 to index
          %swap3A_370 = arith.index_cast %scan3A_183 : i32 to index
          %swap3A_371 = arith.constant 32 : index
          %swap3A_372 = tpu.vector_load %arg11[%swap3A_369, %swap3A_370, %swap3A_371] {strides = array<i32>} : memref<3x80x64xf32, #tpu.memory_space<vmem>>, vector<1x1x16xf32>,
          %swap3A_373 = vector.shape_cast %swap3A_372 : vector<1x1x16xf32> to vector<16xf32>
          %swap3A_374 = vector.shape_cast %bitcast_convert_type3A_367 : vector<16xf32> to vector<1x1x16xf32>
          tpu.vector_store %arg11[%swap3A_369, %swap3A_370, %swap3A_371], %swap3A_374 {strides = array<i32>} : memref<3x80x64xf32, #tpu.memory_space<vmem>>, vector<1x1x16xf32>,
          %get3A_375 = arith.constant 0 : i32
          %get3A_376 = arith.index_cast %get3A_375 : i32 to index
          %get3A_377 = arith.index_cast %scan3A_183 : i32 to index
          %get3A_378 = arith.constant 96 : index
          %get3A_379 = tpu.vector_load %arg9[%get3A_376, %get3A_377, %get3A_378] {strides = array<i32>} : memref<3x80x128xf32, #tpu.memory_space<vmem>>, vector<1x1x16xf32>,
          %get3A_380 = vector.shape_cast %get3A_379 : vector<1x1x16xf32> to vector<16xf32>
          %get3A_381 = arith.constant 0 : i32
          %get3A_382 = arith.index_cast %get3A_381 : i32 to index
          %get3A_383 = arith.index_cast %scan3A_183 : i32 to index
          %get3A_384 = arith.constant 96 : index
          %get3A_385 = tpu.vector_load %arg10[%get3A_382, %get3A_383, %get3A_384] {strides = array<i32>} : memref<3x80x128xf32, #tpu.memory_space<vmem>>, vector<1x1x16xf32>,
          %get3A_386 = vector.shape_cast %get3A_385 : vector<1x1x16xf32> to vector<16xf32>
          %add3A_387 = arith.addf %get3A_380, %get3A_386 : vector<16xf32>
          %get3A_388 = arith.constant 0 : i32
          %get3A_389 = arith.index_cast %get3A_388 : i32 to index
          %get3A_390 = arith.index_cast %scan3A_183 : i32 to index
          %get3A_391 = arith.constant 112 : index
          %get3A_392 = tpu.vector_load %arg9[%get3A_389, %get3A_390, %get3A_391] {strides = array<i32>} : memref<3x80x128xf32, #tpu.memory_space<vmem>>, vector<1x1x16xf32>,
          %get3A_393 = vector.shape_cast %get3A_392 : vector<1x1x16xf32> to vector<16xf32>
          %get3A_394 = arith.constant 0 : i32
          %get3A_395 = arith.index_cast %get3A_394 : i32 to index
          %get3A_396 = arith.index_cast %scan3A_183 : i32 to index
          %get3A_397 = arith.constant 112 : index
          %get3A_398 = tpu.vector_load %arg10[%get3A_395, %get3A_396, %get3A_397] {strides = array<i32>} : memref<3x80x128xf32, #tpu.memory_space<vmem>>, vector<1x1x16xf32>,
          %get3A_399 = vector.shape_cast %get3A_398 : vector<1x1x16xf32> to vector<16xf32>
          %add3A_400 = arith.addf %get3A_393, %get3A_399 : vector<16xf32>
          %bitcast_convert_type3A_401 = tpu.bitcast %add3A_387 : vector<16xf32> -> vector<16xi32>
          %shift_right_logical3A_402 = arith.constant 16 : i32
          %shift_right_logical3A_403 = vector.broadcast %shift_right_logical3A_402 : i32 to vector<16xi32>
          %shift_right_logical3A_404 = arith.shrui %bitcast_convert_type3A_401, %shift_right_logical3A_403 : vector<16xi32>
          %and3A_405 = arith.constant 1 : i32
          %and3A_406 = vector.broadcast %and3A_405 : i32 to vector<16xi32>
          %and3A_407 = arith.andi %shift_right_logical3A_404, %and3A_406 : vector<16xi32>
          %add3A_408 = arith.constant 32767 : i32
          %add3A_409 = vector.broadcast %add3A_408 : i32 to vector<16xi32>
          %add3A_410 = arith.addi %add3A_409, %and3A_407 : vector<16xi32>
          %add3A_411 = arith.addi %bitcast_convert_type3A_401, %add3A_410 : vector<16xi32>
          %shift_right_logical3A_412 = arith.constant 16 : i32
          %shift_right_logical3A_413 = vector.broadcast %shift_right_logical3A_412 : i32 to vector<16xi32>
          %shift_right_logical3A_414 = arith.shrui %add3A_411, %shift_right_logical3A_413 : vector<16xi32>
          %bitcast_convert_type3A_415 = tpu.bitcast %add3A_400 : vector<16xf32> -> vector<16xi32>
          %shift_right_logical3A_416 = arith.constant 16 : i32
          %shift_right_logical3A_417 = vector.broadcast %shift_right_logical3A_416 : i32 to vector<16xi32>
          %shift_right_logical3A_418 = arith.shrui %bitcast_convert_type3A_415, %shift_right_logical3A_417 : vector<16xi32>
          %and3A_419 = arith.constant 1 : i32
          %and3A_420 = vector.broadcast %and3A_419 : i32 to vector<16xi32>
          %and3A_421 = arith.andi %shift_right_logical3A_418, %and3A_420 : vector<16xi32>
          %add3A_422 = arith.constant 32767 : i32
          %add3A_423 = vector.broadcast %add3A_422 : i32 to vector<16xi32>
          %add3A_424 = arith.addi %add3A_423, %and3A_421 : vector<16xi32>
          %add3A_425 = arith.addi %bitcast_convert_type3A_415, %add3A_424 : vector<16xi32>
          %shift_right_logical3A_426 = arith.constant 16 : i32
          %shift_right_logical3A_427 = vector.broadcast %shift_right_logical3A_426 : i32 to vector<16xi32>
          %shift_right_logical3A_428 = arith.shrui %add3A_425, %shift_right_logical3A_427 : vector<16xi32>
          %shift_left3A_429 = arith.constant 16 : i32
          %shift_left3A_430 = vector.broadcast %shift_left3A_429 : i32 to vector<16xi32>
          %shift_left3A_431 = arith.shli %shift_right_logical3A_428, %shift_left3A_430 : vector<16xi32>
          %or3A_432 = arith.ori %shift_right_logical3A_414, %shift_left3A_431 : vector<16xi32>
          %bitcast_convert_type3A_433 = tpu.bitcast %or3A_432 : vector<16xi32> -> vector<16xf32>
          %swap3A_434 = arith.constant 0 : i32
          %swap3A_435 = arith.index_cast %swap3A_434 : i32 to index
          %swap3A_436 = arith.index_cast %scan3A_183 : i32 to index
          %swap3A_437 = arith.constant 48 : index
          %swap3A_438 = tpu.vector_load %arg11[%swap3A_435, %swap3A_436, %swap3A_437] {strides = array<i32>} : memref<3x80x64xf32, #tpu.memory_space<vmem>>, vector<1x1x16xf32>,
          %swap3A_439 = vector.shape_cast %swap3A_438 : vector<1x1x16xf32> to vector<16xf32>
          %swap3A_440 = vector.shape_cast %bitcast_convert_type3A_433 : vector<16xf32> to vector<1x1x16xf32>
          tpu.vector_store %arg11[%swap3A_435, %swap3A_436, %swap3A_437], %swap3A_440 {strides = array<i32>} : memref<3x80x64xf32, #tpu.memory_space<vmem>>, vector<1x1x16xf32>,
          %scan3A_441 = arith.constant 1 : i32
          %scan3A_442 = arith.addi %scan3A_183, %scan3A_441 : i32
          %get3A_443 = arith.constant 0 : i32
          %get3A_444 = arith.index_cast %get3A_443 : i32 to index
          %get3A_445 = arith.index_cast %scan3A_442 : i32 to index
          %get3A_446 = arith.constant 0 : index
          %get3A_447 = tpu.vector_load %arg9[%get3A_444, %get3A_445, %get3A_446] {strides = array<i32>} : memref<3x80x128xf32, #tpu.memory_space<vmem>>, vector<1x1x16xf32>,
          %get3A_448 = vector.shape_cast %get3A_447 : vector<1x1x16xf32> to vector<16xf32>
          %get3A_449 = arith.constant 0 : i32
          %get3A_450 = arith.index_cast %get3A_449 : i32 to index
          %get3A_451 = arith.index_cast %scan3A_442 : i32 to index
          %get3A_452 = arith.constant 0 : index
          %get3A_453 = tpu.vector_load %arg10[%get3A_450, %get3A_451, %get3A_452] {strides = array<i32>} : memref<3x80x128xf32, #tpu.memory_space<vmem>>, vector<1x1x16xf32>,
          %get3A_454 = vector.shape_cast %get3A_453 : vector<1x1x16xf32> to vector<16xf32>
          %add3A_455 = arith.addf %get3A_448, %get3A_454 : vector<16xf32>
          %get3A_456 = arith.constant 0 : i32
          %get3A_457 = arith.index_cast %get3A_456 : i32 to index
          %get3A_458 = arith.index_cast %scan3A_442 : i32 to index
          %get3A_459 = arith.constant 16 : index
          %get3A_460 = tpu.vector_load %arg9[%get3A_457, %get3A_458, %get3A_459] {strides = array<i32>} : memref<3x80x128xf32, #tpu.memory_space<vmem>>, vector<1x1x16xf32>,
          %get3A_461 = vector.shape_cast %get3A_460 : vector<1x1x16xf32> to vector<16xf32>
          %get3A_462 = arith.constant 0 : i32
          %get3A_463 = arith.index_cast %get3A_462 : i32 to index
          %get3A_464 = arith.index_cast %scan3A_442 : i32 to index
          %get3A_465 = arith.constant 16 : index
          %get3A_466 = tpu.vector_load %arg10[%get3A_463, %get3A_464, %get3A_465] {strides = array<i32>} : memref<3x80x128xf32, #tpu.memory_space<vmem>>, vector<1x1x16xf32>,
          %get3A_467 = vector.shape_cast %get3A_466 : vector<1x1x16xf32> to vector<16xf32>
          %add3A_468 = arith.addf %get3A_461, %get3A_467 : vector<16xf32>
          %bitcast_convert_type3A_469 = tpu.bitcast %add3A_455 : vector<16xf32> -> vector<16xi32>
          %shift_right_logical3A_470 = arith.constant 16 : i32
          %shift_right_logical3A_471 = vector.broadcast %shift_right_logical3A_470 : i32 to vector<16xi32>
          %shift_right_logical3A_472 = arith.shrui %bitcast_convert_type3A_469, %shift_right_logical3A_471 : vector<16xi32>
          %and3A_473 = arith.constant 1 : i32
          %and3A_474 = vector.broadcast %and3A_473 : i32 to vector<16xi32>
          %and3A_475 = arith.andi %shift_right_logical3A_472, %and3A_474 : vector<16xi32>
          %add3A_476 = arith.constant 32767 : i32
          %add3A_477 = vector.broadcast %add3A_476 : i32 to vector<16xi32>
          %add3A_478 = arith.addi %add3A_477, %and3A_475 : vector<16xi32>
          %add3A_479 = arith.addi %bitcast_convert_type3A_469, %add3A_478 : vector<16xi32>
          %shift_right_logical3A_480 = arith.constant 16 : i32
          %shift_right_logical3A_481 = vector.broadcast %shift_right_logical3A_480 : i32 to vector<16xi32>
          %shift_right_logical3A_482 = arith.shrui %add3A_479, %shift_right_logical3A_481 : vector<16xi32>
          %bitcast_convert_type3A_483 = tpu.bitcast %add3A_468 : vector<16xf32> -> vector<16xi32>
          %shift_right_logical3A_484 = arith.constant 16 : i32
          %shift_right_logical3A_485 = vector.broadcast %shift_right_logical3A_484 : i32 to vector<16xi32>
          %shift_right_logical3A_486 = arith.shrui %bitcast_convert_type3A_483, %shift_right_logical3A_485 : vector<16xi32>
          %and3A_487 = arith.constant 1 : i32
          %and3A_488 = vector.broadcast %and3A_487 : i32 to vector<16xi32>
          %and3A_489 = arith.andi %shift_right_logical3A_486, %and3A_488 : vector<16xi32>
          %add3A_490 = arith.constant 32767 : i32
          %add3A_491 = vector.broadcast %add3A_490 : i32 to vector<16xi32>
          %add3A_492 = arith.addi %add3A_491, %and3A_489 : vector<16xi32>
          %add3A_493 = arith.addi %bitcast_convert_type3A_483, %add3A_492 : vector<16xi32>
          %shift_right_logical3A_494 = arith.constant 16 : i32
          %shift_right_logical3A_495 = vector.broadcast %shift_right_logical3A_494 : i32 to vector<16xi32>
          %shift_right_logical3A_496 = arith.shrui %add3A_493, %shift_right_logical3A_495 : vector<16xi32>
          %shift_left3A_497 = arith.constant 16 : i32
          %shift_left3A_498 = vector.broadcast %shift_left3A_497 : i32 to vector<16xi32>
          %shift_left3A_499 = arith.shli %shift_right_logical3A_496, %shift_left3A_498 : vector<16xi32>
          %or3A_500 = arith.ori %shift_right_logical3A_482, %shift_left3A_499 : vector<16xi32>
          %bitcast_convert_type3A_501 = tpu.bitcast %or3A_500 : vector<16xi32> -> vector<16xf32>
          %swap3A_502 = arith.constant 0 : i32
          %swap3A_503 = arith.index_cast %swap3A_502 : i32 to index
          %swap3A_504 = arith.index_cast %scan3A_442 : i32 to index
          %swap3A_505 = arith.constant 0 : index
          %swap3A_506 = tpu.vector_load %arg11[%swap3A_503, %swap3A_504, %swap3A_505] {strides = array<i32>} : memref<3x80x64xf32, #tpu.memory_space<vmem>>, vector<1x1x16xf32>,
          %swap3A_507 = vector.shape_cast %swap3A_506 : vector<1x1x16xf32> to vector<16xf32>
          %swap3A_508 = vector.shape_cast %bitcast_convert_type3A_501 : vector<16xf32> to vector<1x1x16xf32>
          tpu.vector_store %arg11[%swap3A_503, %swap3A_504, %swap3A_505], %swap3A_508 {strides = array<i32>} : memref<3x80x64xf32, #tpu.memory_space<vmem>>, vector<1x1x16xf32>,
          %get3A_509 = arith.constant 0 : i32
          %get3A_510 = arith.index_cast %get3A_509 : i32 to index
          %get3A_511 = arith.index_cast %scan3A_442 : i32 to index
          %get3A_512 = arith.constant 32 : index
          %get3A_513 = tpu.vector_load %arg9[%get3A_510, %get3A_511, %get3A_512] {strides = array<i32>} : memref<3x80x128xf32, #tpu.memory_space<vmem>>, vector<1x1x16xf32>,
          %get3A_514 = vector.shape_cast %get3A_513 : vector<1x1x16xf32> to vector<16xf32>
          %get3A_515 = arith.constant 0 : i32
          %get3A_516 = arith.index_cast %get3A_515 : i32 to index
          %get3A_517 = arith.index_cast %scan3A_442 : i32 to index
          %get3A_518 = arith.constant 32 : index
          %get3A_519 = tpu.vector_load %arg10[%get3A_516, %get3A_517, %get3A_518] {strides = array<i32>} : memref<3x80x128xf32, #tpu.memory_space<vmem>>, vector<1x1x16xf32>,
          %get3A_520 = vector.shape_cast %get3A_519 : vector<1x1x16xf32> to vector<16xf32>
          %add3A_521 = arith.addf %get3A_514, %get3A_520 : vector<16xf32>
          %get3A_522 = arith.constant 0 : i32
          %get3A_523 = arith.index_cast %get3A_522 : i32 to index
          %get3A_524 = arith.index_cast %scan3A_442 : i32 to index
          %get3A_525 = arith.constant 48 : index
          %get3A_526 = tpu.vector_load %arg9[%get3A_523, %get3A_524, %get3A_525] {strides = array<i32>} : memref<3x80x128xf32, #tpu.memory_space<vmem>>, vector<1x1x16xf32>,
          %get3A_527 = vector.shape_cast %get3A_526 : vector<1x1x16xf32> to vector<16xf32>
          %get3A_528 = arith.constant 0 : i32
          %get3A_529 = arith.index_cast %get3A_528 : i32 to index
          %get3A_530 = arith.index_cast %scan3A_442 : i32 to index
          %get3A_531 = arith.constant 48 : index
          %get3A_532 = tpu.vector_load %arg10[%get3A_529, %get3A_530, %get3A_531] {strides = array<i32>} : memref<3x80x128xf32, #tpu.memory_space<vmem>>, vector<1x1x16xf32>,
          %get3A_533 = vector.shape_cast %get3A_532 : vector<1x1x16xf32> to vector<16xf32>
          %add3A_534 = arith.addf %get3A_527, %get3A_533 : vector<16xf32>
          %bitcast_convert_type3A_535 = tpu.bitcast %add3A_521 : vector<16xf32> -> vector<16xi32>
          %shift_right_logical3A_536 = arith.constant 16 : i32
          %shift_right_logical3A_537 = vector.broadcast %shift_right_logical3A_536 : i32 to vector<16xi32>
          %shift_right_logical3A_538 = arith.shrui %bitcast_convert_type3A_535, %shift_right_logical3A_537 : vector<16xi32>
          %and3A_539 = arith.constant 1 : i32
          %and3A_540 = vector.broadcast %and3A_539 : i32 to vector<16xi32>
          %and3A_541 = arith.andi %shift_right_logical3A_538, %and3A_540 : vector<16xi32>
          %add3A_542 = arith.constant 32767 : i32
          %add3A_543 = vector.broadcast %add3A_542 : i32 to vector<16xi32>
          %add3A_544 = arith.addi %add3A_543, %and3A_541 : vector<16xi32>
          %add3A_545 = arith.addi %bitcast_convert_type3A_535, %add3A_544 : vector<16xi32>
          %shift_right_logical3A_546 = arith.constant 16 : i32
          %shift_right_logical3A_547 = vector.broadcast %shift_right_logical3A_546 : i32 to vector<16xi32>
          %shift_right_logical3A_548 = arith.shrui %add3A_545, %shift_right_logical3A_547 : vector<16xi32>
          %bitcast_convert_type3A_549 = tpu.bitcast %add3A_534 : vector<16xf32> -> vector<16xi32>
          %shift_right_logical3A_550 = arith.constant 16 : i32
          %shift_right_logical3A_551 = vector.broadcast %shift_right_logical3A_550 : i32 to vector<16xi32>
          %shift_right_logical3A_552 = arith.shrui %bitcast_convert_type3A_549, %shift_right_logical3A_551 : vector<16xi32>
          %and3A_553 = arith.constant 1 : i32
          %and3A_554 = vector.broadcast %and3A_553 : i32 to vector<16xi32>
          %and3A_555 = arith.andi %shift_right_logical3A_552, %and3A_554 : vector<16xi32>
          %add3A_556 = arith.constant 32767 : i32
          %add3A_557 = vector.broadcast %add3A_556 : i32 to vector<16xi32>
          %add3A_558 = arith.addi %add3A_557, %and3A_555 : vector<16xi32>
          %add3A_559 = arith.addi %bitcast_convert_type3A_549, %add3A_558 : vector<16xi32>
          %shift_right_logical3A_560 = arith.constant 16 : i32
          %shift_right_logical3A_561 = vector.broadcast %shift_right_logical3A_560 : i32 to vector<16xi32>
          %shift_right_logical3A_562 = arith.shrui %add3A_559, %shift_right_logical3A_561 : vector<16xi32>
          %shift_left3A_563 = arith.constant 16 : i32
          %shift_left3A_564 = vector.broadcast %shift_left3A_563 : i32 to vector<16xi32>
          %shift_left3A_565 = arith.shli %shift_right_logical3A_562, %shift_left3A_564 : vector<16xi32>
          %or3A_566 = arith.ori %shift_right_logical3A_548, %shift_left3A_565 : vector<16xi32>
          %bitcast_convert_type3A_567 = tpu.bitcast %or3A_566 : vector<16xi32> -> vector<16xf32>
          %swap3A_568 = arith.constant 0 : i32
          %swap3A_569 = arith.index_cast %swap3A_568 : i32 to index
          %swap3A_570 = arith.index_cast %scan3A_442 : i32 to index
          %swap3A_571 = arith.constant 16 : index
          %swap3A_572 = tpu.vector_load %arg11[%swap3A_569, %swap3A_570, %swap3A_571] {strides = array<i32>} : memref<3x80x64xf32, #tpu.memory_space<vmem>>, vector<1x1x16xf32>,
          %swap3A_573 = vector.shape_cast %swap3A_572 : vector<1x1x16xf32> to vector<16xf32>
          %swap3A_574 = vector.shape_cast %bitcast_convert_type3A_567 : vector<16xf32> to vector<1x1x16xf32>
          tpu.vector_store %arg11[%swap3A_569, %swap3A_570, %swap3A_571], %swap3A_574 {strides = array<i32>} : memref<3x80x64xf32, #tpu.memory_space<vmem>>, vector<1x1x16xf32>,
          %get3A_575 = arith.constant 0 : i32
          %get3A_576 = arith.index_cast %get3A_575 : i32 to index
          %get3A_577 = arith.index_cast %scan3A_442 : i32 to index
          %get3A_578 = arith.constant 64 : index
          %get3A_579 = tpu.vector_load %arg9[%get3A_576, %get3A_577, %get3A_578] {strides = array<i32>} : memref<3x80x128xf32, #tpu.memory_space<vmem>>, vector<1x1x16xf32>,
          %get3A_580 = vector.shape_cast %get3A_579 : vector<1x1x16xf32> to vector<16xf32>
          %get3A_581 = arith.constant 0 : i32
          %get3A_582 = arith.index_cast %get3A_581 : i32 to index
          %get3A_583 = arith.index_cast %scan3A_442 : i32 to index
          %get3A_584 = arith.constant 64 : index
          %get3A_585 = tpu.vector_load %arg10[%get3A_582, %get3A_583, %get3A_584] {strides = array<i32>} : memref<3x80x128xf32, #tpu.memory_space<vmem>>, vector<1x1x16xf32>,
          %get3A_586 = vector.shape_cast %get3A_585 : vector<1x1x16xf32> to vector<16xf32>
          %add3A_587 = arith.addf %get3A_580, %get3A_586 : vector<16xf32>
          %get3A_588 = arith.constant 0 : i32
          %get3A_589 = arith.index_cast %get3A_588 : i32 to index
          %get3A_590 = arith.index_cast %scan3A_442 : i32 to index
          %get3A_591 = arith.constant 80 : index
          %get3A_592 = tpu.vector_load %arg9[%get3A_589, %get3A_590, %get3A_591] {strides = array<i32>} : memref<3x80x128xf32, #tpu.memory_space<vmem>>, vector<1x1x16xf32>,
          %get3A_593 = vector.shape_cast %get3A_592 : vector<1x1x16xf32> to vector<16xf32>
          %get3A_594 = arith.constant 0 : i32
          %get3A_595 = arith.index_cast %get3A_594 : i32 to index
          %get3A_596 = arith.index_cast %scan3A_442 : i32 to index
          %get3A_597 = arith.constant 80 : index
          %get3A_598 = tpu.vector_load %arg10[%get3A_595, %get3A_596, %get3A_597] {strides = array<i32>} : memref<3x80x128xf32, #tpu.memory_space<vmem>>, vector<1x1x16xf32>,
          %get3A_599 = vector.shape_cast %get3A_598 : vector<1x1x16xf32> to vector<16xf32>
          %add3A_600 = arith.addf %get3A_593, %get3A_599 : vector<16xf32>
          %bitcast_convert_type3A_601 = tpu.bitcast %add3A_587 : vector<16xf32> -> vector<16xi32>
          %shift_right_logical3A_602 = arith.constant 16 : i32
          %shift_right_logical3A_603 = vector.broadcast %shift_right_logical3A_602 : i32 to vector<16xi32>
          %shift_right_logical3A_604 = arith.shrui %bitcast_convert_type3A_601, %shift_right_logical3A_603 : vector<16xi32>
          %and3A_605 = arith.constant 1 : i32
          %and3A_606 = vector.broadcast %and3A_605 : i32 to vector<16xi32>
          %and3A_607 = arith.andi %shift_right_logical3A_604, %and3A_606 : vector<16xi32>
          %add3A_608 = arith.constant 32767 : i32
          %add3A_609 = vector.broadcast %add3A_608 : i32 to vector<16xi32>
          %add3A_610 = arith.addi %add3A_609, %and3A_607 : vector<16xi32>
          %add3A_611 = arith.addi %bitcast_convert_type3A_601, %add3A_610 : vector<16xi32>
          %shift_right_logical3A_612 = arith.constant 16 : i32
          %shift_right_logical3A_613 = vector.broadcast %shift_right_logical3A_612 : i32 to vector<16xi32>
          %shift_right_logical3A_614 = arith.shrui %add3A_611, %shift_right_logical3A_613 : vector<16xi32>
          %bitcast_convert_type3A_615 = tpu.bitcast %add3A_600 : vector<16xf32> -> vector<16xi32>
          %shift_right_logical3A_616 = arith.constant 16 : i32
          %shift_right_logical3A_617 = vector.broadcast %shift_right_logical3A_616 : i32 to vector<16xi32>
          %shift_right_logical3A_618 = arith.shrui %bitcast_convert_type3A_615, %shift_right_logical3A_617 : vector<16xi32>
          %and3A_619 = arith.constant 1 : i32
          %and3A_620 = vector.broadcast %and3A_619 : i32 to vector<16xi32>
          %and3A_621 = arith.andi %shift_right_logical3A_618, %and3A_620 : vector<16xi32>
          %add3A_622 = arith.constant 32767 : i32
          %add3A_623 = vector.broadcast %add3A_622 : i32 to vector<16xi32>
          %add3A_624 = arith.addi %add3A_623, %and3A_621 : vector<16xi32>
          %add3A_625 = arith.addi %bitcast_convert_type3A_615, %add3A_624 : vector<16xi32>
          %shift_right_logical3A_626 = arith.constant 16 : i32
          %shift_right_logical3A_627 = vector.broadcast %shift_right_logical3A_626 : i32 to vector<16xi32>
          %shift_right_logical3A_628 = arith.shrui %add3A_625, %shift_right_logical3A_627 : vector<16xi32>
          %shift_left3A_629 = arith.constant 16 : i32
          %shift_left3A_630 = vector.broadcast %shift_left3A_629 : i32 to vector<16xi32>
          %shift_left3A_631 = arith.shli %shift_right_logical3A_628, %shift_left3A_630 : vector<16xi32>
          %or3A_632 = arith.ori %shift_right_logical3A_614, %shift_left3A_631 : vector<16xi32>
          %bitcast_convert_type3A_633 = tpu.bitcast %or3A_632 : vector<16xi32> -> vector<16xf32>
          %swap3A_634 = arith.constant 0 : i32
          %swap3A_635 = arith.index_cast %swap3A_634 : i32 to index
          %swap3A_636 = arith.index_cast %scan3A_442 : i32 to index
          %swap3A_637 = arith.constant 32 : index
          %swap3A_638 = tpu.vector_load %arg11[%swap3A_635, %swap3A_636, %swap3A_637] {strides = array<i32>} : memref<3x80x64xf32, #tpu.memory_space<vmem>>, vector<1x1x16xf32>,
          %swap3A_639 = vector.shape_cast %swap3A_638 : vector<1x1x16xf32> to vector<16xf32>
          %swap3A_640 = vector.shape_cast %bitcast_convert_type3A_633 : vector<16xf32> to vector<1x1x16xf32>
          tpu.vector_store %arg11[%swap3A_635, %swap3A_636, %swap3A_637], %swap3A_640 {strides = array<i32>} : memref<3x80x64xf32, #tpu.memory_space<vmem>>, vector<1x1x16xf32>,
          %get3A_641 = arith.constant 0 : i32
          %get3A_642 = arith.index_cast %get3A_641 : i32 to index
          %get3A_643 = arith.index_cast %scan3A_442 : i32 to index
          %get3A_644 = arith.constant 96 : index
          %get3A_645 = tpu.vector_load %arg9[%get3A_642, %get3A_643, %get3A_644] {strides = array<i32>} : memref<3x80x128xf32, #tpu.memory_space<vmem>>, vector<1x1x16xf32>,
          %get3A_646 = vector.shape_cast %get3A_645 : vector<1x1x16xf32> to vector<16xf32>
          %get3A_647 = arith.constant 0 : i32
          %get3A_648 = arith.index_cast %get3A_647 : i32 to index
          %get3A_649 = arith.index_cast %scan3A_442 : i32 to index
          %get3A_650 = arith.constant 96 : index
          %get3A_651 = tpu.vector_load %arg10[%get3A_648, %get3A_649, %get3A_650] {strides = array<i32>} : memref<3x80x128xf32, #tpu.memory_space<vmem>>, vector<1x1x16xf32>,
          %get3A_652 = vector.shape_cast %get3A_651 : vector<1x1x16xf32> to vector<16xf32>
          %add3A_653 = arith.addf %get3A_646, %get3A_652 : vector<16xf32>
          %get3A_654 = arith.constant 0 : i32
          %get3A_655 = arith.index_cast %get3A_654 : i32 to index
          %get3A_656 = arith.index_cast %scan3A_442 : i32 to index
          %get3A_657 = arith.constant 112 : index
          %get3A_658 = tpu.vector_load %arg9[%get3A_655, %get3A_656, %get3A_657] {strides = array<i32>} : memref<3x80x128xf32, #tpu.memory_space<vmem>>, vector<1x1x16xf32>,
          %get3A_659 = vector.shape_cast %get3A_658 : vector<1x1x16xf32> to vector<16xf32>
          %get3A_660 = arith.constant 0 : i32
          %get3A_661 = arith.index_cast %get3A_660 : i32 to index
          %get3A_662 = arith.index_cast %scan3A_442 : i32 to index
          %get3A_663 = arith.constant 112 : index
          %get3A_664 = tpu.vector_load %arg10[%get3A_661, %get3A_662, %get3A_663] {strides = array<i32>} : memref<3x80x128xf32, #tpu.memory_space<vmem>>, vector<1x1x16xf32>,
          %get3A_665 = vector.shape_cast %get3A_664 : vector<1x1x16xf32> to vector<16xf32>
          %add3A_666 = arith.addf %get3A_659, %get3A_665 : vector<16xf32>
          %bitcast_convert_type3A_667 = tpu.bitcast %add3A_653 : vector<16xf32> -> vector<16xi32>
          %shift_right_logical3A_668 = arith.constant 16 : i32
          %shift_right_logical3A_669 = vector.broadcast %shift_right_logical3A_668 : i32 to vector<16xi32>
          %shift_right_logical3A_670 = arith.shrui %bitcast_convert_type3A_667, %shift_right_logical3A_669 : vector<16xi32>
          %and3A_671 = arith.constant 1 : i32
          %and3A_672 = vector.broadcast %and3A_671 : i32 to vector<16xi32>
          %and3A_673 = arith.andi %shift_right_logical3A_670, %and3A_672 : vector<16xi32>
          %add3A_674 = arith.constant 32767 : i32
          %add3A_675 = vector.broadcast %add3A_674 : i32 to vector<16xi32>
          %add3A_676 = arith.addi %add3A_675, %and3A_673 : vector<16xi32>
          %add3A_677 = arith.addi %bitcast_convert_type3A_667, %add3A_676 : vector<16xi32>
          %shift_right_logical3A_678 = arith.constant 16 : i32
          %shift_right_logical3A_679 = vector.broadcast %shift_right_logical3A_678 : i32 to vector<16xi32>
          %shift_right_logical3A_680 = arith.shrui %add3A_677, %shift_right_logical3A_679 : vector<16xi32>
          %bitcast_convert_type3A_681 = tpu.bitcast %add3A_666 : vector<16xf32> -> vector<16xi32>
          %shift_right_logical3A_682 = arith.constant 16 : i32
          %shift_right_logical3A_683 = vector.broadcast %shift_right_logical3A_682 : i32 to vector<16xi32>
          %shift_right_logical3A_684 = arith.shrui %bitcast_convert_type3A_681, %shift_right_logical3A_683 : vector<16xi32>
          %and3A_685 = arith.constant 1 : i32
          %and3A_686 = vector.broadcast %and3A_685 : i32 to vector<16xi32>
          %and3A_687 = arith.andi %shift_right_logical3A_684, %and3A_686 : vector<16xi32>
          %add3A_688 = arith.constant 32767 : i32
          %add3A_689 = vector.broadcast %add3A_688 : i32 to vector<16xi32>
          %add3A_690 = arith.addi %add3A_689, %and3A_687 : vector<16xi32>
          %add3A_691 = arith.addi %bitcast_convert_type3A_681, %add3A_690 : vector<16xi32>
          %shift_right_logical3A_692 = arith.constant 16 : i32
          %shift_right_logical3A_693 = vector.broadcast %shift_right_logical3A_692 : i32 to vector<16xi32>
          %shift_right_logical3A_694 = arith.shrui %add3A_691, %shift_right_logical3A_693 : vector<16xi32>
          %shift_left3A_695 = arith.constant 16 : i32
          %shift_left3A_696 = vector.broadcast %shift_left3A_695 : i32 to vector<16xi32>
          %shift_left3A_697 = arith.shli %shift_right_logical3A_694, %shift_left3A_696 : vector<16xi32>
          %or3A_698 = arith.ori %shift_right_logical3A_680, %shift_left3A_697 : vector<16xi32>
          %bitcast_convert_type3A_699 = tpu.bitcast %or3A_698 : vector<16xi32> -> vector<16xf32>
          %swap3A_700 = arith.constant 0 : i32
          %swap3A_701 = arith.index_cast %swap3A_700 : i32 to index
          %swap3A_702 = arith.index_cast %scan3A_442 : i32 to index
          %swap3A_703 = arith.constant 48 : index
          %swap3A_704 = tpu.vector_load %arg11[%swap3A_701, %swap3A_702, %swap3A_703] {strides = array<i32>} : memref<3x80x64xf32, #tpu.memory_space<vmem>>, vector<1x1x16xf32>,
          %swap3A_705 = vector.shape_cast %swap3A_704 : vector<1x1x16xf32> to vector<16xf32>
          %swap3A_706 = vector.shape_cast %bitcast_convert_type3A_699 : vector<16xf32> to vector<1x1x16xf32>
          tpu.vector_store %arg11[%swap3A_701, %swap3A_702, %swap3A_703], %swap3A_706 {strides = array<i32>} : memref<3x80x64xf32, #tpu.memory_space<vmem>>, vector<1x1x16xf32>,
        }
        %scan3A_182 = arith.constant 80 : i32
      } else {
      }
      %eq3A_150 = arith.constant 1 : i32
      %eq3A_151 = arith.cmpi eq, %rem3A_113, %eq3A_150 : i32
      %convert_element_type3A_152 = arith.extui %eq3A_151 : i1 to i32
      %cond3A_153 = arith.constant 0 : i32
      %cond3A_154 = arith.cmpi ne, %convert_element_type3A_152, %cond3A_153 : i32
      scf.if %cond3A_154 {
        %scan3A_177 = arith.constant 0 : i32
        %scan3A_178 = arith.constant 0 : i32
        %scan3A_179 = arith.constant 80 : i32
        %scan3A_180 = arith.addi %scan3A_178, %scan3A_179 : i32
        %scan3A_181 = arith.constant 2 : i32
        scf.for %scan3A_183 = %scan3A_178 to %scan3A_180 step %scan3A_181  : i32 {
          %get3A = arith.constant 1 : i32
          %get3A_184 = arith.index_cast %get3A : i32 to index
          %get3A_185 = arith.index_cast %scan3A_183 : i32 to index
          %get3A_186 = arith.constant 0 : index
          %get3A_187 = tpu.vector_load %arg9[%get3A_184, %get3A_185, %get3A_186] {strides = array<i32>} : memref<3x80x128xf32, #tpu.memory_space<vmem>>, vector<1x1x16xf32>,
          %get3A_188 = vector.shape_cast %get3A_187 : vector<1x1x16xf32> to vector<16xf32>
          %get3A_189 = arith.constant 1 : i32
          %get3A_190 = arith.index_cast %get3A_189 : i32 to index
          %get3A_191 = arith.index_cast %scan3A_183 : i32 to index
          %get3A_192 = arith.constant 0 : index
          %get3A_193 = tpu.vector_load %arg10[%get3A_190, %get3A_191, %get3A_192] {strides = array<i32>} : memref<3x80x128xf32, #tpu.memory_space<vmem>>, vector<1x1x16xf32>,
          %get3A_194 = vector.shape_cast %get3A_193 : vector<1x1x16xf32> to vector<16xf32>
          %add3A_195 = arith.addf %get3A_188, %get3A_194 : vector<16xf32>
          %get3A_196 = arith.constant 1 : i32
          %get3A_197 = arith.index_cast %get3A_196 : i32 to index
          %get3A_198 = arith.index_cast %scan3A_183 : i32 to index
          %get3A_199 = arith.constant 16 : index
          %get3A_200 = tpu.vector_load %arg9[%get3A_197, %get3A_198, %get3A_199] {strides = array<i32>} : memref<3x80x128xf32, #tpu.memory_space<vmem>>, vector<1x1x16xf32>,
          %get3A_201 = vector.shape_cast %get3A_200 : vector<1x1x16xf32> to vector<16xf32>
          %get3A_202 = arith.constant 1 : i32
          %get3A_203 = arith.index_cast %get3A_202 : i32 to index
          %get3A_204 = arith.index_cast %scan3A_183 : i32 to index
          %get3A_205 = arith.constant 16 : index
          %get3A_206 = tpu.vector_load %arg10[%get3A_203, %get3A_204, %get3A_205] {strides = array<i32>} : memref<3x80x128xf32, #tpu.memory_space<vmem>>, vector<1x1x16xf32>,
          %get3A_207 = vector.shape_cast %get3A_206 : vector<1x1x16xf32> to vector<16xf32>
          %add3A_208 = arith.addf %get3A_201, %get3A_207 : vector<16xf32>
          %bitcast_convert_type3A = tpu.bitcast %add3A_195 : vector<16xf32> -> vector<16xi32>
          %shift_right_logical3A = arith.constant 16 : i32
          %shift_right_logical3A_209 = vector.broadcast %shift_right_logical3A : i32 to vector<16xi32>
          %shift_right_logical3A_210 = arith.shrui %bitcast_convert_type3A, %shift_right_logical3A_209 : vector<16xi32>
          %and3A = arith.constant 1 : i32
          %and3A_211 = vector.broadcast %and3A : i32 to vector<16xi32>
          %and3A_212 = arith.andi %shift_right_logical3A_210, %and3A_211 : vector<16xi32>
          %add3A_213 = arith.constant 32767 : i32
          %add3A_214 = vector.broadcast %add3A_213 : i32 to vector<16xi32>
          %add3A_215 = arith.addi %add3A_214, %and3A_212 : vector<16xi32>
          %add3A_216 = arith.addi %bitcast_convert_type3A, %add3A_215 : vector<16xi32>
          %shift_right_logical3A_217 = arith.constant 16 : i32
          %shift_right_logical3A_218 = vector.broadcast %shift_right_logical3A_217 : i32 to vector<16xi32>
          %shift_right_logical3A_219 = arith.shrui %add3A_216, %shift_right_logical3A_218 : vector<16xi32>
          %bitcast_convert_type3A_220 = tpu.bitcast %add3A_208 : vector<16xf32> -> vector<16xi32>
          %shift_right_logical3A_221 = arith.constant 16 : i32
          %shift_right_logical3A_222 = vector.broadcast %shift_right_logical3A_221 : i32 to vector<16xi32>
          %shift_right_logical3A_223 = arith.shrui %bitcast_convert_type3A_220, %shift_right_logical3A_222 : vector<16xi32>
          %and3A_224 = arith.constant 1 : i32
          %and3A_225 = vector.broadcast %and3A_224 : i32 to vector<16xi32>
          %and3A_226 = arith.andi %shift_right_logical3A_223, %and3A_225 : vector<16xi32>
          %add3A_227 = arith.constant 32767 : i32
          %add3A_228 = vector.broadcast %add3A_227 : i32 to vector<16xi32>
          %add3A_229 = arith.addi %add3A_228, %and3A_226 : vector<16xi32>
          %add3A_230 = arith.addi %bitcast_convert_type3A_220, %add3A_229 : vector<16xi32>
          %shift_right_logical3A_231 = arith.constant 16 : i32
          %shift_right_logical3A_232 = vector.broadcast %shift_right_logical3A_231 : i32 to vector<16xi32>
          %shift_right_logical3A_233 = arith.shrui %add3A_230, %shift_right_logical3A_232 : vector<16xi32>
          %shift_left3A = arith.constant 16 : i32
          %shift_left3A_234 = vector.broadcast %shift_left3A : i32 to vector<16xi32>
          %shift_left3A_235 = arith.shli %shift_right_logical3A_233, %shift_left3A_234 : vector<16xi32>
          %or3A = arith.ori %shift_right_logical3A_219, %shift_left3A_235 : vector<16xi32>
          %bitcast_convert_type3A_236 = tpu.bitcast %or3A : vector<16xi32> -> vector<16xf32>
          %swap3A = arith.constant 1 : i32
          %swap3A_237 = arith.index_cast %swap3A : i32 to index
          %swap3A_238 = arith.index_cast %scan3A_183 : i32 to index
          %swap3A_239 = arith.constant 0 : index
          %swap3A_240 = tpu.vector_load %arg11[%swap3A_237, %swap3A_238, %swap3A_239] {strides = array<i32>} : memref<3x80x64xf32, #tpu.memory_space<vmem>>, vector<1x1x16xf32>,
          %swap3A_241 = vector.shape_cast %swap3A_240 : vector<1x1x16xf32> to vector<16xf32>
          %swap3A_242 = vector.shape_cast %bitcast_convert_type3A_236 : vector<16xf32> to vector<1x1x16xf32>
          tpu.vector_store %arg11[%swap3A_237, %swap3A_238, %swap3A_239], %swap3A_242 {strides = array<i32>} : memref<3x80x64xf32, #tpu.memory_space<vmem>>, vector<1x1x16xf32>,
          %get3A_243 = arith.constant 1 : i32
          %get3A_244 = arith.index_cast %get3A_243 : i32 to index
          %get3A_245 = arith.index_cast %scan3A_183 : i32 to index
          %get3A_246 = arith.constant 32 : index
          %get3A_247 = tpu.vector_load %arg9[%get3A_244, %get3A_245, %get3A_246] {strides = array<i32>} : memref<3x80x128xf32, #tpu.memory_space<vmem>>, vector<1x1x16xf32>,
          %get3A_248 = vector.shape_cast %get3A_247 : vector<1x1x16xf32> to vector<16xf32>
          %get3A_249 = arith.constant 1 : i32
          %get3A_250 = arith.index_cast %get3A_249 : i32 to index
          %get3A_251 = arith.index_cast %scan3A_183 : i32 to index
          %get3A_252 = arith.constant 32 : index
          %get3A_253 = tpu.vector_load %arg10[%get3A_250, %get3A_251, %get3A_252] {strides = array<i32>} : memref<3x80x128xf32, #tpu.memory_space<vmem>>, vector<1x1x16xf32>,
          %get3A_254 = vector.shape_cast %get3A_253 : vector<1x1x16xf32> to vector<16xf32>
          %add3A_255 = arith.addf %get3A_248, %get3A_254 : vector<16xf32>
          %get3A_256 = arith.constant 1 : i32
          %get3A_257 = arith.index_cast %get3A_256 : i32 to index
          %get3A_258 = arith.index_cast %scan3A_183 : i32 to index
          %get3A_259 = arith.constant 48 : index
          %get3A_260 = tpu.vector_load %arg9[%get3A_257, %get3A_258, %get3A_259] {strides = array<i32>} : memref<3x80x128xf32, #tpu.memory_space<vmem>>, vector<1x1x16xf32>,
          %get3A_261 = vector.shape_cast %get3A_260 : vector<1x1x16xf32> to vector<16xf32>
          %get3A_262 = arith.constant 1 : i32
          %get3A_263 = arith.index_cast %get3A_262 : i32 to index
          %get3A_264 = arith.index_cast %scan3A_183 : i32 to index
          %get3A_265 = arith.constant 48 : index
          %get3A_266 = tpu.vector_load %arg10[%get3A_263, %get3A_264, %get3A_265] {strides = array<i32>} : memref<3x80x128xf32, #tpu.memory_space<vmem>>, vector<1x1x16xf32>,
          %get3A_267 = vector.shape_cast %get3A_266 : vector<1x1x16xf32> to vector<16xf32>
          %add3A_268 = arith.addf %get3A_261, %get3A_267 : vector<16xf32>
          %bitcast_convert_type3A_269 = tpu.bitcast %add3A_255 : vector<16xf32> -> vector<16xi32>
          %shift_right_logical3A_270 = arith.constant 16 : i32
          %shift_right_logical3A_271 = vector.broadcast %shift_right_logical3A_270 : i32 to vector<16xi32>
          %shift_right_logical3A_272 = arith.shrui %bitcast_convert_type3A_269, %shift_right_logical3A_271 : vector<16xi32>
          %and3A_273 = arith.constant 1 : i32
          %and3A_274 = vector.broadcast %and3A_273 : i32 to vector<16xi32>
          %and3A_275 = arith.andi %shift_right_logical3A_272, %and3A_274 : vector<16xi32>
          %add3A_276 = arith.constant 32767 : i32
          %add3A_277 = vector.broadcast %add3A_276 : i32 to vector<16xi32>
          %add3A_278 = arith.addi %add3A_277, %and3A_275 : vector<16xi32>
          %add3A_279 = arith.addi %bitcast_convert_type3A_269, %add3A_278 : vector<16xi32>
          %shift_right_logical3A_280 = arith.constant 16 : i32
          %shift_right_logical3A_281 = vector.broadcast %shift_right_logical3A_280 : i32 to vector<16xi32>
          %shift_right_logical3A_282 = arith.shrui %add3A_279, %shift_right_logical3A_281 : vector<16xi32>
          %bitcast_convert_type3A_283 = tpu.bitcast %add3A_268 : vector<16xf32> -> vector<16xi32>
          %shift_right_logical3A_284 = arith.constant 16 : i32
          %shift_right_logical3A_285 = vector.broadcast %shift_right_logical3A_284 : i32 to vector<16xi32>
          %shift_right_logical3A_286 = arith.shrui %bitcast_convert_type3A_283, %shift_right_logical3A_285 : vector<16xi32>
          %and3A_287 = arith.constant 1 : i32
          %and3A_288 = vector.broadcast %and3A_287 : i32 to vector<16xi32>
          %and3A_289 = arith.andi %shift_right_logical3A_286, %and3A_288 : vector<16xi32>
          %add3A_290 = arith.constant 32767 : i32
          %add3A_291 = vector.broadcast %add3A_290 : i32 to vector<16xi32>
          %add3A_292 = arith.addi %add3A_291, %and3A_289 : vector<16xi32>
          %add3A_293 = arith.addi %bitcast_convert_type3A_283, %add3A_292 : vector<16xi32>
          %shift_right_logical3A_294 = arith.constant 16 : i32
          %shift_right_logical3A_295 = vector.broadcast %shift_right_logical3A_294 : i32 to vector<16xi32>
          %shift_right_logical3A_296 = arith.shrui %add3A_293, %shift_right_logical3A_295 : vector<16xi32>
          %shift_left3A_297 = arith.constant 16 : i32
          %shift_left3A_298 = vector.broadcast %shift_left3A_297 : i32 to vector<16xi32>
          %shift_left3A_299 = arith.shli %shift_right_logical3A_296, %shift_left3A_298 : vector<16xi32>
          %or3A_300 = arith.ori %shift_right_logical3A_282, %shift_left3A_299 : vector<16xi32>
          %bitcast_convert_type3A_301 = tpu.bitcast %or3A_300 : vector<16xi32> -> vector<16xf32>
          %swap3A_302 = arith.constant 1 : i32
          %swap3A_303 = arith.index_cast %swap3A_302 : i32 to index
          %swap3A_304 = arith.index_cast %scan3A_183 : i32 to index
          %swap3A_305 = arith.constant 16 : index
          %swap3A_306 = tpu.vector_load %arg11[%swap3A_303, %swap3A_304, %swap3A_305] {strides = array<i32>} : memref<3x80x64xf32, #tpu.memory_space<vmem>>, vector<1x1x16xf32>,
          %swap3A_307 = vector.shape_cast %swap3A_306 : vector<1x1x16xf32> to vector<16xf32>
          %swap3A_308 = vector.shape_cast %bitcast_convert_type3A_301 : vector<16xf32> to vector<1x1x16xf32>
          tpu.vector_store %arg11[%swap3A_303, %swap3A_304, %swap3A_305], %swap3A_308 {strides = array<i32>} : memref<3x80x64xf32, #tpu.memory_space<vmem>>, vector<1x1x16xf32>,
          %get3A_309 = arith.constant 1 : i32
          %get3A_310 = arith.index_cast %get3A_309 : i32 to index
          %get3A_311 = arith.index_cast %scan3A_183 : i32 to index
          %get3A_312 = arith.constant 64 : index
          %get3A_313 = tpu.vector_load %arg9[%get3A_310, %get3A_311, %get3A_312] {strides = array<i32>} : memref<3x80x128xf32, #tpu.memory_space<vmem>>, vector<1x1x16xf32>,
          %get3A_314 = vector.shape_cast %get3A_313 : vector<1x1x16xf32> to vector<16xf32>
          %get3A_315 = arith.constant 1 : i32
          %get3A_316 = arith.index_cast %get3A_315 : i32 to index
          %get3A_317 = arith.index_cast %scan3A_183 : i32 to index
          %get3A_318 = arith.constant 64 : index
          %get3A_319 = tpu.vector_load %arg10[%get3A_316, %get3A_317, %get3A_318] {strides = array<i32>} : memref<3x80x128xf32, #tpu.memory_space<vmem>>, vector<1x1x16xf32>,
          %get3A_320 = vector.shape_cast %get3A_319 : vector<1x1x16xf32> to vector<16xf32>
          %add3A_321 = arith.addf %get3A_314, %get3A_320 : vector<16xf32>
          %get3A_322 = arith.constant 1 : i32
          %get3A_323 = arith.index_cast %get3A_322 : i32 to index
          %get3A_324 = arith.index_cast %scan3A_183 : i32 to index
          %get3A_325 = arith.constant 80 : index
          %get3A_326 = tpu.vector_load %arg9[%get3A_323, %get3A_324, %get3A_325] {strides = array<i32>} : memref<3x80x128xf32, #tpu.memory_space<vmem>>, vector<1x1x16xf32>,
          %get3A_327 = vector.shape_cast %get3A_326 : vector<1x1x16xf32> to vector<16xf32>
          %get3A_328 = arith.constant 1 : i32
          %get3A_329 = arith.index_cast %get3A_328 : i32 to index
          %get3A_330 = arith.index_cast %scan3A_183 : i32 to index
          %get3A_331 = arith.constant 80 : index
          %get3A_332 = tpu.vector_load %arg10[%get3A_329, %get3A_330, %get3A_331] {strides = array<i32>} : memref<3x80x128xf32, #tpu.memory_space<vmem>>, vector<1x1x16xf32>,
          %get3A_333 = vector.shape_cast %get3A_332 : vector<1x1x16xf32> to vector<16xf32>
          %add3A_334 = arith.addf %get3A_327, %get3A_333 : vector<16xf32>
          %bitcast_convert_type3A_335 = tpu.bitcast %add3A_321 : vector<16xf32> -> vector<16xi32>
          %shift_right_logical3A_336 = arith.constant 16 : i32
          %shift_right_logical3A_337 = vector.broadcast %shift_right_logical3A_336 : i32 to vector<16xi32>
          %shift_right_logical3A_338 = arith.shrui %bitcast_convert_type3A_335, %shift_right_logical3A_337 : vector<16xi32>
          %and3A_339 = arith.constant 1 : i32
          %and3A_340 = vector.broadcast %and3A_339 : i32 to vector<16xi32>
          %and3A_341 = arith.andi %shift_right_logical3A_338, %and3A_340 : vector<16xi32>
          %add3A_342 = arith.constant 32767 : i32
          %add3A_343 = vector.broadcast %add3A_342 : i32 to vector<16xi32>
          %add3A_344 = arith.addi %add3A_343, %and3A_341 : vector<16xi32>
          %add3A_345 = arith.addi %bitcast_convert_type3A_335, %add3A_344 : vector<16xi32>
          %shift_right_logical3A_346 = arith.constant 16 : i32
          %shift_right_logical3A_347 = vector.broadcast %shift_right_logical3A_346 : i32 to vector<16xi32>
          %shift_right_logical3A_348 = arith.shrui %add3A_345, %shift_right_logical3A_347 : vector<16xi32>
          %bitcast_convert_type3A_349 = tpu.bitcast %add3A_334 : vector<16xf32> -> vector<16xi32>
          %shift_right_logical3A_350 = arith.constant 16 : i32
          %shift_right_logical3A_351 = vector.broadcast %shift_right_logical3A_350 : i32 to vector<16xi32>
          %shift_right_logical3A_352 = arith.shrui %bitcast_convert_type3A_349, %shift_right_logical3A_351 : vector<16xi32>
          %and3A_353 = arith.constant 1 : i32
          %and3A_354 = vector.broadcast %and3A_353 : i32 to vector<16xi32>
          %and3A_355 = arith.andi %shift_right_logical3A_352, %and3A_354 : vector<16xi32>
          %add3A_356 = arith.constant 32767 : i32
          %add3A_357 = vector.broadcast %add3A_356 : i32 to vector<16xi32>
          %add3A_358 = arith.addi %add3A_357, %and3A_355 : vector<16xi32>
          %add3A_359 = arith.addi %bitcast_convert_type3A_349, %add3A_358 : vector<16xi32>
          %shift_right_logical3A_360 = arith.constant 16 : i32
          %shift_right_logical3A_361 = vector.broadcast %shift_right_logical3A_360 : i32 to vector<16xi32>
          %shift_right_logical3A_362 = arith.shrui %add3A_359, %shift_right_logical3A_361 : vector<16xi32>
          %shift_left3A_363 = arith.constant 16 : i32
          %shift_left3A_364 = vector.broadcast %shift_left3A_363 : i32 to vector<16xi32>
          %shift_left3A_365 = arith.shli %shift_right_logical3A_362, %shift_left3A_364 : vector<16xi32>
          %or3A_366 = arith.ori %shift_right_logical3A_348, %shift_left3A_365 : vector<16xi32>
          %bitcast_convert_type3A_367 = tpu.bitcast %or3A_366 : vector<16xi32> -> vector<16xf32>
          %swap3A_368 = arith.constant 1 : i32
          %swap3A_369 = arith.index_cast %swap3A_368 : i32 to index
          %swap3A_370 = arith.index_cast %scan3A_183 : i32 to index
          %swap3A_371 = arith.constant 32 : index
          %swap3A_372 = tpu.vector_load %arg11[%swap3A_369, %swap3A_370, %swap3A_371] {strides = array<i32>} : memref<3x80x64xf32, #tpu.memory_space<vmem>>, vector<1x1x16xf32>,
          %swap3A_373 = vector.shape_cast %swap3A_372 : vector<1x1x16xf32> to vector<16xf32>
          %swap3A_374 = vector.shape_cast %bitcast_convert_type3A_367 : vector<16xf32> to vector<1x1x16xf32>
          tpu.vector_store %arg11[%swap3A_369, %swap3A_370, %swap3A_371], %swap3A_374 {strides = array<i32>} : memref<3x80x64xf32, #tpu.memory_space<vmem>>, vector<1x1x16xf32>,
          %get3A_375 = arith.constant 1 : i32
          %get3A_376 = arith.index_cast %get3A_375 : i32 to index
          %get3A_377 = arith.index_cast %scan3A_183 : i32 to index
          %get3A_378 = arith.constant 96 : index
          %get3A_379 = tpu.vector_load %arg9[%get3A_376, %get3A_377, %get3A_378] {strides = array<i32>} : memref<3x80x128xf32, #tpu.memory_space<vmem>>, vector<1x1x16xf32>,
          %get3A_380 = vector.shape_cast %get3A_379 : vector<1x1x16xf32> to vector<16xf32>
          %get3A_381 = arith.constant 1 : i32
          %get3A_382 = arith.index_cast %get3A_381 : i32 to index
          %get3A_383 = arith.index_cast %scan3A_183 : i32 to index
          %get3A_384 = arith.constant 96 : index
          %get3A_385 = tpu.vector_load %arg10[%get3A_382, %get3A_383, %get3A_384] {strides = array<i32>} : memref<3x80x128xf32, #tpu.memory_space<vmem>>, vector<1x1x16xf32>,
          %get3A_386 = vector.shape_cast %get3A_385 : vector<1x1x16xf32> to vector<16xf32>
          %add3A_387 = arith.addf %get3A_380, %get3A_386 : vector<16xf32>
          %get3A_388 = arith.constant 1 : i32
          %get3A_389 = arith.index_cast %get3A_388 : i32 to index
          %get3A_390 = arith.index_cast %scan3A_183 : i32 to index
          %get3A_391 = arith.constant 112 : index
          %get3A_392 = tpu.vector_load %arg9[%get3A_389, %get3A_390, %get3A_391] {strides = array<i32>} : memref<3x80x128xf32, #tpu.memory_space<vmem>>, vector<1x1x16xf32>,
          %get3A_393 = vector.shape_cast %get3A_392 : vector<1x1x16xf32> to vector<16xf32>
          %get3A_394 = arith.constant 1 : i32
          %get3A_395 = arith.index_cast %get3A_394 : i32 to index
          %get3A_396 = arith.index_cast %scan3A_183 : i32 to index
          %get3A_397 = arith.constant 112 : index
          %get3A_398 = tpu.vector_load %arg10[%get3A_395, %get3A_396, %get3A_397] {strides = array<i32>} : memref<3x80x128xf32, #tpu.memory_space<vmem>>, vector<1x1x16xf32>,
          %get3A_399 = vector.shape_cast %get3A_398 : vector<1x1x16xf32> to vector<16xf32>
          %add3A_400 = arith.addf %get3A_393, %get3A_399 : vector<16xf32>
          %bitcast_convert_type3A_401 = tpu.bitcast %add3A_387 : vector<16xf32> -> vector<16xi32>
          %shift_right_logical3A_402 = arith.constant 16 : i32
          %shift_right_logical3A_403 = vector.broadcast %shift_right_logical3A_402 : i32 to vector<16xi32>
          %shift_right_logical3A_404 = arith.shrui %bitcast_convert_type3A_401, %shift_right_logical3A_403 : vector<16xi32>
          %and3A_405 = arith.constant 1 : i32
          %and3A_406 = vector.broadcast %and3A_405 : i32 to vector<16xi32>
          %and3A_407 = arith.andi %shift_right_logical3A_404, %and3A_406 : vector<16xi32>
          %add3A_408 = arith.constant 32767 : i32
          %add3A_409 = vector.broadcast %add3A_408 : i32 to vector<16xi32>
          %add3A_410 = arith.addi %add3A_409, %and3A_407 : vector<16xi32>
          %add3A_411 = arith.addi %bitcast_convert_type3A_401, %add3A_410 : vector<16xi32>
          %shift_right_logical3A_412 = arith.constant 16 : i32
          %shift_right_logical3A_413 = vector.broadcast %shift_right_logical3A_412 : i32 to vector<16xi32>
          %shift_right_logical3A_414 = arith.shrui %add3A_411, %shift_right_logical3A_413 : vector<16xi32>
          %bitcast_convert_type3A_415 = tpu.bitcast %add3A_400 : vector<16xf32> -> vector<16xi32>
          %shift_right_logical3A_416 = arith.constant 16 : i32
          %shift_right_logical3A_417 = vector.broadcast %shift_right_logical3A_416 : i32 to vector<16xi32>
          %shift_right_logical3A_418 = arith.shrui %bitcast_convert_type3A_415, %shift_right_logical3A_417 : vector<16xi32>
          %and3A_419 = arith.constant 1 : i32
          %and3A_420 = vector.broadcast %and3A_419 : i32 to vector<16xi32>
          %and3A_421 = arith.andi %shift_right_logical3A_418, %and3A_420 : vector<16xi32>
          %add3A_422 = arith.constant 32767 : i32
          %add3A_423 = vector.broadcast %add3A_422 : i32 to vector<16xi32>
          %add3A_424 = arith.addi %add3A_423, %and3A_421 : vector<16xi32>
          %add3A_425 = arith.addi %bitcast_convert_type3A_415, %add3A_424 : vector<16xi32>
          %shift_right_logical3A_426 = arith.constant 16 : i32
          %shift_right_logical3A_427 = vector.broadcast %shift_right_logical3A_426 : i32 to vector<16xi32>
          %shift_right_logical3A_428 = arith.shrui %add3A_425, %shift_right_logical3A_427 : vector<16xi32>
          %shift_left3A_429 = arith.constant 16 : i32
          %shift_left3A_430 = vector.broadcast %shift_left3A_429 : i32 to vector<16xi32>
          %shift_left3A_431 = arith.shli %shift_right_logical3A_428, %shift_left3A_430 : vector<16xi32>
          %or3A_432 = arith.ori %shift_right_logical3A_414, %shift_left3A_431 : vector<16xi32>
          %bitcast_convert_type3A_433 = tpu.bitcast %or3A_432 : vector<16xi32> -> vector<16xf32>
          %swap3A_434 = arith.constant 1 : i32
          %swap3A_435 = arith.index_cast %swap3A_434 : i32 to index
          %swap3A_436 = arith.index_cast %scan3A_183 : i32 to index
          %swap3A_437 = arith.constant 48 : index
          %swap3A_438 = tpu.vector_load %arg11[%swap3A_435, %swap3A_436, %swap3A_437] {strides = array<i32>} : memref<3x80x64xf32, #tpu.memory_space<vmem>>, vector<1x1x16xf32>,
          %swap3A_439 = vector.shape_cast %swap3A_438 : vector<1x1x16xf32> to vector<16xf32>
          %swap3A_440 = vector.shape_cast %bitcast_convert_type3A_433 : vector<16xf32> to vector<1x1x16xf32>
          tpu.vector_store %arg11[%swap3A_435, %swap3A_436, %swap3A_437], %swap3A_440 {strides = array<i32>} : memref<3x80x64xf32, #tpu.memory_space<vmem>>, vector<1x1x16xf32>,
          %scan3A_441 = arith.constant 1 : i32
          %scan3A_442 = arith.addi %scan3A_183, %scan3A_441 : i32
          %get3A_443 = arith.constant 1 : i32
          %get3A_444 = arith.index_cast %get3A_443 : i32 to index
          %get3A_445 = arith.index_cast %scan3A_442 : i32 to index
          %get3A_446 = arith.constant 0 : index
          %get3A_447 = tpu.vector_load %arg9[%get3A_444, %get3A_445, %get3A_446] {strides = array<i32>} : memref<3x80x128xf32, #tpu.memory_space<vmem>>, vector<1x1x16xf32>,
          %get3A_448 = vector.shape_cast %get3A_447 : vector<1x1x16xf32> to vector<16xf32>
          %get3A_449 = arith.constant 1 : i32
          %get3A_450 = arith.index_cast %get3A_449 : i32 to index
          %get3A_451 = arith.index_cast %scan3A_442 : i32 to index
          %get3A_452 = arith.constant 0 : index
          %get3A_453 = tpu.vector_load %arg10[%get3A_450, %get3A_451, %get3A_452] {strides = array<i32>} : memref<3x80x128xf32, #tpu.memory_space<vmem>>, vector<1x1x16xf32>,
          %get3A_454 = vector.shape_cast %get3A_453 : vector<1x1x16xf32> to vector<16xf32>
          %add3A_455 = arith.addf %get3A_448, %get3A_454 : vector<16xf32>
          %get3A_456 = arith.constant 1 : i32
          %get3A_457 = arith.index_cast %get3A_456 : i32 to index
          %get3A_458 = arith.index_cast %scan3A_442 : i32 to index
          %get3A_459 = arith.constant 16 : index
          %get3A_460 = tpu.vector_load %arg9[%get3A_457, %get3A_458, %get3A_459] {strides = array<i32>} : memref<3x80x128xf32, #tpu.memory_space<vmem>>, vector<1x1x16xf32>,
          %get3A_461 = vector.shape_cast %get3A_460 : vector<1x1x16xf32> to vector<16xf32>
          %get3A_462 = arith.constant 1 : i32
          %get3A_463 = arith.index_cast %get3A_462 : i32 to index
          %get3A_464 = arith.index_cast %scan3A_442 : i32 to index
          %get3A_465 = arith.constant 16 : index
          %get3A_466 = tpu.vector_load %arg10[%get3A_463, %get3A_464, %get3A_465] {strides = array<i32>} : memref<3x80x128xf32, #tpu.memory_space<vmem>>, vector<1x1x16xf32>,
          %get3A_467 = vector.shape_cast %get3A_466 : vector<1x1x16xf32> to vector<16xf32>
          %add3A_468 = arith.addf %get3A_461, %get3A_467 : vector<16xf32>
          %bitcast_convert_type3A_469 = tpu.bitcast %add3A_455 : vector<16xf32> -> vector<16xi32>
          %shift_right_logical3A_470 = arith.constant 16 : i32
          %shift_right_logical3A_471 = vector.broadcast %shift_right_logical3A_470 : i32 to vector<16xi32>
          %shift_right_logical3A_472 = arith.shrui %bitcast_convert_type3A_469, %shift_right_logical3A_471 : vector<16xi32>
          %and3A_473 = arith.constant 1 : i32
          %and3A_474 = vector.broadcast %and3A_473 : i32 to vector<16xi32>
          %and3A_475 = arith.andi %shift_right_logical3A_472, %and3A_474 : vector<16xi32>
          %add3A_476 = arith.constant 32767 : i32
          %add3A_477 = vector.broadcast %add3A_476 : i32 to vector<16xi32>
          %add3A_478 = arith.addi %add3A_477, %and3A_475 : vector<16xi32>
          %add3A_479 = arith.addi %bitcast_convert_type3A_469, %add3A_478 : vector<16xi32>
          %shift_right_logical3A_480 = arith.constant 16 : i32
          %shift_right_logical3A_481 = vector.broadcast %shift_right_logical3A_480 : i32 to vector<16xi32>
          %shift_right_logical3A_482 = arith.shrui %add3A_479, %shift_right_logical3A_481 : vector<16xi32>
          %bitcast_convert_type3A_483 = tpu.bitcast %add3A_468 : vector<16xf32> -> vector<16xi32>
          %shift_right_logical3A_484 = arith.constant 16 : i32
          %shift_right_logical3A_485 = vector.broadcast %shift_right_logical3A_484 : i32 to vector<16xi32>
          %shift_right_logical3A_486 = arith.shrui %bitcast_convert_type3A_483, %shift_right_logical3A_485 : vector<16xi32>
          %and3A_487 = arith.constant 1 : i32
          %and3A_488 = vector.broadcast %and3A_487 : i32 to vector<16xi32>
          %and3A_489 = arith.andi %shift_right_logical3A_486, %and3A_488 : vector<16xi32>
          %add3A_490 = arith.constant 32767 : i32
          %add3A_491 = vector.broadcast %add3A_490 : i32 to vector<16xi32>
          %add3A_492 = arith.addi %add3A_491, %and3A_489 : vector<16xi32>
          %add3A_493 = arith.addi %bitcast_convert_type3A_483, %add3A_492 : vector<16xi32>
          %shift_right_logical3A_494 = arith.constant 16 : i32
          %shift_right_logical3A_495 = vector.broadcast %shift_right_logical3A_494 : i32 to vector<16xi32>
          %shift_right_logical3A_496 = arith.shrui %add3A_493, %shift_right_logical3A_495 : vector<16xi32>
          %shift_left3A_497 = arith.constant 16 : i32
          %shift_left3A_498 = vector.broadcast %shift_left3A_497 : i32 to vector<16xi32>
          %shift_left3A_499 = arith.shli %shift_right_logical3A_496, %shift_left3A_498 : vector<16xi32>
          %or3A_500 = arith.ori %shift_right_logical3A_482, %shift_left3A_499 : vector<16xi32>
          %bitcast_convert_type3A_501 = tpu.bitcast %or3A_500 : vector<16xi32> -> vector<16xf32>
          %swap3A_502 = arith.constant 1 : i32
          %swap3A_503 = arith.index_cast %swap3A_502 : i32 to index
          %swap3A_504 = arith.index_cast %scan3A_442 : i32 to index
          %swap3A_505 = arith.constant 0 : index
          %swap3A_506 = tpu.vector_load %arg11[%swap3A_503, %swap3A_504, %swap3A_505] {strides = array<i32>} : memref<3x80x64xf32, #tpu.memory_space<vmem>>, vector<1x1x16xf32>,
          %swap3A_507 = vector.shape_cast %swap3A_506 : vector<1x1x16xf32> to vector<16xf32>
          %swap3A_508 = vector.shape_cast %bitcast_convert_type3A_501 : vector<16xf32> to vector<1x1x16xf32>
          tpu.vector_store %arg11[%swap3A_503, %swap3A_504, %swap3A_505], %swap3A_508 {strides = array<i32>} : memref<3x80x64xf32, #tpu.memory_space<vmem>>, vector<1x1x16xf32>,
          %get3A_509 = arith.constant 1 : i32
          %get3A_510 = arith.index_cast %get3A_509 : i32 to index
          %get3A_511 = arith.index_cast %scan3A_442 : i32 to index
          %get3A_512 = arith.constant 32 : index
          %get3A_513 = tpu.vector_load %arg9[%get3A_510, %get3A_511, %get3A_512] {strides = array<i32>} : memref<3x80x128xf32, #tpu.memory_space<vmem>>, vector<1x1x16xf32>,
          %get3A_514 = vector.shape_cast %get3A_513 : vector<1x1x16xf32> to vector<16xf32>
          %get3A_515 = arith.constant 1 : i32
          %get3A_516 = arith.index_cast %get3A_515 : i32 to index
          %get3A_517 = arith.index_cast %scan3A_442 : i32 to index
          %get3A_518 = arith.constant 32 : index
          %get3A_519 = tpu.vector_load %arg10[%get3A_516, %get3A_517, %get3A_518] {strides = array<i32>} : memref<3x80x128xf32, #tpu.memory_space<vmem>>, vector<1x1x16xf32>,
          %get3A_520 = vector.shape_cast %get3A_519 : vector<1x1x16xf32> to vector<16xf32>
          %add3A_521 = arith.addf %get3A_514, %get3A_520 : vector<16xf32>
          %get3A_522 = arith.constant 1 : i32
          %get3A_523 = arith.index_cast %get3A_522 : i32 to index
          %get3A_524 = arith.index_cast %scan3A_442 : i32 to index
          %get3A_525 = arith.constant 48 : index
          %get3A_526 = tpu.vector_load %arg9[%get3A_523, %get3A_524, %get3A_525] {strides = array<i32>} : memref<3x80x128xf32, #tpu.memory_space<vmem>>, vector<1x1x16xf32>,
          %get3A_527 = vector.shape_cast %get3A_526 : vector<1x1x16xf32> to vector<16xf32>
          %get3A_528 = arith.constant 1 : i32
          %get3A_529 = arith.index_cast %get3A_528 : i32 to index
          %get3A_530 = arith.index_cast %scan3A_442 : i32 to index
          %get3A_531 = arith.constant 48 : index
          %get3A_532 = tpu.vector_load %arg10[%get3A_529, %get3A_530, %get3A_531] {strides = array<i32>} : memref<3x80x128xf32, #tpu.memory_space<vmem>>, vector<1x1x16xf32>,
          %get3A_533 = vector.shape_cast %get3A_532 : vector<1x1x16xf32> to vector<16xf32>
          %add3A_534 = arith.addf %get3A_527, %get3A_533 : vector<16xf32>
          %bitcast_convert_type3A_535 = tpu.bitcast %add3A_521 : vector<16xf32> -> vector<16xi32>
          %shift_right_logical3A_536 = arith.constant 16 : i32
          %shift_right_logical3A_537 = vector.broadcast %shift_right_logical3A_536 : i32 to vector<16xi32>
          %shift_right_logical3A_538 = arith.shrui %bitcast_convert_type3A_535, %shift_right_logical3A_537 : vector<16xi32>
          %and3A_539 = arith.constant 1 : i32
          %and3A_540 = vector.broadcast %and3A_539 : i32 to vector<16xi32>
          %and3A_541 = arith.andi %shift_right_logical3A_538, %and3A_540 : vector<16xi32>
          %add3A_542 = arith.constant 32767 : i32
          %add3A_543 = vector.broadcast %add3A_542 : i32 to vector<16xi32>
          %add3A_544 = arith.addi %add3A_543, %and3A_541 : vector<16xi32>
          %add3A_545 = arith.addi %bitcast_convert_type3A_535, %add3A_544 : vector<16xi32>
          %shift_right_logical3A_546 = arith.constant 16 : i32
          %shift_right_logical3A_547 = vector.broadcast %shift_right_logical3A_546 : i32 to vector<16xi32>
          %shift_right_logical3A_548 = arith.shrui %add3A_545, %shift_right_logical3A_547 : vector<16xi32>
          %bitcast_convert_type3A_549 = tpu.bitcast %add3A_534 : vector<16xf32> -> vector<16xi32>
          %shift_right_logical3A_550 = arith.constant 16 : i32
          %shift_right_logical3A_551 = vector.broadcast %shift_right_logical3A_550 : i32 to vector<16xi32>
          %shift_right_logical3A_552 = arith.shrui %bitcast_convert_type3A_549, %shift_right_logical3A_551 : vector<16xi32>
          %and3A_553 = arith.constant 1 : i32
          %and3A_554 = vector.broadcast %and3A_553 : i32 to vector<16xi32>
          %and3A_555 = arith.andi %shift_right_logical3A_552, %and3A_554 : vector<16xi32>
          %add3A_556 = arith.constant 32767 : i32
          %add3A_557 = vector.broadcast %add3A_556 : i32 to vector<16xi32>
          %add3A_558 = arith.addi %add3A_557, %and3A_555 : vector<16xi32>
          %add3A_559 = arith.addi %bitcast_convert_type3A_549, %add3A_558 : vector<16xi32>
          %shift_right_logical3A_560 = arith.constant 16 : i32
          %shift_right_logical3A_561 = vector.broadcast %shift_right_logical3A_560 : i32 to vector<16xi32>
          %shift_right_logical3A_562 = arith.shrui %add3A_559, %shift_right_logical3A_561 : vector<16xi32>
          %shift_left3A_563 = arith.constant 16 : i32
          %shift_left3A_564 = vector.broadcast %shift_left3A_563 : i32 to vector<16xi32>
          %shift_left3A_565 = arith.shli %shift_right_logical3A_562, %shift_left3A_564 : vector<16xi32>
          %or3A_566 = arith.ori %shift_right_logical3A_548, %shift_left3A_565 : vector<16xi32>
          %bitcast_convert_type3A_567 = tpu.bitcast %or3A_566 : vector<16xi32> -> vector<16xf32>
          %swap3A_568 = arith.constant 1 : i32
          %swap3A_569 = arith.index_cast %swap3A_568 : i32 to index
          %swap3A_570 = arith.index_cast %scan3A_442 : i32 to index
          %swap3A_571 = arith.constant 16 : index
          %swap3A_572 = tpu.vector_load %arg11[%swap3A_569, %swap3A_570, %swap3A_571] {strides = array<i32>} : memref<3x80x64xf32, #tpu.memory_space<vmem>>, vector<1x1x16xf32>,
          %swap3A_573 = vector.shape_cast %swap3A_572 : vector<1x1x16xf32> to vector<16xf32>
          %swap3A_574 = vector.shape_cast %bitcast_convert_type3A_567 : vector<16xf32> to vector<1x1x16xf32>
          tpu.vector_store %arg11[%swap3A_569, %swap3A_570, %swap3A_571], %swap3A_574 {strides = array<i32>} : memref<3x80x64xf32, #tpu.memory_space<vmem>>, vector<1x1x16xf32>,
          %get3A_575 = arith.constant 1 : i32
          %get3A_576 = arith.index_cast %get3A_575 : i32 to index
          %get3A_577 = arith.index_cast %scan3A_442 : i32 to index
          %get3A_578 = arith.constant 64 : index
          %get3A_579 = tpu.vector_load %arg9[%get3A_576, %get3A_577, %get3A_578] {strides = array<i32>} : memref<3x80x128xf32, #tpu.memory_space<vmem>>, vector<1x1x16xf32>,
          %get3A_580 = vector.shape_cast %get3A_579 : vector<1x1x16xf32> to vector<16xf32>
          %get3A_581 = arith.constant 1 : i32
          %get3A_582 = arith.index_cast %get3A_581 : i32 to index
          %get3A_583 = arith.index_cast %scan3A_442 : i32 to index
          %get3A_584 = arith.constant 64 : index
          %get3A_585 = tpu.vector_load %arg10[%get3A_582, %get3A_583, %get3A_584] {strides = array<i32>} : memref<3x80x128xf32, #tpu.memory_space<vmem>>, vector<1x1x16xf32>,
          %get3A_586 = vector.shape_cast %get3A_585 : vector<1x1x16xf32> to vector<16xf32>
          %add3A_587 = arith.addf %get3A_580, %get3A_586 : vector<16xf32>
          %get3A_588 = arith.constant 1 : i32
          %get3A_589 = arith.index_cast %get3A_588 : i32 to index
          %get3A_590 = arith.index_cast %scan3A_442 : i32 to index
          %get3A_591 = arith.constant 80 : index
          %get3A_592 = tpu.vector_load %arg9[%get3A_589, %get3A_590, %get3A_591] {strides = array<i32>} : memref<3x80x128xf32, #tpu.memory_space<vmem>>, vector<1x1x16xf32>,
          %get3A_593 = vector.shape_cast %get3A_592 : vector<1x1x16xf32> to vector<16xf32>
          %get3A_594 = arith.constant 1 : i32
          %get3A_595 = arith.index_cast %get3A_594 : i32 to index
          %get3A_596 = arith.index_cast %scan3A_442 : i32 to index
          %get3A_597 = arith.constant 80 : index
          %get3A_598 = tpu.vector_load %arg10[%get3A_595, %get3A_596, %get3A_597] {strides = array<i32>} : memref<3x80x128xf32, #tpu.memory_space<vmem>>, vector<1x1x16xf32>,
          %get3A_599 = vector.shape_cast %get3A_598 : vector<1x1x16xf32> to vector<16xf32>
          %add3A_600 = arith.addf %get3A_593, %get3A_599 : vector<16xf32>
          %bitcast_convert_type3A_601 = tpu.bitcast %add3A_587 : vector<16xf32> -> vector<16xi32>
          %shift_right_logical3A_602 = arith.constant 16 : i32
          %shift_right_logical3A_603 = vector.broadcast %shift_right_logical3A_602 : i32 to vector<16xi32>
          %shift_right_logical3A_604 = arith.shrui %bitcast_convert_type3A_601, %shift_right_logical3A_603 : vector<16xi32>
          %and3A_605 = arith.constant 1 : i32
          %and3A_606 = vector.broadcast %and3A_605 : i32 to vector<16xi32>
          %and3A_607 = arith.andi %shift_right_logical3A_604, %and3A_606 : vector<16xi32>
          %add3A_608 = arith.constant 32767 : i32
          %add3A_609 = vector.broadcast %add3A_608 : i32 to vector<16xi32>
          %add3A_610 = arith.addi %add3A_609, %and3A_607 : vector<16xi32>
          %add3A_611 = arith.addi %bitcast_convert_type3A_601, %add3A_610 : vector<16xi32>
          %shift_right_logical3A_612 = arith.constant 16 : i32
          %shift_right_logical3A_613 = vector.broadcast %shift_right_logical3A_612 : i32 to vector<16xi32>
          %shift_right_logical3A_614 = arith.shrui %add3A_611, %shift_right_logical3A_613 : vector<16xi32>
          %bitcast_convert_type3A_615 = tpu.bitcast %add3A_600 : vector<16xf32> -> vector<16xi32>
          %shift_right_logical3A_616 = arith.constant 16 : i32
          %shift_right_logical3A_617 = vector.broadcast %shift_right_logical3A_616 : i32 to vector<16xi32>
          %shift_right_logical3A_618 = arith.shrui %bitcast_convert_type3A_615, %shift_right_logical3A_617 : vector<16xi32>
          %and3A_619 = arith.constant 1 : i32
          %and3A_620 = vector.broadcast %and3A_619 : i32 to vector<16xi32>
          %and3A_621 = arith.andi %shift_right_logical3A_618, %and3A_620 : vector<16xi32>
          %add3A_622 = arith.constant 32767 : i32
          %add3A_623 = vector.broadcast %add3A_622 : i32 to vector<16xi32>
          %add3A_624 = arith.addi %add3A_623, %and3A_621 : vector<16xi32>
          %add3A_625 = arith.addi %bitcast_convert_type3A_615, %add3A_624 : vector<16xi32>
          %shift_right_logical3A_626 = arith.constant 16 : i32
          %shift_right_logical3A_627 = vector.broadcast %shift_right_logical3A_626 : i32 to vector<16xi32>
          %shift_right_logical3A_628 = arith.shrui %add3A_625, %shift_right_logical3A_627 : vector<16xi32>
          %shift_left3A_629 = arith.constant 16 : i32
          %shift_left3A_630 = vector.broadcast %shift_left3A_629 : i32 to vector<16xi32>
          %shift_left3A_631 = arith.shli %shift_right_logical3A_628, %shift_left3A_630 : vector<16xi32>
          %or3A_632 = arith.ori %shift_right_logical3A_614, %shift_left3A_631 : vector<16xi32>
          %bitcast_convert_type3A_633 = tpu.bitcast %or3A_632 : vector<16xi32> -> vector<16xf32>
          %swap3A_634 = arith.constant 1 : i32
          %swap3A_635 = arith.index_cast %swap3A_634 : i32 to index
          %swap3A_636 = arith.index_cast %scan3A_442 : i32 to index
          %swap3A_637 = arith.constant 32 : index
          %swap3A_638 = tpu.vector_load %arg11[%swap3A_635, %swap3A_636, %swap3A_637] {strides = array<i32>} : memref<3x80x64xf32, #tpu.memory_space<vmem>>, vector<1x1x16xf32>,
          %swap3A_639 = vector.shape_cast %swap3A_638 : vector<1x1x16xf32> to vector<16xf32>
          %swap3A_640 = vector.shape_cast %bitcast_convert_type3A_633 : vector<16xf32> to vector<1x1x16xf32>
          tpu.vector_store %arg11[%swap3A_635, %swap3A_636, %swap3A_637], %swap3A_640 {strides = array<i32>} : memref<3x80x64xf32, #tpu.memory_space<vmem>>, vector<1x1x16xf32>,
          %get3A_641 = arith.constant 1 : i32
          %get3A_642 = arith.index_cast %get3A_641 : i32 to index
          %get3A_643 = arith.index_cast %scan3A_442 : i32 to index
          %get3A_644 = arith.constant 96 : index
          %get3A_645 = tpu.vector_load %arg9[%get3A_642, %get3A_643, %get3A_644] {strides = array<i32>} : memref<3x80x128xf32, #tpu.memory_space<vmem>>, vector<1x1x16xf32>,
          %get3A_646 = vector.shape_cast %get3A_645 : vector<1x1x16xf32> to vector<16xf32>
          %get3A_647 = arith.constant 1 : i32
          %get3A_648 = arith.index_cast %get3A_647 : i32 to index
          %get3A_649 = arith.index_cast %scan3A_442 : i32 to index
          %get3A_650 = arith.constant 96 : index
          %get3A_651 = tpu.vector_load %arg10[%get3A_648, %get3A_649, %get3A_650] {strides = array<i32>} : memref<3x80x128xf32, #tpu.memory_space<vmem>>, vector<1x1x16xf32>,
          %get3A_652 = vector.shape_cast %get3A_651 : vector<1x1x16xf32> to vector<16xf32>
          %add3A_653 = arith.addf %get3A_646, %get3A_652 : vector<16xf32>
          %get3A_654 = arith.constant 1 : i32
          %get3A_655 = arith.index_cast %get3A_654 : i32 to index
          %get3A_656 = arith.index_cast %scan3A_442 : i32 to index
          %get3A_657 = arith.constant 112 : index
          %get3A_658 = tpu.vector_load %arg9[%get3A_655, %get3A_656, %get3A_657] {strides = array<i32>} : memref<3x80x128xf32, #tpu.memory_space<vmem>>, vector<1x1x16xf32>,
          %get3A_659 = vector.shape_cast %get3A_658 : vector<1x1x16xf32> to vector<16xf32>
          %get3A_660 = arith.constant 1 : i32
          %get3A_661 = arith.index_cast %get3A_660 : i32 to index
          %get3A_662 = arith.index_cast %scan3A_442 : i32 to index
          %get3A_663 = arith.constant 112 : index
          %get3A_664 = tpu.vector_load %arg10[%get3A_661, %get3A_662, %get3A_663] {strides = array<i32>} : memref<3x80x128xf32, #tpu.memory_space<vmem>>, vector<1x1x16xf32>,
          %get3A_665 = vector.shape_cast %get3A_664 : vector<1x1x16xf32> to vector<16xf32>
          %add3A_666 = arith.addf %get3A_659, %get3A_665 : vector<16xf32>
          %bitcast_convert_type3A_667 = tpu.bitcast %add3A_653 : vector<16xf32> -> vector<16xi32>
          %shift_right_logical3A_668 = arith.constant 16 : i32
          %shift_right_logical3A_669 = vector.broadcast %shift_right_logical3A_668 : i32 to vector<16xi32>
          %shift_right_logical3A_670 = arith.shrui %bitcast_convert_type3A_667, %shift_right_logical3A_669 : vector<16xi32>
          %and3A_671 = arith.constant 1 : i32
          %and3A_672 = vector.broadcast %and3A_671 : i32 to vector<16xi32>
          %and3A_673 = arith.andi %shift_right_logical3A_670, %and3A_672 : vector<16xi32>
          %add3A_674 = arith.constant 32767 : i32
          %add3A_675 = vector.broadcast %add3A_674 : i32 to vector<16xi32>
          %add3A_676 = arith.addi %add3A_675, %and3A_673 : vector<16xi32>
          %add3A_677 = arith.addi %bitcast_convert_type3A_667, %add3A_676 : vector<16xi32>
          %shift_right_logical3A_678 = arith.constant 16 : i32
          %shift_right_logical3A_679 = vector.broadcast %shift_right_logical3A_678 : i32 to vector<16xi32>
          %shift_right_logical3A_680 = arith.shrui %add3A_677, %shift_right_logical3A_679 : vector<16xi32>
          %bitcast_convert_type3A_681 = tpu.bitcast %add3A_666 : vector<16xf32> -> vector<16xi32>
          %shift_right_logical3A_682 = arith.constant 16 : i32
          %shift_right_logical3A_683 = vector.broadcast %shift_right_logical3A_682 : i32 to vector<16xi32>
          %shift_right_logical3A_684 = arith.shrui %bitcast_convert_type3A_681, %shift_right_logical3A_683 : vector<16xi32>
          %and3A_685 = arith.constant 1 : i32
          %and3A_686 = vector.broadcast %and3A_685 : i32 to vector<16xi32>
          %and3A_687 = arith.andi %shift_right_logical3A_684, %and3A_686 : vector<16xi32>
          %add3A_688 = arith.constant 32767 : i32
          %add3A_689 = vector.broadcast %add3A_688 : i32 to vector<16xi32>
          %add3A_690 = arith.addi %add3A_689, %and3A_687 : vector<16xi32>
          %add3A_691 = arith.addi %bitcast_convert_type3A_681, %add3A_690 : vector<16xi32>
          %shift_right_logical3A_692 = arith.constant 16 : i32
          %shift_right_logical3A_693 = vector.broadcast %shift_right_logical3A_692 : i32 to vector<16xi32>
          %shift_right_logical3A_694 = arith.shrui %add3A_691, %shift_right_logical3A_693 : vector<16xi32>
          %shift_left3A_695 = arith.constant 16 : i32
          %shift_left3A_696 = vector.broadcast %shift_left3A_695 : i32 to vector<16xi32>
          %shift_left3A_697 = arith.shli %shift_right_logical3A_694, %shift_left3A_696 : vector<16xi32>
          %or3A_698 = arith.ori %shift_right_logical3A_680, %shift_left3A_697 : vector<16xi32>
          %bitcast_convert_type3A_699 = tpu.bitcast %or3A_698 : vector<16xi32> -> vector<16xf32>
          %swap3A_700 = arith.constant 1 : i32
          %swap3A_701 = arith.index_cast %swap3A_700 : i32 to index
          %swap3A_702 = arith.index_cast %scan3A_442 : i32 to index
          %swap3A_703 = arith.constant 48 : index
          %swap3A_704 = tpu.vector_load %arg11[%swap3A_701, %swap3A_702, %swap3A_703] {strides = array<i32>} : memref<3x80x64xf32, #tpu.memory_space<vmem>>, vector<1x1x16xf32>,
          %swap3A_705 = vector.shape_cast %swap3A_704 : vector<1x1x16xf32> to vector<16xf32>
          %swap3A_706 = vector.shape_cast %bitcast_convert_type3A_699 : vector<16xf32> to vector<1x1x16xf32>
          tpu.vector_store %arg11[%swap3A_701, %swap3A_702, %swap3A_703], %swap3A_706 {strides = array<i32>} : memref<3x80x64xf32, #tpu.memory_space<vmem>>, vector<1x1x16xf32>,
        }
        %scan3A_182 = arith.constant 80 : i32
      } else {
      }
      %eq3A_155 = arith.constant 2 : i32
      %eq3A_156 = arith.cmpi eq, %rem3A_113, %eq3A_155 : i32
      %convert_element_type3A_157 = arith.extui %eq3A_156 : i1 to i32
      %cond3A_158 = arith.constant 0 : i32
      %cond3A_159 = arith.cmpi ne, %convert_element_type3A_157, %cond3A_158 : i32
      scf.if %cond3A_159 {
        %scan3A_177 = arith.constant 0 : i32
        %scan3A_178 = arith.constant 0 : i32
        %scan3A_179 = arith.constant 80 : i32
        %scan3A_180 = arith.addi %scan3A_178, %scan3A_179 : i32
        %scan3A_181 = arith.constant 2 : i32
        scf.for %scan3A_183 = %scan3A_178 to %scan3A_180 step %scan3A_181  : i32 {
          %get3A = arith.constant 2 : i32
          %get3A_184 = arith.index_cast %get3A : i32 to index
          %get3A_185 = arith.index_cast %scan3A_183 : i32 to index
          %get3A_186 = arith.constant 0 : index
          %get3A_187 = tpu.vector_load %arg9[%get3A_184, %get3A_185, %get3A_186] {strides = array<i32>} : memref<3x80x128xf32, #tpu.memory_space<vmem>>, vector<1x1x16xf32>,
          %get3A_188 = vector.shape_cast %get3A_187 : vector<1x1x16xf32> to vector<16xf32>
          %get3A_189 = arith.constant 2 : i32
          %get3A_190 = arith.index_cast %get3A_189 : i32 to index
          %get3A_191 = arith.index_cast %scan3A_183 : i32 to index
          %get3A_192 = arith.constant 0 : index
          %get3A_193 = tpu.vector_load %arg10[%get3A_190, %get3A_191, %get3A_192] {strides = array<i32>} : memref<3x80x128xf32, #tpu.memory_space<vmem>>, vector<1x1x16xf32>,
          %get3A_194 = vector.shape_cast %get3A_193 : vector<1x1x16xf32> to vector<16xf32>
          %add3A_195 = arith.addf %get3A_188, %get3A_194 : vector<16xf32>
          %get3A_196 = arith.constant 2 : i32
          %get3A_197 = arith.index_cast %get3A_196 : i32 to index
          %get3A_198 = arith.index_cast %scan3A_183 : i32 to index
          %get3A_199 = arith.constant 16 : index
          %get3A_200 = tpu.vector_load %arg9[%get3A_197, %get3A_198, %get3A_199] {strides = array<i32>} : memref<3x80x128xf32, #tpu.memory_space<vmem>>, vector<1x1x16xf32>,
          %get3A_201 = vector.shape_cast %get3A_200 : vector<1x1x16xf32> to vector<16xf32>
          %get3A_202 = arith.constant 2 : i32
          %get3A_203 = arith.index_cast %get3A_202 : i32 to index
          %get3A_204 = arith.index_cast %scan3A_183 : i32 to index
          %get3A_205 = arith.constant 16 : index
          %get3A_206 = tpu.vector_load %arg10[%get3A_203, %get3A_204, %get3A_205] {strides = array<i32>} : memref<3x80x128xf32, #tpu.memory_space<vmem>>, vector<1x1x16xf32>,
          %get3A_207 = vector.shape_cast %get3A_206 : vector<1x1x16xf32> to vector<16xf32>
          %add3A_208 = arith.addf %get3A_201, %get3A_207 : vector<16xf32>
          %bitcast_convert_type3A = tpu.bitcast %add3A_195 : vector<16xf32> -> vector<16xi32>
          %shift_right_logical3A = arith.constant 16 : i32
          %shift_right_logical3A_209 = vector.broadcast %shift_right_logical3A : i32 to vector<16xi32>
          %shift_right_logical3A_210 = arith.shrui %bitcast_convert_type3A, %shift_right_logical3A_209 : vector<16xi32>
          %and3A = arith.constant 1 : i32
          %and3A_211 = vector.broadcast %and3A : i32 to vector<16xi32>
          %and3A_212 = arith.andi %shift_right_logical3A_210, %and3A_211 : vector<16xi32>
          %add3A_213 = arith.constant 32767 : i32
          %add3A_214 = vector.broadcast %add3A_213 : i32 to vector<16xi32>
          %add3A_215 = arith.addi %add3A_214, %and3A_212 : vector<16xi32>
          %add3A_216 = arith.addi %bitcast_convert_type3A, %add3A_215 : vector<16xi32>
          %shift_right_logical3A_217 = arith.constant 16 : i32
          %shift_right_logical3A_218 = vector.broadcast %shift_right_logical3A_217 : i32 to vector<16xi32>
          %shift_right_logical3A_219 = arith.shrui %add3A_216, %shift_right_logical3A_218 : vector<16xi32>
          %bitcast_convert_type3A_220 = tpu.bitcast %add3A_208 : vector<16xf32> -> vector<16xi32>
          %shift_right_logical3A_221 = arith.constant 16 : i32
          %shift_right_logical3A_222 = vector.broadcast %shift_right_logical3A_221 : i32 to vector<16xi32>
          %shift_right_logical3A_223 = arith.shrui %bitcast_convert_type3A_220, %shift_right_logical3A_222 : vector<16xi32>
          %and3A_224 = arith.constant 1 : i32
          %and3A_225 = vector.broadcast %and3A_224 : i32 to vector<16xi32>
          %and3A_226 = arith.andi %shift_right_logical3A_223, %and3A_225 : vector<16xi32>
          %add3A_227 = arith.constant 32767 : i32
          %add3A_228 = vector.broadcast %add3A_227 : i32 to vector<16xi32>
          %add3A_229 = arith.addi %add3A_228, %and3A_226 : vector<16xi32>
          %add3A_230 = arith.addi %bitcast_convert_type3A_220, %add3A_229 : vector<16xi32>
          %shift_right_logical3A_231 = arith.constant 16 : i32
          %shift_right_logical3A_232 = vector.broadcast %shift_right_logical3A_231 : i32 to vector<16xi32>
          %shift_right_logical3A_233 = arith.shrui %add3A_230, %shift_right_logical3A_232 : vector<16xi32>
          %shift_left3A = arith.constant 16 : i32
          %shift_left3A_234 = vector.broadcast %shift_left3A : i32 to vector<16xi32>
          %shift_left3A_235 = arith.shli %shift_right_logical3A_233, %shift_left3A_234 : vector<16xi32>
          %or3A = arith.ori %shift_right_logical3A_219, %shift_left3A_235 : vector<16xi32>
          %bitcast_convert_type3A_236 = tpu.bitcast %or3A : vector<16xi32> -> vector<16xf32>
          %swap3A = arith.constant 2 : i32
          %swap3A_237 = arith.index_cast %swap3A : i32 to index
          %swap3A_238 = arith.index_cast %scan3A_183 : i32 to index
          %swap3A_239 = arith.constant 0 : index
          %swap3A_240 = tpu.vector_load %arg11[%swap3A_237, %swap3A_238, %swap3A_239] {strides = array<i32>} : memref<3x80x64xf32, #tpu.memory_space<vmem>>, vector<1x1x16xf32>,
          %swap3A_241 = vector.shape_cast %swap3A_240 : vector<1x1x16xf32> to vector<16xf32>
          %swap3A_242 = vector.shape_cast %bitcast_convert_type3A_236 : vector<16xf32> to vector<1x1x16xf32>
          tpu.vector_store %arg11[%swap3A_237, %swap3A_238, %swap3A_239], %swap3A_242 {strides = array<i32>} : memref<3x80x64xf32, #tpu.memory_space<vmem>>, vector<1x1x16xf32>,
          %get3A_243 = arith.constant 2 : i32
          %get3A_244 = arith.index_cast %get3A_243 : i32 to index
          %get3A_245 = arith.index_cast %scan3A_183 : i32 to index
          %get3A_246 = arith.constant 32 : index
          %get3A_247 = tpu.vector_load %arg9[%get3A_244, %get3A_245, %get3A_246] {strides = array<i32>} : memref<3x80x128xf32, #tpu.memory_space<vmem>>, vector<1x1x16xf32>,
          %get3A_248 = vector.shape_cast %get3A_247 : vector<1x1x16xf32> to vector<16xf32>
          %get3A_249 = arith.constant 2 : i32
          %get3A_250 = arith.index_cast %get3A_249 : i32 to index
          %get3A_251 = arith.index_cast %scan3A_183 : i32 to index
          %get3A_252 = arith.constant 32 : index
          %get3A_253 = tpu.vector_load %arg10[%get3A_250, %get3A_251, %get3A_252] {strides = array<i32>} : memref<3x80x128xf32, #tpu.memory_space<vmem>>, vector<1x1x16xf32>,
          %get3A_254 = vector.shape_cast %get3A_253 : vector<1x1x16xf32> to vector<16xf32>
          %add3A_255 = arith.addf %get3A_248, %get3A_254 : vector<16xf32>
          %get3A_256 = arith.constant 2 : i32
          %get3A_257 = arith.index_cast %get3A_256 : i32 to index
          %get3A_258 = arith.index_cast %scan3A_183 : i32 to index
          %get3A_259 = arith.constant 48 : index
          %get3A_260 = tpu.vector_load %arg9[%get3A_257, %get3A_258, %get3A_259] {strides = array<i32>} : memref<3x80x128xf32, #tpu.memory_space<vmem>>, vector<1x1x16xf32>,
          %get3A_261 = vector.shape_cast %get3A_260 : vector<1x1x16xf32> to vector<16xf32>
          %get3A_262 = arith.constant 2 : i32
          %get3A_263 = arith.index_cast %get3A_262 : i32 to index
          %get3A_264 = arith.index_cast %scan3A_183 : i32 to index
          %get3A_265 = arith.constant 48 : index
          %get3A_266 = tpu.vector_load %arg10[%get3A_263, %get3A_264, %get3A_265] {strides = array<i32>} : memref<3x80x128xf32, #tpu.memory_space<vmem>>, vector<1x1x16xf32>,
          %get3A_267 = vector.shape_cast %get3A_266 : vector<1x1x16xf32> to vector<16xf32>
          %add3A_268 = arith.addf %get3A_261, %get3A_267 : vector<16xf32>
          %bitcast_convert_type3A_269 = tpu.bitcast %add3A_255 : vector<16xf32> -> vector<16xi32>
          %shift_right_logical3A_270 = arith.constant 16 : i32
          %shift_right_logical3A_271 = vector.broadcast %shift_right_logical3A_270 : i32 to vector<16xi32>
          %shift_right_logical3A_272 = arith.shrui %bitcast_convert_type3A_269, %shift_right_logical3A_271 : vector<16xi32>
          %and3A_273 = arith.constant 1 : i32
          %and3A_274 = vector.broadcast %and3A_273 : i32 to vector<16xi32>
          %and3A_275 = arith.andi %shift_right_logical3A_272, %and3A_274 : vector<16xi32>
          %add3A_276 = arith.constant 32767 : i32
          %add3A_277 = vector.broadcast %add3A_276 : i32 to vector<16xi32>
          %add3A_278 = arith.addi %add3A_277, %and3A_275 : vector<16xi32>
          %add3A_279 = arith.addi %bitcast_convert_type3A_269, %add3A_278 : vector<16xi32>
          %shift_right_logical3A_280 = arith.constant 16 : i32
          %shift_right_logical3A_281 = vector.broadcast %shift_right_logical3A_280 : i32 to vector<16xi32>
          %shift_right_logical3A_282 = arith.shrui %add3A_279, %shift_right_logical3A_281 : vector<16xi32>
          %bitcast_convert_type3A_283 = tpu.bitcast %add3A_268 : vector<16xf32> -> vector<16xi32>
          %shift_right_logical3A_284 = arith.constant 16 : i32
          %shift_right_logical3A_285 = vector.broadcast %shift_right_logical3A_284 : i32 to vector<16xi32>
          %shift_right_logical3A_286 = arith.shrui %bitcast_convert_type3A_283, %shift_right_logical3A_285 : vector<16xi32>
          %and3A_287 = arith.constant 1 : i32
          %and3A_288 = vector.broadcast %and3A_287 : i32 to vector<16xi32>
          %and3A_289 = arith.andi %shift_right_logical3A_286, %and3A_288 : vector<16xi32>
          %add3A_290 = arith.constant 32767 : i32
          %add3A_291 = vector.broadcast %add3A_290 : i32 to vector<16xi32>
          %add3A_292 = arith.addi %add3A_291, %and3A_289 : vector<16xi32>
          %add3A_293 = arith.addi %bitcast_convert_type3A_283, %add3A_292 : vector<16xi32>
          %shift_right_logical3A_294 = arith.constant 16 : i32
          %shift_right_logical3A_295 = vector.broadcast %shift_right_logical3A_294 : i32 to vector<16xi32>
          %shift_right_logical3A_296 = arith.shrui %add3A_293, %shift_right_logical3A_295 : vector<16xi32>
          %shift_left3A_297 = arith.constant 16 : i32
          %shift_left3A_298 = vector.broadcast %shift_left3A_297 : i32 to vector<16xi32>
          %shift_left3A_299 = arith.shli %shift_right_logical3A_296, %shift_left3A_298 : vector<16xi32>
          %or3A_300 = arith.ori %shift_right_logical3A_282, %shift_left3A_299 : vector<16xi32>
          %bitcast_convert_type3A_301 = tpu.bitcast %or3A_300 : vector<16xi32> -> vector<16xf32>
          %swap3A_302 = arith.constant 2 : i32
          %swap3A_303 = arith.index_cast %swap3A_302 : i32 to index
          %swap3A_304 = arith.index_cast %scan3A_183 : i32 to index
          %swap3A_305 = arith.constant 16 : index
          %swap3A_306 = tpu.vector_load %arg11[%swap3A_303, %swap3A_304, %swap3A_305] {strides = array<i32>} : memref<3x80x64xf32, #tpu.memory_space<vmem>>, vector<1x1x16xf32>,
          %swap3A_307 = vector.shape_cast %swap3A_306 : vector<1x1x16xf32> to vector<16xf32>
          %swap3A_308 = vector.shape_cast %bitcast_convert_type3A_301 : vector<16xf32> to vector<1x1x16xf32>
          tpu.vector_store %arg11[%swap3A_303, %swap3A_304, %swap3A_305], %swap3A_308 {strides = array<i32>} : memref<3x80x64xf32, #tpu.memory_space<vmem>>, vector<1x1x16xf32>,
          %get3A_309 = arith.constant 2 : i32
          %get3A_310 = arith.index_cast %get3A_309 : i32 to index
          %get3A_311 = arith.index_cast %scan3A_183 : i32 to index
          %get3A_312 = arith.constant 64 : index
          %get3A_313 = tpu.vector_load %arg9[%get3A_310, %get3A_311, %get3A_312] {strides = array<i32>} : memref<3x80x128xf32, #tpu.memory_space<vmem>>, vector<1x1x16xf32>,
          %get3A_314 = vector.shape_cast %get3A_313 : vector<1x1x16xf32> to vector<16xf32>
          %get3A_315 = arith.constant 2 : i32
          %get3A_316 = arith.index_cast %get3A_315 : i32 to index
          %get3A_317 = arith.index_cast %scan3A_183 : i32 to index
          %get3A_318 = arith.constant 64 : index
          %get3A_319 = tpu.vector_load %arg10[%get3A_316, %get3A_317, %get3A_318] {strides = array<i32>} : memref<3x80x128xf32, #tpu.memory_space<vmem>>, vector<1x1x16xf32>,
          %get3A_320 = vector.shape_cast %get3A_319 : vector<1x1x16xf32> to vector<16xf32>
          %add3A_321 = arith.addf %get3A_314, %get3A_320 : vector<16xf32>
          %get3A_322 = arith.constant 2 : i32
          %get3A_323 = arith.index_cast %get3A_322 : i32 to index
          %get3A_324 = arith.index_cast %scan3A_183 : i32 to index
          %get3A_325 = arith.constant 80 : index
          %get3A_326 = tpu.vector_load %arg9[%get3A_323, %get3A_324, %get3A_325] {strides = array<i32>} : memref<3x80x128xf32, #tpu.memory_space<vmem>>, vector<1x1x16xf32>,
          %get3A_327 = vector.shape_cast %get3A_326 : vector<1x1x16xf32> to vector<16xf32>
          %get3A_328 = arith.constant 2 : i32
          %get3A_329 = arith.index_cast %get3A_328 : i32 to index
          %get3A_330 = arith.index_cast %scan3A_183 : i32 to index
          %get3A_331 = arith.constant 80 : index
          %get3A_332 = tpu.vector_load %arg10[%get3A_329, %get3A_330, %get3A_331] {strides = array<i32>} : memref<3x80x128xf32, #tpu.memory_space<vmem>>, vector<1x1x16xf32>,
          %get3A_333 = vector.shape_cast %get3A_332 : vector<1x1x16xf32> to vector<16xf32>
          %add3A_334 = arith.addf %get3A_327, %get3A_333 : vector<16xf32>
          %bitcast_convert_type3A_335 = tpu.bitcast %add3A_321 : vector<16xf32> -> vector<16xi32>
          %shift_right_logical3A_336 = arith.constant 16 : i32
          %shift_right_logical3A_337 = vector.broadcast %shift_right_logical3A_336 : i32 to vector<16xi32>
          %shift_right_logical3A_338 = arith.shrui %bitcast_convert_type3A_335, %shift_right_logical3A_337 : vector<16xi32>
          %and3A_339 = arith.constant 1 : i32
          %and3A_340 = vector.broadcast %and3A_339 : i32 to vector<16xi32>
          %and3A_341 = arith.andi %shift_right_logical3A_338, %and3A_340 : vector<16xi32>
          %add3A_342 = arith.constant 32767 : i32
          %add3A_343 = vector.broadcast %add3A_342 : i32 to vector<16xi32>
          %add3A_344 = arith.addi %add3A_343, %and3A_341 : vector<16xi32>
          %add3A_345 = arith.addi %bitcast_convert_type3A_335, %add3A_344 : vector<16xi32>
          %shift_right_logical3A_346 = arith.constant 16 : i32
          %shift_right_logical3A_347 = vector.broadcast %shift_right_logical3A_346 : i32 to vector<16xi32>
          %shift_right_logical3A_348 = arith.shrui %add3A_345, %shift_right_logical3A_347 : vector<16xi32>
          %bitcast_convert_type3A_349 = tpu.bitcast %add3A_334 : vector<16xf32> -> vector<16xi32>
          %shift_right_logical3A_350 = arith.constant 16 : i32
          %shift_right_logical3A_351 = vector.broadcast %shift_right_logical3A_350 : i32 to vector<16xi32>
          %shift_right_logical3A_352 = arith.shrui %bitcast_convert_type3A_349, %shift_right_logical3A_351 : vector<16xi32>
          %and3A_353 = arith.constant 1 : i32
          %and3A_354 = vector.broadcast %and3A_353 : i32 to vector<16xi32>
          %and3A_355 = arith.andi %shift_right_logical3A_352, %and3A_354 : vector<16xi32>
          %add3A_356 = arith.constant 32767 : i32
          %add3A_357 = vector.broadcast %add3A_356 : i32 to vector<16xi32>
          %add3A_358 = arith.addi %add3A_357, %and3A_355 : vector<16xi32>
          %add3A_359 = arith.addi %bitcast_convert_type3A_349, %add3A_358 : vector<16xi32>
          %shift_right_logical3A_360 = arith.constant 16 : i32
          %shift_right_logical3A_361 = vector.broadcast %shift_right_logical3A_360 : i32 to vector<16xi32>
          %shift_right_logical3A_362 = arith.shrui %add3A_359, %shift_right_logical3A_361 : vector<16xi32>
          %shift_left3A_363 = arith.constant 16 : i32
          %shift_left3A_364 = vector.broadcast %shift_left3A_363 : i32 to vector<16xi32>
          %shift_left3A_365 = arith.shli %shift_right_logical3A_362, %shift_left3A_364 : vector<16xi32>
          %or3A_366 = arith.ori %shift_right_logical3A_348, %shift_left3A_365 : vector<16xi32>
          %bitcast_convert_type3A_367 = tpu.bitcast %or3A_366 : vector<16xi32> -> vector<16xf32>
          %swap3A_368 = arith.constant 2 : i32
          %swap3A_369 = arith.index_cast %swap3A_368 : i32 to index
          %swap3A_370 = arith.index_cast %scan3A_183 : i32 to index
          %swap3A_371 = arith.constant 32 : index
          %swap3A_372 = tpu.vector_load %arg11[%swap3A_369, %swap3A_370, %swap3A_371] {strides = array<i32>} : memref<3x80x64xf32, #tpu.memory_space<vmem>>, vector<1x1x16xf32>,
          %swap3A_373 = vector.shape_cast %swap3A_372 : vector<1x1x16xf32> to vector<16xf32>
          %swap3A_374 = vector.shape_cast %bitcast_convert_type3A_367 : vector<16xf32> to vector<1x1x16xf32>
          tpu.vector_store %arg11[%swap3A_369, %swap3A_370, %swap3A_371], %swap3A_374 {strides = array<i32>} : memref<3x80x64xf32, #tpu.memory_space<vmem>>, vector<1x1x16xf32>,
          %get3A_375 = arith.constant 2 : i32
          %get3A_376 = arith.index_cast %get3A_375 : i32 to index
          %get3A_377 = arith.index_cast %scan3A_183 : i32 to index
          %get3A_378 = arith.constant 96 : index
          %get3A_379 = tpu.vector_load %arg9[%get3A_376, %get3A_377, %get3A_378] {strides = array<i32>} : memref<3x80x128xf32, #tpu.memory_space<vmem>>, vector<1x1x16xf32>,
          %get3A_380 = vector.shape_cast %get3A_379 : vector<1x1x16xf32> to vector<16xf32>
          %get3A_381 = arith.constant 2 : i32
          %get3A_382 = arith.index_cast %get3A_381 : i32 to index
          %get3A_383 = arith.index_cast %scan3A_183 : i32 to index
          %get3A_384 = arith.constant 96 : index
          %get3A_385 = tpu.vector_load %arg10[%get3A_382, %get3A_383, %get3A_384] {strides = array<i32>} : memref<3x80x128xf32, #tpu.memory_space<vmem>>, vector<1x1x16xf32>,
          %get3A_386 = vector.shape_cast %get3A_385 : vector<1x1x16xf32> to vector<16xf32>
          %add3A_387 = arith.addf %get3A_380, %get3A_386 : vector<16xf32>
          %get3A_388 = arith.constant 2 : i32
          %get3A_389 = arith.index_cast %get3A_388 : i32 to index
          %get3A_390 = arith.index_cast %scan3A_183 : i32 to index
          %get3A_391 = arith.constant 112 : index
          %get3A_392 = tpu.vector_load %arg9[%get3A_389, %get3A_390, %get3A_391] {strides = array<i32>} : memref<3x80x128xf32, #tpu.memory_space<vmem>>, vector<1x1x16xf32>,
          %get3A_393 = vector.shape_cast %get3A_392 : vector<1x1x16xf32> to vector<16xf32>
          %get3A_394 = arith.constant 2 : i32
          %get3A_395 = arith.index_cast %get3A_394 : i32 to index
          %get3A_396 = arith.index_cast %scan3A_183 : i32 to index
          %get3A_397 = arith.constant 112 : index
          %get3A_398 = tpu.vector_load %arg10[%get3A_395, %get3A_396, %get3A_397] {strides = array<i32>} : memref<3x80x128xf32, #tpu.memory_space<vmem>>, vector<1x1x16xf32>,
          %get3A_399 = vector.shape_cast %get3A_398 : vector<1x1x16xf32> to vector<16xf32>
          %add3A_400 = arith.addf %get3A_393, %get3A_399 : vector<16xf32>
          %bitcast_convert_type3A_401 = tpu.bitcast %add3A_387 : vector<16xf32> -> vector<16xi32>
          %shift_right_logical3A_402 = arith.constant 16 : i32
          %shift_right_logical3A_403 = vector.broadcast %shift_right_logical3A_402 : i32 to vector<16xi32>
          %shift_right_logical3A_404 = arith.shrui %bitcast_convert_type3A_401, %shift_right_logical3A_403 : vector<16xi32>
          %and3A_405 = arith.constant 1 : i32
          %and3A_406 = vector.broadcast %and3A_405 : i32 to vector<16xi32>
          %and3A_407 = arith.andi %shift_right_logical3A_404, %and3A_406 : vector<16xi32>
          %add3A_408 = arith.constant 32767 : i32
          %add3A_409 = vector.broadcast %add3A_408 : i32 to vector<16xi32>
          %add3A_410 = arith.addi %add3A_409, %and3A_407 : vector<16xi32>
          %add3A_411 = arith.addi %bitcast_convert_type3A_401, %add3A_410 : vector<16xi32>
          %shift_right_logical3A_412 = arith.constant 16 : i32
          %shift_right_logical3A_413 = vector.broadcast %shift_right_logical3A_412 : i32 to vector<16xi32>
          %shift_right_logical3A_414 = arith.shrui %add3A_411, %shift_right_logical3A_413 : vector<16xi32>
          %bitcast_convert_type3A_415 = tpu.bitcast %add3A_400 : vector<16xf32> -> vector<16xi32>
          %shift_right_logical3A_416 = arith.constant 16 : i32
          %shift_right_logical3A_417 = vector.broadcast %shift_right_logical3A_416 : i32 to vector<16xi32>
          %shift_right_logical3A_418 = arith.shrui %bitcast_convert_type3A_415, %shift_right_logical3A_417 : vector<16xi32>
          %and3A_419 = arith.constant 1 : i32
          %and3A_420 = vector.broadcast %and3A_419 : i32 to vector<16xi32>
          %and3A_421 = arith.andi %shift_right_logical3A_418, %and3A_420 : vector<16xi32>
          %add3A_422 = arith.constant 32767 : i32
          %add3A_423 = vector.broadcast %add3A_422 : i32 to vector<16xi32>
          %add3A_424 = arith.addi %add3A_423, %and3A_421 : vector<16xi32>
          %add3A_425 = arith.addi %bitcast_convert_type3A_415, %add3A_424 : vector<16xi32>
          %shift_right_logical3A_426 = arith.constant 16 : i32
          %shift_right_logical3A_427 = vector.broadcast %shift_right_logical3A_426 : i32 to vector<16xi32>
          %shift_right_logical3A_428 = arith.shrui %add3A_425, %shift_right_logical3A_427 : vector<16xi32>
          %shift_left3A_429 = arith.constant 16 : i32
          %shift_left3A_430 = vector.broadcast %shift_left3A_429 : i32 to vector<16xi32>
          %shift_left3A_431 = arith.shli %shift_right_logical3A_428, %shift_left3A_430 : vector<16xi32>
          %or3A_432 = arith.ori %shift_right_logical3A_414, %shift_left3A_431 : vector<16xi32>
          %bitcast_convert_type3A_433 = tpu.bitcast %or3A_432 : vector<16xi32> -> vector<16xf32>
          %swap3A_434 = arith.constant 2 : i32
          %swap3A_435 = arith.index_cast %swap3A_434 : i32 to index
          %swap3A_436 = arith.index_cast %scan3A_183 : i32 to index
          %swap3A_437 = arith.constant 48 : index
          %swap3A_438 = tpu.vector_load %arg11[%swap3A_435, %swap3A_436, %swap3A_437] {strides = array<i32>} : memref<3x80x64xf32, #tpu.memory_space<vmem>>, vector<1x1x16xf32>,
          %swap3A_439 = vector.shape_cast %swap3A_438 : vector<1x1x16xf32> to vector<16xf32>
          %swap3A_440 = vector.shape_cast %bitcast_convert_type3A_433 : vector<16xf32> to vector<1x1x16xf32>
          tpu.vector_store %arg11[%swap3A_435, %swap3A_436, %swap3A_437], %swap3A_440 {strides = array<i32>} : memref<3x80x64xf32, #tpu.memory_space<vmem>>, vector<1x1x16xf32>,
          %scan3A_441 = arith.constant 1 : i32
          %scan3A_442 = arith.addi %scan3A_183, %scan3A_441 : i32
          %get3A_443 = arith.constant 2 : i32
          %get3A_444 = arith.index_cast %get3A_443 : i32 to index
          %get3A_445 = arith.index_cast %scan3A_442 : i32 to index
          %get3A_446 = arith.constant 0 : index
          %get3A_447 = tpu.vector_load %arg9[%get3A_444, %get3A_445, %get3A_446] {strides = array<i32>} : memref<3x80x128xf32, #tpu.memory_space<vmem>>, vector<1x1x16xf32>,
          %get3A_448 = vector.shape_cast %get3A_447 : vector<1x1x16xf32> to vector<16xf32>
          %get3A_449 = arith.constant 2 : i32
          %get3A_450 = arith.index_cast %get3A_449 : i32 to index
          %get3A_451 = arith.index_cast %scan3A_442 : i32 to index
          %get3A_452 = arith.constant 0 : index
          %get3A_453 = tpu.vector_load %arg10[%get3A_450, %get3A_451, %get3A_452] {strides = array<i32>} : memref<3x80x128xf32, #tpu.memory_space<vmem>>, vector<1x1x16xf32>,
          %get3A_454 = vector.shape_cast %get3A_453 : vector<1x1x16xf32> to vector<16xf32>
          %add3A_455 = arith.addf %get3A_448, %get3A_454 : vector<16xf32>
          %get3A_456 = arith.constant 2 : i32
          %get3A_457 = arith.index_cast %get3A_456 : i32 to index
          %get3A_458 = arith.index_cast %scan3A_442 : i32 to index
          %get3A_459 = arith.constant 16 : index
          %get3A_460 = tpu.vector_load %arg9[%get3A_457, %get3A_458, %get3A_459] {strides = array<i32>} : memref<3x80x128xf32, #tpu.memory_space<vmem>>, vector<1x1x16xf32>,
          %get3A_461 = vector.shape_cast %get3A_460 : vector<1x1x16xf32> to vector<16xf32>
          %get3A_462 = arith.constant 2 : i32
          %get3A_463 = arith.index_cast %get3A_462 : i32 to index
          %get3A_464 = arith.index_cast %scan3A_442 : i32 to index
          %get3A_465 = arith.constant 16 : index
          %get3A_466 = tpu.vector_load %arg10[%get3A_463, %get3A_464, %get3A_465] {strides = array<i32>} : memref<3x80x128xf32, #tpu.memory_space<vmem>>, vector<1x1x16xf32>,
          %get3A_467 = vector.shape_cast %get3A_466 : vector<1x1x16xf32> to vector<16xf32>
          %add3A_468 = arith.addf %get3A_461, %get3A_467 : vector<16xf32>
          %bitcast_convert_type3A_469 = tpu.bitcast %add3A_455 : vector<16xf32> -> vector<16xi32>
          %shift_right_logical3A_470 = arith.constant 16 : i32
          %shift_right_logical3A_471 = vector.broadcast %shift_right_logical3A_470 : i32 to vector<16xi32>
          %shift_right_logical3A_472 = arith.shrui %bitcast_convert_type3A_469, %shift_right_logical3A_471 : vector<16xi32>
          %and3A_473 = arith.constant 1 : i32
          %and3A_474 = vector.broadcast %and3A_473 : i32 to vector<16xi32>
          %and3A_475 = arith.andi %shift_right_logical3A_472, %and3A_474 : vector<16xi32>
          %add3A_476 = arith.constant 32767 : i32
          %add3A_477 = vector.broadcast %add3A_476 : i32 to vector<16xi32>
          %add3A_478 = arith.addi %add3A_477, %and3A_475 : vector<16xi32>
          %add3A_479 = arith.addi %bitcast_convert_type3A_469, %add3A_478 : vector<16xi32>
          %shift_right_logical3A_480 = arith.constant 16 : i32
          %shift_right_logical3A_481 = vector.broadcast %shift_right_logical3A_480 : i32 to vector<16xi32>
          %shift_right_logical3A_482 = arith.shrui %add3A_479, %shift_right_logical3A_481 : vector<16xi32>
          %bitcast_convert_type3A_483 = tpu.bitcast %add3A_468 : vector<16xf32> -> vector<16xi32>
          %shift_right_logical3A_484 = arith.constant 16 : i32
          %shift_right_logical3A_485 = vector.broadcast %shift_right_logical3A_484 : i32 to vector<16xi32>
          %shift_right_logical3A_486 = arith.shrui %bitcast_convert_type3A_483, %shift_right_logical3A_485 : vector<16xi32>
          %and3A_487 = arith.constant 1 : i32
          %and3A_488 = vector.broadcast %and3A_487 : i32 to vector<16xi32>
          %and3A_489 = arith.andi %shift_right_logical3A_486, %and3A_488 : vector<16xi32>
          %add3A_490 = arith.constant 32767 : i32
          %add3A_491 = vector.broadcast %add3A_490 : i32 to vector<16xi32>
          %add3A_492 = arith.addi %add3A_491, %and3A_489 : vector<16xi32>
          %add3A_493 = arith.addi %bitcast_convert_type3A_483, %add3A_492 : vector<16xi32>
          %shift_right_logical3A_494 = arith.constant 16 : i32
          %shift_right_logical3A_495 = vector.broadcast %shift_right_logical3A_494 : i32 to vector<16xi32>
          %shift_right_logical3A_496 = arith.shrui %add3A_493, %shift_right_logical3A_495 : vector<16xi32>
          %shift_left3A_497 = arith.constant 16 : i32
          %shift_left3A_498 = vector.broadcast %shift_left3A_497 : i32 to vector<16xi32>
          %shift_left3A_499 = arith.shli %shift_right_logical3A_496, %shift_left3A_498 : vector<16xi32>
          %or3A_500 = arith.ori %shift_right_logical3A_482, %shift_left3A_499 : vector<16xi32>
          %bitcast_convert_type3A_501 = tpu.bitcast %or3A_500 : vector<16xi32> -> vector<16xf32>
          %swap3A_502 = arith.constant 2 : i32
          %swap3A_503 = arith.index_cast %swap3A_502 : i32 to index
          %swap3A_504 = arith.index_cast %scan3A_442 : i32 to index
          %swap3A_505 = arith.constant 0 : index
          %swap3A_506 = tpu.vector_load %arg11[%swap3A_503, %swap3A_504, %swap3A_505] {strides = array<i32>} : memref<3x80x64xf32, #tpu.memory_space<vmem>>, vector<1x1x16xf32>,
          %swap3A_507 = vector.shape_cast %swap3A_506 : vector<1x1x16xf32> to vector<16xf32>
          %swap3A_508 = vector.shape_cast %bitcast_convert_type3A_501 : vector<16xf32> to vector<1x1x16xf32>
          tpu.vector_store %arg11[%swap3A_503, %swap3A_504, %swap3A_505], %swap3A_508 {strides = array<i32>} : memref<3x80x64xf32, #tpu.memory_space<vmem>>, vector<1x1x16xf32>,
          %get3A_509 = arith.constant 2 : i32
          %get3A_510 = arith.index_cast %get3A_509 : i32 to index
          %get3A_511 = arith.index_cast %scan3A_442 : i32 to index
          %get3A_512 = arith.constant 32 : index
          %get3A_513 = tpu.vector_load %arg9[%get3A_510, %get3A_511, %get3A_512] {strides = array<i32>} : memref<3x80x128xf32, #tpu.memory_space<vmem>>, vector<1x1x16xf32>,
          %get3A_514 = vector.shape_cast %get3A_513 : vector<1x1x16xf32> to vector<16xf32>
          %get3A_515 = arith.constant 2 : i32
          %get3A_516 = arith.index_cast %get3A_515 : i32 to index
          %get3A_517 = arith.index_cast %scan3A_442 : i32 to index
          %get3A_518 = arith.constant 32 : index
          %get3A_519 = tpu.vector_load %arg10[%get3A_516, %get3A_517, %get3A_518] {strides = array<i32>} : memref<3x80x128xf32, #tpu.memory_space<vmem>>, vector<1x1x16xf32>,
          %get3A_520 = vector.shape_cast %get3A_519 : vector<1x1x16xf32> to vector<16xf32>
          %add3A_521 = arith.addf %get3A_514, %get3A_520 : vector<16xf32>
          %get3A_522 = arith.constant 2 : i32
          %get3A_523 = arith.index_cast %get3A_522 : i32 to index
          %get3A_524 = arith.index_cast %scan3A_442 : i32 to index
          %get3A_525 = arith.constant 48 : index
          %get3A_526 = tpu.vector_load %arg9[%get3A_523, %get3A_524, %get3A_525] {strides = array<i32>} : memref<3x80x128xf32, #tpu.memory_space<vmem>>, vector<1x1x16xf32>,
          %get3A_527 = vector.shape_cast %get3A_526 : vector<1x1x16xf32> to vector<16xf32>
          %get3A_528 = arith.constant 2 : i32
          %get3A_529 = arith.index_cast %get3A_528 : i32 to index
          %get3A_530 = arith.index_cast %scan3A_442 : i32 to index
          %get3A_531 = arith.constant 48 : index
          %get3A_532 = tpu.vector_load %arg10[%get3A_529, %get3A_530, %get3A_531] {strides = array<i32>} : memref<3x80x128xf32, #tpu.memory_space<vmem>>, vector<1x1x16xf32>,
          %get3A_533 = vector.shape_cast %get3A_532 : vector<1x1x16xf32> to vector<16xf32>
          %add3A_534 = arith.addf %get3A_527, %get3A_533 : vector<16xf32>
          %bitcast_convert_type3A_535 = tpu.bitcast %add3A_521 : vector<16xf32> -> vector<16xi32>
          %shift_right_logical3A_536 = arith.constant 16 : i32
          %shift_right_logical3A_537 = vector.broadcast %shift_right_logical3A_536 : i32 to vector<16xi32>
          %shift_right_logical3A_538 = arith.shrui %bitcast_convert_type3A_535, %shift_right_logical3A_537 : vector<16xi32>
          %and3A_539 = arith.constant 1 : i32
          %and3A_540 = vector.broadcast %and3A_539 : i32 to vector<16xi32>
          %and3A_541 = arith.andi %shift_right_logical3A_538, %and3A_540 : vector<16xi32>
          %add3A_542 = arith.constant 32767 : i32
          %add3A_543 = vector.broadcast %add3A_542 : i32 to vector<16xi32>
          %add3A_544 = arith.addi %add3A_543, %and3A_541 : vector<16xi32>
          %add3A_545 = arith.addi %bitcast_convert_type3A_535, %add3A_544 : vector<16xi32>
          %shift_right_logical3A_546 = arith.constant 16 : i32
          %shift_right_logical3A_547 = vector.broadcast %shift_right_logical3A_546 : i32 to vector<16xi32>
          %shift_right_logical3A_548 = arith.shrui %add3A_545, %shift_right_logical3A_547 : vector<16xi32>
          %bitcast_convert_type3A_549 = tpu.bitcast %add3A_534 : vector<16xf32> -> vector<16xi32>
          %shift_right_logical3A_550 = arith.constant 16 : i32
          %shift_right_logical3A_551 = vector.broadcast %shift_right_logical3A_550 : i32 to vector<16xi32>
          %shift_right_logical3A_552 = arith.shrui %bitcast_convert_type3A_549, %shift_right_logical3A_551 : vector<16xi32>
          %and3A_553 = arith.constant 1 : i32
          %and3A_554 = vector.broadcast %and3A_553 : i32 to vector<16xi32>
          %and3A_555 = arith.andi %shift_right_logical3A_552, %and3A_554 : vector<16xi32>
          %add3A_556 = arith.constant 32767 : i32
          %add3A_557 = vector.broadcast %add3A_556 : i32 to vector<16xi32>
          %add3A_558 = arith.addi %add3A_557, %and3A_555 : vector<16xi32>
          %add3A_559 = arith.addi %bitcast_convert_type3A_549, %add3A_558 : vector<16xi32>
          %shift_right_logical3A_560 = arith.constant 16 : i32
          %shift_right_logical3A_561 = vector.broadcast %shift_right_logical3A_560 : i32 to vector<16xi32>
          %shift_right_logical3A_562 = arith.shrui %add3A_559, %shift_right_logical3A_561 : vector<16xi32>
          %shift_left3A_563 = arith.constant 16 : i32
          %shift_left3A_564 = vector.broadcast %shift_left3A_563 : i32 to vector<16xi32>
          %shift_left3A_565 = arith.shli %shift_right_logical3A_562, %shift_left3A_564 : vector<16xi32>
          %or3A_566 = arith.ori %shift_right_logical3A_548, %shift_left3A_565 : vector<16xi32>
          %bitcast_convert_type3A_567 = tpu.bitcast %or3A_566 : vector<16xi32> -> vector<16xf32>
          %swap3A_568 = arith.constant 2 : i32
          %swap3A_569 = arith.index_cast %swap3A_568 : i32 to index
          %swap3A_570 = arith.index_cast %scan3A_442 : i32 to index
          %swap3A_571 = arith.constant 16 : index
          %swap3A_572 = tpu.vector_load %arg11[%swap3A_569, %swap3A_570, %swap3A_571] {strides = array<i32>} : memref<3x80x64xf32, #tpu.memory_space<vmem>>, vector<1x1x16xf32>,
          %swap3A_573 = vector.shape_cast %swap3A_572 : vector<1x1x16xf32> to vector<16xf32>
          %swap3A_574 = vector.shape_cast %bitcast_convert_type3A_567 : vector<16xf32> to vector<1x1x16xf32>
          tpu.vector_store %arg11[%swap3A_569, %swap3A_570, %swap3A_571], %swap3A_574 {strides = array<i32>} : memref<3x80x64xf32, #tpu.memory_space<vmem>>, vector<1x1x16xf32>,
          %get3A_575 = arith.constant 2 : i32
          %get3A_576 = arith.index_cast %get3A_575 : i32 to index
          %get3A_577 = arith.index_cast %scan3A_442 : i32 to index
          %get3A_578 = arith.constant 64 : index
          %get3A_579 = tpu.vector_load %arg9[%get3A_576, %get3A_577, %get3A_578] {strides = array<i32>} : memref<3x80x128xf32, #tpu.memory_space<vmem>>, vector<1x1x16xf32>,
          %get3A_580 = vector.shape_cast %get3A_579 : vector<1x1x16xf32> to vector<16xf32>
          %get3A_581 = arith.constant 2 : i32
          %get3A_582 = arith.index_cast %get3A_581 : i32 to index
          %get3A_583 = arith.index_cast %scan3A_442 : i32 to index
          %get3A_584 = arith.constant 64 : index
          %get3A_585 = tpu.vector_load %arg10[%get3A_582, %get3A_583, %get3A_584] {strides = array<i32>} : memref<3x80x128xf32, #tpu.memory_space<vmem>>, vector<1x1x16xf32>,
          %get3A_586 = vector.shape_cast %get3A_585 : vector<1x1x16xf32> to vector<16xf32>
          %add3A_587 = arith.addf %get3A_580, %get3A_586 : vector<16xf32>
          %get3A_588 = arith.constant 2 : i32
          %get3A_589 = arith.index_cast %get3A_588 : i32 to index
          %get3A_590 = arith.index_cast %scan3A_442 : i32 to index
          %get3A_591 = arith.constant 80 : index
          %get3A_592 = tpu.vector_load %arg9[%get3A_589, %get3A_590, %get3A_591] {strides = array<i32>} : memref<3x80x128xf32, #tpu.memory_space<vmem>>, vector<1x1x16xf32>,
          %get3A_593 = vector.shape_cast %get3A_592 : vector<1x1x16xf32> to vector<16xf32>
          %get3A_594 = arith.constant 2 : i32
          %get3A_595 = arith.index_cast %get3A_594 : i32 to index
          %get3A_596 = arith.index_cast %scan3A_442 : i32 to index
          %get3A_597 = arith.constant 80 : index
          %get3A_598 = tpu.vector_load %arg10[%get3A_595, %get3A_596, %get3A_597] {strides = array<i32>} : memref<3x80x128xf32, #tpu.memory_space<vmem>>, vector<1x1x16xf32>,
          %get3A_599 = vector.shape_cast %get3A_598 : vector<1x1x16xf32> to vector<16xf32>
          %add3A_600 = arith.addf %get3A_593, %get3A_599 : vector<16xf32>
          %bitcast_convert_type3A_601 = tpu.bitcast %add3A_587 : vector<16xf32> -> vector<16xi32>
          %shift_right_logical3A_602 = arith.constant 16 : i32
          %shift_right_logical3A_603 = vector.broadcast %shift_right_logical3A_602 : i32 to vector<16xi32>
          %shift_right_logical3A_604 = arith.shrui %bitcast_convert_type3A_601, %shift_right_logical3A_603 : vector<16xi32>
          %and3A_605 = arith.constant 1 : i32
          %and3A_606 = vector.broadcast %and3A_605 : i32 to vector<16xi32>
          %and3A_607 = arith.andi %shift_right_logical3A_604, %and3A_606 : vector<16xi32>
          %add3A_608 = arith.constant 32767 : i32
          %add3A_609 = vector.broadcast %add3A_608 : i32 to vector<16xi32>
          %add3A_610 = arith.addi %add3A_609, %and3A_607 : vector<16xi32>
          %add3A_611 = arith.addi %bitcast_convert_type3A_601, %add3A_610 : vector<16xi32>
          %shift_right_logical3A_612 = arith.constant 16 : i32
          %shift_right_logical3A_613 = vector.broadcast %shift_right_logical3A_612 : i32 to vector<16xi32>
          %shift_right_logical3A_614 = arith.shrui %add3A_611, %shift_right_logical3A_613 : vector<16xi32>
          %bitcast_convert_type3A_615 = tpu.bitcast %add3A_600 : vector<16xf32> -> vector<16xi32>
          %shift_right_logical3A_616 = arith.constant 16 : i32
          %shift_right_logical3A_617 = vector.broadcast %shift_right_logical3A_616 : i32 to vector<16xi32>
          %shift_right_logical3A_618 = arith.shrui %bitcast_convert_type3A_615, %shift_right_logical3A_617 : vector<16xi32>
          %and3A_619 = arith.constant 1 : i32
          %and3A_620 = vector.broadcast %and3A_619 : i32 to vector<16xi32>
          %and3A_621 = arith.andi %shift_right_logical3A_618, %and3A_620 : vector<16xi32>
          %add3A_622 = arith.constant 32767 : i32
          %add3A_623 = vector.broadcast %add3A_622 : i32 to vector<16xi32>
          %add3A_624 = arith.addi %add3A_623, %and3A_621 : vector<16xi32>
          %add3A_625 = arith.addi %bitcast_convert_type3A_615, %add3A_624 : vector<16xi32>
          %shift_right_logical3A_626 = arith.constant 16 : i32
          %shift_right_logical3A_627 = vector.broadcast %shift_right_logical3A_626 : i32 to vector<16xi32>
          %shift_right_logical3A_628 = arith.shrui %add3A_625, %shift_right_logical3A_627 : vector<16xi32>
          %shift_left3A_629 = arith.constant 16 : i32
          %shift_left3A_630 = vector.broadcast %shift_left3A_629 : i32 to vector<16xi32>
          %shift_left3A_631 = arith.shli %shift_right_logical3A_628, %shift_left3A_630 : vector<16xi32>
          %or3A_632 = arith.ori %shift_right_logical3A_614, %shift_left3A_631 : vector<16xi32>
          %bitcast_convert_type3A_633 = tpu.bitcast %or3A_632 : vector<16xi32> -> vector<16xf32>
          %swap3A_634 = arith.constant 2 : i32
          %swap3A_635 = arith.index_cast %swap3A_634 : i32 to index
          %swap3A_636 = arith.index_cast %scan3A_442 : i32 to index
          %swap3A_637 = arith.constant 32 : index
          %swap3A_638 = tpu.vector_load %arg11[%swap3A_635, %swap3A_636, %swap3A_637] {strides = array<i32>} : memref<3x80x64xf32, #tpu.memory_space<vmem>>, vector<1x1x16xf32>,
          %swap3A_639 = vector.shape_cast %swap3A_638 : vector<1x1x16xf32> to vector<16xf32>
          %swap3A_640 = vector.shape_cast %bitcast_convert_type3A_633 : vector<16xf32> to vector<1x1x16xf32>
          tpu.vector_store %arg11[%swap3A_635, %swap3A_636, %swap3A_637], %swap3A_640 {strides = array<i32>} : memref<3x80x64xf32, #tpu.memory_space<vmem>>, vector<1x1x16xf32>,
          %get3A_641 = arith.constant 2 : i32
          %get3A_642 = arith.index_cast %get3A_641 : i32 to index
          %get3A_643 = arith.index_cast %scan3A_442 : i32 to index
          %get3A_644 = arith.constant 96 : index
          %get3A_645 = tpu.vector_load %arg9[%get3A_642, %get3A_643, %get3A_644] {strides = array<i32>} : memref<3x80x128xf32, #tpu.memory_space<vmem>>, vector<1x1x16xf32>,
          %get3A_646 = vector.shape_cast %get3A_645 : vector<1x1x16xf32> to vector<16xf32>
          %get3A_647 = arith.constant 2 : i32
          %get3A_648 = arith.index_cast %get3A_647 : i32 to index
          %get3A_649 = arith.index_cast %scan3A_442 : i32 to index
          %get3A_650 = arith.constant 96 : index
          %get3A_651 = tpu.vector_load %arg10[%get3A_648, %get3A_649, %get3A_650] {strides = array<i32>} : memref<3x80x128xf32, #tpu.memory_space<vmem>>, vector<1x1x16xf32>,
          %get3A_652 = vector.shape_cast %get3A_651 : vector<1x1x16xf32> to vector<16xf32>
          %add3A_653 = arith.addf %get3A_646, %get3A_652 : vector<16xf32>
          %get3A_654 = arith.constant 2 : i32
          %get3A_655 = arith.index_cast %get3A_654 : i32 to index
          %get3A_656 = arith.index_cast %scan3A_442 : i32 to index
          %get3A_657 = arith.constant 112 : index
          %get3A_658 = tpu.vector_load %arg9[%get3A_655, %get3A_656, %get3A_657] {strides = array<i32>} : memref<3x80x128xf32, #tpu.memory_space<vmem>>, vector<1x1x16xf32>,
          %get3A_659 = vector.shape_cast %get3A_658 : vector<1x1x16xf32> to vector<16xf32>
          %get3A_660 = arith.constant 2 : i32
          %get3A_661 = arith.index_cast %get3A_660 : i32 to index
          %get3A_662 = arith.index_cast %scan3A_442 : i32 to index
          %get3A_663 = arith.constant 112 : index
          %get3A_664 = tpu.vector_load %arg10[%get3A_661, %get3A_662, %get3A_663] {strides = array<i32>} : memref<3x80x128xf32, #tpu.memory_space<vmem>>, vector<1x1x16xf32>,
          %get3A_665 = vector.shape_cast %get3A_664 : vector<1x1x16xf32> to vector<16xf32>
          %add3A_666 = arith.addf %get3A_659, %get3A_665 : vector<16xf32>
          %bitcast_convert_type3A_667 = tpu.bitcast %add3A_653 : vector<16xf32> -> vector<16xi32>
          %shift_right_logical3A_668 = arith.constant 16 : i32
          %shift_right_logical3A_669 = vector.broadcast %shift_right_logical3A_668 : i32 to vector<16xi32>
          %shift_right_logical3A_670 = arith.shrui %bitcast_convert_type3A_667, %shift_right_logical3A_669 : vector<16xi32>
          %and3A_671 = arith.constant 1 : i32
          %and3A_672 = vector.broadcast %and3A_671 : i32 to vector<16xi32>
          %and3A_673 = arith.andi %shift_right_logical3A_670, %and3A_672 : vector<16xi32>
          %add3A_674 = arith.constant 32767 : i32
          %add3A_675 = vector.broadcast %add3A_674 : i32 to vector<16xi32>
          %add3A_676 = arith.addi %add3A_675, %and3A_673 : vector<16xi32>
          %add3A_677 = arith.addi %bitcast_convert_type3A_667, %add3A_676 : vector<16xi32>
          %shift_right_logical3A_678 = arith.constant 16 : i32
          %shift_right_logical3A_679 = vector.broadcast %shift_right_logical3A_678 : i32 to vector<16xi32>
          %shift_right_logical3A_680 = arith.shrui %add3A_677, %shift_right_logical3A_679 : vector<16xi32>
          %bitcast_convert_type3A_681 = tpu.bitcast %add3A_666 : vector<16xf32> -> vector<16xi32>
          %shift_right_logical3A_682 = arith.constant 16 : i32
          %shift_right_logical3A_683 = vector.broadcast %shift_right_logical3A_682 : i32 to vector<16xi32>
          %shift_right_logical3A_684 = arith.shrui %bitcast_convert_type3A_681, %shift_right_logical3A_683 : vector<16xi32>
          %and3A_685 = arith.constant 1 : i32
          %and3A_686 = vector.broadcast %and3A_685 : i32 to vector<16xi32>
          %and3A_687 = arith.andi %shift_right_logical3A_684, %and3A_686 : vector<16xi32>
          %add3A_688 = arith.constant 32767 : i32
          %add3A_689 = vector.broadcast %add3A_688 : i32 to vector<16xi32>
          %add3A_690 = arith.addi %add3A_689, %and3A_687 : vector<16xi32>
          %add3A_691 = arith.addi %bitcast_convert_type3A_681, %add3A_690 : vector<16xi32>
          %shift_right_logical3A_692 = arith.constant 16 : i32
          %shift_right_logical3A_693 = vector.broadcast %shift_right_logical3A_692 : i32 to vector<16xi32>
          %shift_right_logical3A_694 = arith.shrui %add3A_691, %shift_right_logical3A_693 : vector<16xi32>
          %shift_left3A_695 = arith.constant 16 : i32
          %shift_left3A_696 = vector.broadcast %shift_left3A_695 : i32 to vector<16xi32>
          %shift_left3A_697 = arith.shli %shift_right_logical3A_694, %shift_left3A_696 : vector<16xi32>
          %or3A_698 = arith.ori %shift_right_logical3A_680, %shift_left3A_697 : vector<16xi32>
          %bitcast_convert_type3A_699 = tpu.bitcast %or3A_698 : vector<16xi32> -> vector<16xf32>
          %swap3A_700 = arith.constant 2 : i32
          %swap3A_701 = arith.index_cast %swap3A_700 : i32 to index
          %swap3A_702 = arith.index_cast %scan3A_442 : i32 to index
          %swap3A_703 = arith.constant 48 : index
          %swap3A_704 = tpu.vector_load %arg11[%swap3A_701, %swap3A_702, %swap3A_703] {strides = array<i32>} : memref<3x80x64xf32, #tpu.memory_space<vmem>>, vector<1x1x16xf32>,
          %swap3A_705 = vector.shape_cast %swap3A_704 : vector<1x1x16xf32> to vector<16xf32>
          %swap3A_706 = vector.shape_cast %bitcast_convert_type3A_699 : vector<16xf32> to vector<1x1x16xf32>
          tpu.vector_store %arg11[%swap3A_701, %swap3A_702, %swap3A_703], %swap3A_706 {strides = array<i32>} : memref<3x80x64xf32, #tpu.memory_space<vmem>>, vector<1x1x16xf32>,
        }
        %scan3A_182 = arith.constant 80 : i32
      } else {
      }
      %mul3A_160 = arith.constant 80 : i32
      %mul3A_161 = arith.muli %scan3A_112, %mul3A_160 : i32
      %add3A_162 = arith.addi %mul3A_2, %mul3A_161 : i32
      %dma_start3A_163 = arith.constant 0 : i32
      %dma_start3A_164 = arith.constant 0 : i32
      %dma_start3A_165 = tpu.memref_slice %arg11[%rem3A_113, %dma_start3A_163, %dma_start3A_164] : memref<3x80x64xf32, #tpu.memory_space<vmem>> -> memref<1x80x64xf32, #tpu.memory_space<vmem>>
      %dma_start3A_166 = tpu.memref_squeeze %dma_start3A_165 : memref<1x80x64xf32, #tpu.memory_space<vmem>> -> memref<80x64xf32, #tpu.memory_space<vmem>>
      %dma_start3A_167 = arith.constant 0 : i32
      %dma_start3A_168 = tpu.memref_slice %arg6[%add3A_162, %dma_start3A_167] : memref<320000x64xf32, #tpu.memory_space<hbm>> -> memref<80x64xf32, #tpu.memory_space<hbm>>
      %dma_start3A_169 = tpu.memref_slice %arg14[%rem3A_113] : memref<3x!tpu.dma_semaphore, #tpu.memory_space<semaphore_mem>> -> memref<1x!tpu.dma_semaphore, #tpu.memory_space<semaphore_mem>>
      %dma_start3A_170 = tpu.memref_squeeze %dma_start3A_169 : memref<1x!tpu.dma_semaphore, #tpu.memory_space<semaphore_mem>> -> memref<!tpu.dma_semaphore, #tpu.memory_space<semaphore_mem>>
      %dma_start3A_171 = arith.constant 0 : i32
      %dma_start3A_172 = tpu.memref_slice %arg6[%add3A_162, %dma_start3A_171] : memref<320000x64xf32, #tpu.memory_space<hbm>> -> memref<80x64xf32, #tpu.memory_space<hbm>>
      %dma_start3A_173 = arith.constant 0 : i32
      %dma_start3A_174 = arith.constant 0 : i32
      %dma_start3A_175 = tpu.memref_slice %arg11[%rem3A_113, %dma_start3A_173, %dma_start3A_174] : memref<3x80x64xf32, #tpu.memory_space<vmem>> -> memref<1x80x64xf32, #tpu.memory_space<vmem>>
      %dma_start3A_176 = tpu.memref_squeeze %dma_start3A_175 : memref<1x80x64xf32, #tpu.memory_space<vmem>> -> memref<80x64xf32, #tpu.memory_space<vmem>>
      tpu.enqueue_dma source(%dma_start3A_176 : memref<80x64xf32, #tpu.memory_space<vmem>>) target(%dma_start3A_172 : memref<80x64xf32, #tpu.memory_space<hbm>>) target_semaphore(%dma_start3A_170 : memref<!tpu.dma_semaphore, #tpu.memory_space<semaphore_mem>>)
    }
    %scan3A_58 = arith.constant 125 : i32
    %add3A_59 = arith.constant 9760 : i32
    %add3A_60 = arith.addi %mul3A_2, %add3A_59 : i32
    %dma_wait3A = arith.constant 2 : i32
    %dma_wait3A_61 = arith.constant 2 : i32
    %dma_wait3A_62 = arith.constant 0 : i32
    %dma_wait3A_63 = arith.constant 0 : i32
    %dma_wait3A_64 = tpu.memref_slice %arg11[%dma_wait3A, %dma_wait3A_62, %dma_wait3A_63] : memref<3x80x64xf32, #tpu.memory_space<vmem>> -> memref<1x80x64xf32, #tpu.memory_space<vmem>>
    %dma_wait3A_65 = tpu.memref_squeeze %dma_wait3A_64 : memref<1x80x64xf32, #tpu.memory_space<vmem>> -> memref<80x64xf32, #tpu.memory_space<vmem>>
    %dma_wait3A_66 = arith.constant 0 : i32
    %dma_wait3A_67 = tpu.memref_slice %arg6[%add3A_60, %dma_wait3A_66] : memref<320000x64xf32, #tpu.memory_space<hbm>> -> memref<80x64xf32, #tpu.memory_space<hbm>>
    %dma_wait3A_68 = tpu.memref_slice %arg14[%dma_wait3A_61] : memref<3x!tpu.dma_semaphore, #tpu.memory_space<semaphore_mem>> -> memref<1x!tpu.dma_semaphore, #tpu.memory_space<semaphore_mem>>
    %dma_wait3A_69 = tpu.memref_squeeze %dma_wait3A_68 : memref<1x!tpu.dma_semaphore, #tpu.memory_space<semaphore_mem>> -> memref<!tpu.dma_semaphore, #tpu.memory_space<semaphore_mem>>
    %dma_wait3A_70 = arith.constant 0 : i32
    %dma_wait3A_71 = tpu.memref_slice %arg6[%add3A_60, %dma_wait3A_70] : memref<320000x64xf32, #tpu.memory_space<hbm>> -> memref<80x64xf32, #tpu.memory_space<hbm>>
    %dma_wait3A_72 = arith.constant 0 : i32
    %dma_wait3A_73 = arith.constant 0 : i32
    %dma_wait3A_74 = tpu.memref_slice %arg11[%dma_wait3A, %dma_wait3A_72, %dma_wait3A_73] : memref<3x80x64xf32, #tpu.memory_space<vmem>> -> memref<1x80x64xf32, #tpu.memory_space<vmem>>
    %dma_wait3A_75 = tpu.memref_squeeze %dma_wait3A_74 : memref<1x80x64xf32, #tpu.memory_space<vmem>> -> memref<80x64xf32, #tpu.memory_space<vmem>>
    tpu.wait_dma2 semaphore(%dma_wait3A_69 : memref<!tpu.dma_semaphore, #tpu.memory_space<semaphore_mem>>) src(%dma_wait3A_75 : memref<80x64xf32, #tpu.memory_space<vmem>>) dst(%dma_wait3A_71 : memref<80x64xf32, #tpu.memory_space<hbm>>)
    %add3A_76 = arith.constant 9840 : i32
    %add3A_77 = arith.addi %mul3A_2, %add3A_76 : i32
    %dma_wait3A_78 = arith.constant 0 : i32
    %dma_wait3A_79 = arith.constant 0 : i32
    %dma_wait3A_80 = arith.constant 0 : i32
    %dma_wait3A_81 = arith.constant 0 : i32
    %dma_wait3A_82 = tpu.memref_slice %arg11[%dma_wait3A_78, %dma_wait3A_80, %dma_wait3A_81] : memref<3x80x64xf32, #tpu.memory_space<vmem>> -> memref<1x80x64xf32, #tpu.memory_space<vmem>>
    %dma_wait3A_83 = tpu.memref_squeeze %dma_wait3A_82 : memref<1x80x64xf32, #tpu.memory_space<vmem>> -> memref<80x64xf32, #tpu.memory_space<vmem>>
    %dma_wait3A_84 = arith.constant 0 : i32
    %dma_wait3A_85 = tpu.memref_slice %arg6[%add3A_77, %dma_wait3A_84] : memref<320000x64xf32, #tpu.memory_space<hbm>> -> memref<80x64xf32, #tpu.memory_space<hbm>>
    %dma_wait3A_86 = tpu.memref_slice %arg14[%dma_wait3A_79] : memref<3x!tpu.dma_semaphore, #tpu.memory_space<semaphore_mem>> -> memref<1x!tpu.dma_semaphore, #tpu.memory_space<semaphore_mem>>
    %dma_wait3A_87 = tpu.memref_squeeze %dma_wait3A_86 : memref<1x!tpu.dma_semaphore, #tpu.memory_space<semaphore_mem>> -> memref<!tpu.dma_semaphore, #tpu.memory_space<semaphore_mem>>
    %dma_wait3A_88 = arith.constant 0 : i32
    %dma_wait3A_89 = tpu.memref_slice %arg6[%add3A_77, %dma_wait3A_88] : memref<320000x64xf32, #tpu.memory_space<hbm>> -> memref<80x64xf32, #tpu.memory_space<hbm>>
    %dma_wait3A_90 = arith.constant 0 : i32
    %dma_wait3A_91 = arith.constant 0 : i32
    %dma_wait3A_92 = tpu.memref_slice %arg11[%dma_wait3A_78, %dma_wait3A_90, %dma_wait3A_91] : memref<3x80x64xf32, #tpu.memory_space<vmem>> -> memref<1x80x64xf32, #tpu.memory_space<vmem>>
    %dma_wait3A_93 = tpu.memref_squeeze %dma_wait3A_92 : memref<1x80x64xf32, #tpu.memory_space<vmem>> -> memref<80x64xf32, #tpu.memory_space<vmem>>
    tpu.wait_dma2 semaphore(%dma_wait3A_87 : memref<!tpu.dma_semaphore, #tpu.memory_space<semaphore_mem>>) src(%dma_wait3A_93 : memref<80x64xf32, #tpu.memory_space<vmem>>) dst(%dma_wait3A_89 : memref<80x64xf32, #tpu.memory_space<hbm>>)
    %add3A_94 = arith.constant 9920 : i32
    %add3A_95 = arith.addi %mul3A_2, %add3A_94 : i32
    %dma_wait3A_96 = arith.constant 1 : i32
    %dma_wait3A_97 = arith.constant 1 : i32
    %dma_wait3A_98 = arith.constant 0 : i32
    %dma_wait3A_99 = arith.constant 0 : i32
    %dma_wait3A_100 = tpu.memref_slice %arg11[%dma_wait3A_96, %dma_wait3A_98, %dma_wait3A_99] : memref<3x80x64xf32, #tpu.memory_space<vmem>> -> memref<1x80x64xf32, #tpu.memory_space<vmem>>
    %dma_wait3A_101 = tpu.memref_squeeze %dma_wait3A_100 : memref<1x80x64xf32, #tpu.memory_space<vmem>> -> memref<80x64xf32, #tpu.memory_space<vmem>>
    %dma_wait3A_102 = arith.constant 0 : i32
    %dma_wait3A_103 = tpu.memref_slice %arg6[%add3A_95, %dma_wait3A_102] : memref<320000x64xf32, #tpu.memory_space<hbm>> -> memref<80x64xf32, #tpu.memory_space<hbm>>
    %dma_wait3A_104 = tpu.memref_slice %arg14[%dma_wait3A_97] : memref<3x!tpu.dma_semaphore, #tpu.memory_space<semaphore_mem>> -> memref<1x!tpu.dma_semaphore, #tpu.memory_space<semaphore_mem>>
    %dma_wait3A_105 = tpu.memref_squeeze %dma_wait3A_104 : memref<1x!tpu.dma_semaphore, #tpu.memory_space<semaphore_mem>> -> memref<!tpu.dma_semaphore, #tpu.memory_space<semaphore_mem>>
    %dma_wait3A_106 = arith.constant 0 : i32
    %dma_wait3A_107 = tpu.memref_slice %arg6[%add3A_95, %dma_wait3A_106] : memref<320000x64xf32, #tpu.memory_space<hbm>> -> memref<80x64xf32, #tpu.memory_space<hbm>>
    %dma_wait3A_108 = arith.constant 0 : i32
    %dma_wait3A_109 = arith.constant 0 : i32
    %dma_wait3A_110 = tpu.memref_slice %arg11[%dma_wait3A_96, %dma_wait3A_108, %dma_wait3A_109] : memref<3x80x64xf32, #tpu.memory_space<vmem>> -> memref<1x80x64xf32, #tpu.memory_space<vmem>>
    %dma_wait3A_111 = tpu.memref_squeeze %dma_wait3A_110 : memref<1x80x64xf32, #tpu.memory_space<vmem>> -> memref<80x64xf32, #tpu.memory_space<vmem>>
    tpu.wait_dma2 semaphore(%dma_wait3A_105 : memref<!tpu.dma_semaphore, #tpu.memory_space<semaphore_mem>>) src(%dma_wait3A_111 : memref<80x64xf32, #tpu.memory_space<vmem>>) dst(%dma_wait3A_107 : memref<80x64xf32, #tpu.memory_space<hbm>>)
    return
  }
}

module attributes {stable_mosaic.version = 14 : i64} {
  func.func @_p0_body(%arg0: i32, %arg1: memref<2000x128xf32, #tpu.memory_space<vmem>>, %arg2: memref<128x384xf32, #tpu.memory_space<vmem>>, %arg3: memref<2000x128xf32, #tpu.memory_space<vmem>>, %arg4: memref<2000x128xf32, #tpu.memory_space<vmem>>, %arg5: memref<2000x128xf32, #tpu.memory_space<vmem>>) attributes {dimension_semantics = [#tpu.dimension_semantics<arbitrary>], iteration_bounds = array<i64: 5>, scalar_prefetch = 0 : i64, scratch_operands = 0 : i64, tpu.core_type = #tpu.core_type<tc>, window_params = [{transform_indices = @transform_0, window_bounds = array<i64: 2000, 128>}, {pipeline_mode = #tpu.pipeline_mode<synchronous>, transform_indices = @transform_1, window_bounds = array<i64: 128, 384>}, {transform_indices = @transform_2, window_bounds = array<i64: 2000, 128>}, {transform_indices = @transform_3, window_bounds = array<i64: 2000, 128>}, {transform_indices = @transform_4, window_bounds = array<i64: 2000, 128>}]} {
    %get3A = arith.constant 0 : index
    %get3A_0 = arith.constant 0 : index
    %get3A_1 = vector.load %arg1[%get3A, %get3A_0] : memref<2000x128xf32, #tpu.memory_space<vmem>>, vector<2000x128xf32>
    %get3A_2 = arith.constant 0 : index
    %get3A_3 = arith.constant 0 : index
    %get3A_4 = vector.load %arg2[%get3A_2, %get3A_3] : memref<128x384xf32, #tpu.memory_space<vmem>>, vector<128x384xf32>
    %dot_general3A = arith.constant dense<0.000000e+00> : vector<2000x384xf32>
    %dot_general3A_5 = tpu.matmul %get3A_1, %get3A_4, %dot_general3A {dimension_numbers = #tpu.dot_dimension_numbers<[1], [0], [0], [1], [0, 0, 1, 1], [], []>, transpose_lhs_hint = false} : vector<2000x128xf32>, vector<128x384xf32>, vector<2000x384xf32> -> vector<2000x384xf32>
    %slice3A = vector.extract_strided_slice %dot_general3A_5 {offsets = [0, 0], sizes = [2000, 128], strides = [1, 1]} : vector<2000x384xf32> to vector<2000x128xf32>
    %swap3A = arith.constant 0 : index
    %swap3A_6 = arith.constant 0 : index
    %swap3A_7 = vector.load %arg3[%swap3A, %swap3A_6] : memref<2000x128xf32, #tpu.memory_space<vmem>>, vector<2000x128xf32>
    tpu.vector_store %arg3[%swap3A, %swap3A_6], %slice3A {strides = array<i32>} : memref<2000x128xf32, #tpu.memory_space<vmem>>, vector<2000x128xf32>,
    %slice3A_8 = vector.extract_strided_slice %dot_general3A_5 {offsets = [0, 128], sizes = [2000, 128], strides = [1, 1]} : vector<2000x384xf32> to vector<2000x128xf32>
    %swap3A_9 = arith.constant 0 : index
    %swap3A_10 = arith.constant 0 : index
    %swap3A_11 = vector.load %arg4[%swap3A_9, %swap3A_10] : memref<2000x128xf32, #tpu.memory_space<vmem>>, vector<2000x128xf32>
    tpu.vector_store %arg4[%swap3A_9, %swap3A_10], %slice3A_8 {strides = array<i32>} : memref<2000x128xf32, #tpu.memory_space<vmem>>, vector<2000x128xf32>,
    %slice3A_12 = vector.extract_strided_slice %dot_general3A_5 {offsets = [0, 256], sizes = [2000, 128], strides = [1, 1]} : vector<2000x384xf32> to vector<2000x128xf32>
    %swap3A_13 = arith.constant 0 : index
    %swap3A_14 = arith.constant 0 : index
    %swap3A_15 = vector.load %arg5[%swap3A_13, %swap3A_14] : memref<2000x128xf32, #tpu.memory_space<vmem>>, vector<2000x128xf32>
    tpu.vector_store %arg5[%swap3A_13, %swap3A_14], %slice3A_12 {strides = array<i32>} : memref<2000x128xf32, #tpu.memory_space<vmem>>, vector<2000x128xf32>,
    return
  }
  func.func @transform_0(%arg0: i32) -> (i32, i32) {
    %c0_i32 = arith.constant 0 : i32
    %c0_i32_0 = arith.constant 0 : i32
    return %arg0, %c0_i32 : i32, i32
  }
  func.func @transform_1(%arg0: i32) -> (i32, i32) {
    %c0_i32 = arith.constant 0 : i32
    %c0_i32_0 = arith.constant 0 : i32
    %c0_i32_1 = arith.constant 0 : i32
    return %c0_i32, %c0_i32_0 : i32, i32
  }
  func.func @transform_2(%arg0: i32) -> (i32, i32) {
    %c0_i32 = arith.constant 0 : i32
    %c0_i32_0 = arith.constant 0 : i32
    return %arg0, %c0_i32 : i32, i32
  }
  func.func @transform_3(%arg0: i32) -> (i32, i32) {
    %c0_i32 = arith.constant 0 : i32
    %c0_i32_0 = arith.constant 0 : i32
    return %arg0, %c0_i32 : i32, i32
  }
  func.func @transform_4(%arg0: i32) -> (i32, i32) {
    %c0_i32 = arith.constant 0 : i32
    %c0_i32_0 = arith.constant 0 : i32
    return %arg0, %c0_i32 : i32, i32
  }
}

module attributes {stable_mosaic.version = 14 : i64} {
  func.func @_p2_body(%arg0: i32, %arg1: memref<4000x64xf32, #tpu.memory_space<vmem>>, %arg2: memref<4000x16xf32, #tpu.memory_space<vmem>>, %arg3: memref<4000x1xf32, #tpu.memory_space<vmem>>, %arg4: memref<16x128xf32, #tpu.memory_space<vmem>>, %arg5: memref<1x128xf32, #tpu.memory_space<vmem>>, %arg6: memref<128x128xf32, #tpu.memory_space<vmem>>, %arg7: memref<1x128xf32, #tpu.memory_space<vmem>>, %arg8: memref<4000x128xf32, #tpu.memory_space<vmem>>) attributes {dimension_semantics = [#tpu.dimension_semantics<arbitrary>], iteration_bounds = array<i64: 80>, scalar_prefetch = 0 : i64, scratch_operands = 0 : i64, tpu.core_type = #tpu.core_type<tc>, window_params = [{transform_indices = @transform_0, window_bounds = array<i64: 4000, 64>}, {transform_indices = @transform_1, window_bounds = array<i64: 4000, 16>}, {transform_indices = @transform_2, window_bounds = array<i64: 4000, 1>}, {pipeline_mode = #tpu.pipeline_mode<synchronous>, transform_indices = @transform_3, window_bounds = array<i64: 16, 128>}, {pipeline_mode = #tpu.pipeline_mode<synchronous>, transform_indices = @transform_4, window_bounds = array<i64: 1, 128>}, {pipeline_mode = #tpu.pipeline_mode<synchronous>, transform_indices = @transform_5, window_bounds = array<i64: 128, 128>}, {pipeline_mode = #tpu.pipeline_mode<synchronous>, transform_indices = @transform_6, window_bounds = array<i64: 1, 128>}, {transform_indices = @transform_7, window_bounds = array<i64: 4000, 128>}]} {
    %get3A = arith.constant 0 : index
    %get3A_0 = arith.constant 0 : index
    %get3A_1 = vector.load %arg1[%get3A, %get3A_0] : memref<4000x64xf32, #tpu.memory_space<vmem>>, vector<4000x64xf32>
    %bitcast_convert_type3A = tpu.bitcast %get3A_1 : vector<4000x64xf32> -> vector<4000x64xi32>
    %shift_left3A = arith.constant 16 : i32
    %shift_left3A_2 = vector.broadcast %shift_left3A : i32 to vector<4000x64xi32>
    %shift_left3A_3 = arith.shli %bitcast_convert_type3A, %shift_left3A_2 : vector<4000x64xi32>
    %bitcast_convert_type3A_4 = tpu.bitcast %shift_left3A_3 : vector<4000x64xi32> -> vector<4000x64xf32>
    %and3A = arith.constant -65536 : i32
    %and3A_5 = vector.broadcast %and3A : i32 to vector<4000x64xi32>
    %and3A_6 = arith.andi %bitcast_convert_type3A, %and3A_5 : vector<4000x64xi32>
    %bitcast_convert_type3A_7 = tpu.bitcast %and3A_6 : vector<4000x64xi32> -> vector<4000x64xf32>
    %concatenate3A = tpu.concatenate %bitcast_convert_type3A_4, %bitcast_convert_type3A_7 in 1 : vector<4000x64xf32>, vector<4000x64xf32> -> vector<4000x128xf32>
    %get3A_8 = arith.constant 0 : index
    %get3A_9 = arith.constant 0 : index
    %get3A_10 = vector.load %arg3[%get3A_8, %get3A_9] : memref<4000x1xf32, #tpu.memory_space<vmem>>, vector<4000x1xf32>
    %mul3A = vector.broadcast %get3A_10 : vector<4000x1xf32> to vector<4000x128xf32>
    %mul3A_11 = arith.mulf %mul3A, %concatenate3A : vector<4000x128xf32>
    %get3A_12 = arith.constant 0 : index
    %get3A_13 = arith.constant 0 : index
    %get3A_14 = vector.load %arg2[%get3A_12, %get3A_13] : memref<4000x16xf32, #tpu.memory_space<vmem>>, vector<4000x16xf32>
    %get3A_15 = arith.constant 0 : index
    %get3A_16 = arith.constant 0 : index
    %get3A_17 = vector.load %arg4[%get3A_15, %get3A_16] : memref<16x128xf32, #tpu.memory_space<vmem>>, vector<16x128xf32>
    %dot_general3A = arith.constant dense<0.000000e+00> : vector<4000x128xf32>
    %dot_general3A_18 = tpu.matmul %get3A_14, %get3A_17, %dot_general3A {dimension_numbers = #tpu.dot_dimension_numbers<[1], [0], [0], [1], [0, 0, 1, 1], [], []>, transpose_lhs_hint = false} : vector<4000x16xf32>, vector<16x128xf32>, vector<4000x128xf32> -> vector<4000x128xf32>
    %add3A = arith.addf %mul3A_11, %dot_general3A_18 : vector<4000x128xf32>
    %get3A_19 = arith.constant 0 : index
    %get3A_20 = arith.constant 0 : index
    %get3A_21 = vector.load %arg5[%get3A_19, %get3A_20] : memref<1x128xf32, #tpu.memory_space<vmem>>, vector<1x128xf32>
    %add3A_22 = vector.broadcast %get3A_21 : vector<1x128xf32> to vector<4000x128xf32>
    %add3A_23 = arith.addf %add3A, %add3A_22 : vector<4000x128xf32>
    %logistic3A = arith.negf %add3A_23 : vector<4000x128xf32>
    %logistic3A_24 = math.exp %logistic3A : vector<4000x128xf32>
    %logistic3A_25 = arith.constant 1.000000e+00 : f32
    %logistic3A_26 = vector.broadcast %logistic3A_25 : f32 to vector<4000x128xf32>
    %logistic3A_27 = arith.addf %logistic3A_26, %logistic3A_24 : vector<4000x128xf32>
    %logistic3A_28 = arith.divf %logistic3A_26, %logistic3A_27 : vector<4000x128xf32>
    %mul3A_29 = arith.mulf %add3A_23, %logistic3A_28 : vector<4000x128xf32>
    %get3A_30 = arith.constant 0 : index
    %get3A_31 = arith.constant 0 : index
    %get3A_32 = vector.load %arg6[%get3A_30, %get3A_31] : memref<128x128xf32, #tpu.memory_space<vmem>>, vector<128x128xf32>
    %dot_general3A_33 = arith.constant dense<0.000000e+00> : vector<4000x128xf32>
    %dot_general3A_34 = tpu.matmul %mul3A_29, %get3A_32, %dot_general3A_33 {dimension_numbers = #tpu.dot_dimension_numbers<[1], [0], [0], [1], [0, 0, 1, 1], [], []>, transpose_lhs_hint = false} : vector<4000x128xf32>, vector<128x128xf32>, vector<4000x128xf32> -> vector<4000x128xf32>
    %get3A_35 = arith.constant 0 : index
    %get3A_36 = arith.constant 0 : index
    %get3A_37 = vector.load %arg7[%get3A_35, %get3A_36] : memref<1x128xf32, #tpu.memory_space<vmem>>, vector<1x128xf32>
    %add3A_38 = vector.broadcast %get3A_37 : vector<1x128xf32> to vector<4000x128xf32>
    %add3A_39 = arith.addf %dot_general3A_34, %add3A_38 : vector<4000x128xf32>
    %logistic3A_40 = arith.negf %add3A_39 : vector<4000x128xf32>
    %logistic3A_41 = math.exp %logistic3A_40 : vector<4000x128xf32>
    %logistic3A_42 = arith.constant 1.000000e+00 : f32
    %logistic3A_43 = vector.broadcast %logistic3A_42 : f32 to vector<4000x128xf32>
    %logistic3A_44 = arith.addf %logistic3A_43, %logistic3A_41 : vector<4000x128xf32>
    %logistic3A_45 = arith.divf %logistic3A_43, %logistic3A_44 : vector<4000x128xf32>
    %mul3A_46 = arith.mulf %add3A_39, %logistic3A_45 : vector<4000x128xf32>
    %swap3A = arith.constant 0 : index
    %swap3A_47 = arith.constant 0 : index
    %swap3A_48 = vector.load %arg8[%swap3A, %swap3A_47] : memref<4000x128xf32, #tpu.memory_space<vmem>>, vector<4000x128xf32>
    tpu.vector_store %arg8[%swap3A, %swap3A_47], %mul3A_46 {strides = array<i32>} : memref<4000x128xf32, #tpu.memory_space<vmem>>, vector<4000x128xf32>,
    return
  }
  func.func @transform_0(%arg0: i32) -> (i32, i32) {
    %c0_i32 = arith.constant 0 : i32
    %c0_i32_0 = arith.constant 0 : i32
    return %arg0, %c0_i32 : i32, i32
  }
  func.func @transform_1(%arg0: i32) -> (i32, i32) {
    %c0_i32 = arith.constant 0 : i32
    %c0_i32_0 = arith.constant 0 : i32
    return %arg0, %c0_i32 : i32, i32
  }
  func.func @transform_2(%arg0: i32) -> (i32, i32) {
    %c0_i32 = arith.constant 0 : i32
    %c0_i32_0 = arith.constant 0 : i32
    return %arg0, %c0_i32 : i32, i32
  }
  func.func @transform_3(%arg0: i32) -> (i32, i32) {
    %c0_i32 = arith.constant 0 : i32
    %c0_i32_0 = arith.constant 0 : i32
    %c0_i32_1 = arith.constant 0 : i32
    return %c0_i32, %c0_i32_0 : i32, i32
  }
  func.func @transform_4(%arg0: i32) -> (i32, i32) {
    %c0_i32 = arith.constant 0 : i32
    %c0_i32_0 = arith.constant 0 : i32
    %c0_i32_1 = arith.constant 0 : i32
    return %c0_i32, %c0_i32_0 : i32, i32
  }
  func.func @transform_5(%arg0: i32) -> (i32, i32) {
    %c0_i32 = arith.constant 0 : i32
    %c0_i32_0 = arith.constant 0 : i32
    %c0_i32_1 = arith.constant 0 : i32
    return %c0_i32, %c0_i32_0 : i32, i32
  }
  func.func @transform_6(%arg0: i32) -> (i32, i32) {
    %c0_i32 = arith.constant 0 : i32
    %c0_i32_0 = arith.constant 0 : i32
    %c0_i32_1 = arith.constant 0 : i32
    return %c0_i32, %c0_i32_0 : i32, i32
  }
  func.func @transform_7(%arg0: i32) -> (i32, i32) {
    %c0_i32 = arith.constant 0 : i32
    %c0_i32_0 = arith.constant 0 : i32
    return %arg0, %c0_i32 : i32, i32
  }
}

module attributes {stable_mosaic.version = 14 : i64} {
  func.func @_p4_body(%arg0: i32, %arg1: memref<2000x128xf32, #tpu.memory_space<vmem>>, %arg2: memref<2000x128xf32, #tpu.memory_space<vmem>>, %arg3: memref<2000x128xf32, #tpu.memory_space<vmem>>, %arg4: memref<2000x128xf32, #tpu.memory_space<vmem>>, %arg5: memref<128x128xf32, #tpu.memory_space<vmem>>, %arg6: memref<1x128xf32, #tpu.memory_space<vmem>>, %arg7: memref<128x128xf32, #tpu.memory_space<vmem>>, %arg8: memref<1x128xf32, #tpu.memory_space<vmem>>, %arg9: memref<2000x128xf32, #tpu.memory_space<vmem>>) attributes {dimension_semantics = [#tpu.dimension_semantics<arbitrary>], iteration_bounds = array<i64: 5>, scalar_prefetch = 0 : i64, scratch_operands = 0 : i64, tpu.core_type = #tpu.core_type<tc>, window_params = [{transform_indices = @transform_0, window_bounds = array<i64: 2000, 128>}, {transform_indices = @transform_1, window_bounds = array<i64: 2000, 128>}, {transform_indices = @transform_2, window_bounds = array<i64: 2000, 128>}, {transform_indices = @transform_3, window_bounds = array<i64: 2000, 128>}, {pipeline_mode = #tpu.pipeline_mode<synchronous>, transform_indices = @transform_4, window_bounds = array<i64: 128, 128>}, {pipeline_mode = #tpu.pipeline_mode<synchronous>, transform_indices = @transform_5, window_bounds = array<i64: 1, 128>}, {pipeline_mode = #tpu.pipeline_mode<synchronous>, transform_indices = @transform_6, window_bounds = array<i64: 128, 128>}, {pipeline_mode = #tpu.pipeline_mode<synchronous>, transform_indices = @transform_7, window_bounds = array<i64: 1, 128>}, {transform_indices = @transform_8, window_bounds = array<i64: 2000, 128>}]} {
    %get3A = arith.constant 0 : index
    %get3A_0 = arith.constant 0 : index
    %get3A_1 = vector.load %arg2[%get3A, %get3A_0] : memref<2000x128xf32, #tpu.memory_space<vmem>>, vector<2000x128xf32>
    %get3A_2 = arith.constant 0 : index
    %get3A_3 = arith.constant 0 : index
    %get3A_4 = vector.load %arg6[%get3A_2, %get3A_3] : memref<1x128xf32, #tpu.memory_space<vmem>>, vector<1x128xf32>
    %add3A = vector.broadcast %get3A_4 : vector<1x128xf32> to vector<2000x128xf32>
    %add3A_5 = arith.addf %get3A_1, %add3A : vector<2000x128xf32>
    %get3A_6 = arith.constant 0 : index
    %get3A_7 = arith.constant 0 : index
    %get3A_8 = vector.load %arg3[%get3A_6, %get3A_7] : memref<2000x128xf32, #tpu.memory_space<vmem>>, vector<2000x128xf32>
    %get3A_9 = arith.constant 0 : index
    %get3A_10 = arith.constant 0 : index
    %get3A_11 = vector.load %arg4[%get3A_9, %get3A_10] : memref<2000x128xf32, #tpu.memory_space<vmem>>, vector<2000x128xf32>
    %add3A_12 = arith.addf %get3A_8, %get3A_11 : vector<2000x128xf32>
    %get3A_13 = arith.constant 0 : index
    %get3A_14 = arith.constant 0 : index
    %get3A_15 = vector.load %arg5[%get3A_13, %get3A_14] : memref<128x128xf32, #tpu.memory_space<vmem>>, vector<128x128xf32>
    %dot_general3A = arith.constant dense<0.000000e+00> : vector<2000x128xf32>
    %dot_general3A_16 = tpu.matmul %add3A_12, %get3A_15, %dot_general3A {dimension_numbers = #tpu.dot_dimension_numbers<[1], [0], [0], [1], [0, 0, 1, 1], [], []>, transpose_lhs_hint = false} : vector<2000x128xf32>, vector<128x128xf32>, vector<2000x128xf32> -> vector<2000x128xf32>
    %add3A_17 = arith.addf %add3A_5, %dot_general3A_16 : vector<2000x128xf32>
    %logistic3A = arith.negf %add3A_17 : vector<2000x128xf32>
    %logistic3A_18 = math.exp %logistic3A : vector<2000x128xf32>
    %logistic3A_19 = arith.constant 1.000000e+00 : f32
    %logistic3A_20 = vector.broadcast %logistic3A_19 : f32 to vector<2000x128xf32>
    %logistic3A_21 = arith.addf %logistic3A_20, %logistic3A_18 : vector<2000x128xf32>
    %logistic3A_22 = arith.divf %logistic3A_20, %logistic3A_21 : vector<2000x128xf32>
    %mul3A = arith.mulf %add3A_17, %logistic3A_22 : vector<2000x128xf32>
    %get3A_23 = arith.constant 0 : index
    %get3A_24 = arith.constant 0 : index
    %get3A_25 = vector.load %arg7[%get3A_23, %get3A_24] : memref<128x128xf32, #tpu.memory_space<vmem>>, vector<128x128xf32>
    %dot_general3A_26 = arith.constant dense<0.000000e+00> : vector<2000x128xf32>
    %dot_general3A_27 = tpu.matmul %mul3A, %get3A_25, %dot_general3A_26 {dimension_numbers = #tpu.dot_dimension_numbers<[1], [0], [0], [1], [0, 0, 1, 1], [], []>, transpose_lhs_hint = false} : vector<2000x128xf32>, vector<128x128xf32>, vector<2000x128xf32> -> vector<2000x128xf32>
    %get3A_28 = arith.constant 0 : index
    %get3A_29 = arith.constant 0 : index
    %get3A_30 = vector.load %arg8[%get3A_28, %get3A_29] : memref<1x128xf32, #tpu.memory_space<vmem>>, vector<1x128xf32>
    %add3A_31 = vector.broadcast %get3A_30 : vector<1x128xf32> to vector<2000x128xf32>
    %add3A_32 = arith.addf %dot_general3A_27, %add3A_31 : vector<2000x128xf32>
    %get3A_33 = arith.constant 0 : index
    %get3A_34 = arith.constant 0 : index
    %get3A_35 = vector.load %arg1[%get3A_33, %get3A_34] : memref<2000x128xf32, #tpu.memory_space<vmem>>, vector<2000x128xf32>
    %add3A_36 = arith.addf %get3A_35, %add3A_32 : vector<2000x128xf32>
    %swap3A = arith.constant 0 : index
    %swap3A_37 = arith.constant 0 : index
    %swap3A_38 = vector.load %arg9[%swap3A, %swap3A_37] : memref<2000x128xf32, #tpu.memory_space<vmem>>, vector<2000x128xf32>
    tpu.vector_store %arg9[%swap3A, %swap3A_37], %add3A_36 {strides = array<i32>} : memref<2000x128xf32, #tpu.memory_space<vmem>>, vector<2000x128xf32>,
    return
  }
  func.func @transform_0(%arg0: i32) -> (i32, i32) {
    %c0_i32 = arith.constant 0 : i32
    %c0_i32_0 = arith.constant 0 : i32
    return %arg0, %c0_i32 : i32, i32
  }
  func.func @transform_1(%arg0: i32) -> (i32, i32) {
    %c0_i32 = arith.constant 0 : i32
    %c0_i32_0 = arith.constant 0 : i32
    return %arg0, %c0_i32 : i32, i32
  }
  func.func @transform_2(%arg0: i32) -> (i32, i32) {
    %c0_i32 = arith.constant 0 : i32
    %c0_i32_0 = arith.constant 0 : i32
    return %arg0, %c0_i32 : i32, i32
  }
  func.func @transform_3(%arg0: i32) -> (i32, i32) {
    %c0_i32 = arith.constant 0 : i32
    %c0_i32_0 = arith.constant 0 : i32
    return %arg0, %c0_i32 : i32, i32
  }
  func.func @transform_4(%arg0: i32) -> (i32, i32) {
    %c0_i32 = arith.constant 0 : i32
    %c0_i32_0 = arith.constant 0 : i32
    %c0_i32_1 = arith.constant 0 : i32
    return %c0_i32, %c0_i32_0 : i32, i32
  }
  func.func @transform_5(%arg0: i32) -> (i32, i32) {
    %c0_i32 = arith.constant 0 : i32
    %c0_i32_0 = arith.constant 0 : i32
    %c0_i32_1 = arith.constant 0 : i32
    return %c0_i32, %c0_i32_0 : i32, i32
  }
  func.func @transform_6(%arg0: i32) -> (i32, i32) {
    %c0_i32 = arith.constant 0 : i32
    %c0_i32_0 = arith.constant 0 : i32
    %c0_i32_1 = arith.constant 0 : i32
    return %c0_i32, %c0_i32_0 : i32, i32
  }
  func.func @transform_7(%arg0: i32) -> (i32, i32) {
    %c0_i32 = arith.constant 0 : i32
    %c0_i32_0 = arith.constant 0 : i32
    %c0_i32_1 = arith.constant 0 : i32
    return %c0_i32, %c0_i32_0 : i32, i32
  }
  func.func @transform_8(%arg0: i32) -> (i32, i32) {
    %c0_i32 = arith.constant 0 : i32
    %c0_i32_0 = arith.constant 0 : i32
    return %arg0, %c0_i32 : i32, i32
  }
}

</mosaic_0001>

<sc_bundles>
// kernel: kernel.10.cloned.1.call-start
scs
__scs_entry_jumppad:
0x0: {  	(pc) =	sbr.rel $0x88, $3  }
0x1: {  	(tag) =	ssettag $0x0;
	lr =	simm.s32 $0x1  }
0x2: {  	[smem:$0x3F95] =	sst lr;
	_ =	strace $0xD0000000  }
0x3: {  	_ = 	snop  }
0x4: {  	_ = 	snop  }
0x5: {  	_ = 	snop  }
0x6: {  	_ = 	snop  }
0x7: {  	_ = 	snop  }
__scs_overlays_trampoline_lowered:
0x8: {  	[smem:$0x3FA4] =	sst s0  }
0x9: {  	[smem:$0x3FA5] =	sst s1  }
0xa: {  	[smem:$0x3FA6] =	sst s2  }
0xb: {  	[smem:$0x3FA7] =	sst s3  }
0xc: {  	[smem:$0x3FA8] =	sst s4  }
0xd: {  	[smem:$0x3FA9] =	sst s5  }
0xe: {  	[smem:$0x3FAA] =	sst s6  }
0xf: {  	[smem:$0x3FAB] =	sst s7  }
0x10: {  	[smem:$0x3FAC] =	sst s8  }
0x11: {  	[smem:$0x3FAD] =	sst s9;
	s0 =	simm.s32 @!p0 $0x0  }
0x12: {  	s1 =	sld [smem:$0x3F93];
	s0 =	simm.s32 @p0 $0x1  }
0x13: {  	[smem:$0x3FAE] =	sst s0;
	s0 =	simm.s32 @!p1 $0x0  }
0x14: {  	s2 =	sld [smem:$0x3F92];
	s0 =	simm.s32 @p1 $0x1  }
0x15: {  	[smem:$0x3FAF] =	sst s0;
	s0 =	simm.s32 @!p2 $0x0  }
0x16: {  	s3 =	sld [smem:$0x3FDB];
	s0 =	simm.s32 @p2 $0x1  }
0x17: {  	s4 =	simm.s32 $0x1BF5;
	[smem:$0x3FB1] =	sst s0  }
0x18: {  	s0 =	sld [smem:$0x3F94];
	_ =	swait.ge [sflag:s4], $0x0  }
0x19: {  	s7 =	sld [smem:$0x3F95]  }
0x1a: {  	s8 =	sadd.s32 $0xFFFFE003, lr  }
0x1b: {  	s9 =	sadd.s32 $0xFFFFFEF7, lr;
	s5 =	simm.s32 $0xFFFFFFFF;
	p2 =	slt.u32 s8, $0xFFFFF086  }
0x1c: {  	p1 =	slt.u32 s9, $0xF7A;
	s5 =	simm.s32 @!p2 $0x0  }
0x1d: {  	s5 =	simm.s32 @p1 $0x1;
	p0 =	seq.s32 s7, s2  }
0x1e: {  	s7 =	smul.u32 @!p0 $0xF7A, s2;
	p2 =	seq.s32 @!p0 s5, $0x0  }
0x1f: {  	s9 =	smul.u32 $0xF7A, s1;
	s8 =	simm.s32 @!p0 $0x1BF5;
	p2 =	por !p2, p0  }
0x20: {  	[sflag:s8] =	ssyncset.s32 @!p0 $0xFFFFF086;
	s6 =	sadd.s32 @!p0 s3, s7;
	s7 =	simm.s32 @!p0 $0x108  }
0x21: {  	s3 =	sadd.s32 s3, s9;
	s6 =	sadd.s32 @!p0 $0x88, s6;
	s7 =	simm.s32 @p2 $0x1082  }
0x22: {  	[simem:s7], [sflag:s8] =	dma.local @!p0 [hbm:s6], $0xF7A  }
0x23: {  	s9 =	sor.u32 $0xD0000000, s2;
	s6 =	simm.s32 $0x108;
	_ =	swait.ge @!p0 [sflag:s8], $0x0  }
0x24: {  	s3 =	sadd.s32 $0x88, s3;
	s6 =	simm.s32 @!p1 $0x1082;
	[sflag:s4] =	ssyncset.s32 $0xFFFFF086  }
0x25: {  	[simem:s6], [sflag:s4] =	dma.local [hbm:s3], $0xF7A  }
0x26: {  	[smem:$0x3F95] =	sst s1;
	(tag) =	ssettag s2;
	_ =	strace s9  }
0x27: {  	s1 =	sld [smem:$0x3FA5]  }
0x28: {  	s2 =	sld [smem:$0x3FA6]  }
0x29: {  	s4 =	sld [smem:$0x3FA8]  }
0x2a: {  	p0 =	seq.s32 s5, $0x0;
	s5 =	sld [smem:$0x3FA9]  }
0x2b: {  	s6 =	sld [smem:$0x3FAA]  }
0x2c: {  	s7 =	sld [smem:$0x3FAB]  }
0x2d: {  	s3 =	simm.s32 $0x108;
	s8 =	sld [smem:$0x3FAC]  }
0x2e: {  	s3 =	simm.s32 @!p0 $0x1082;
	s9 =	sld [smem:$0x3FAD]  }
0x2f: {  	lr =	sadd.s32 s0, s3;
	s0 =	sld [smem:$0x3FA4]  }
0x30: {  	s3 =	sld [smem:$0x3FA7]  }
0x31: {  	[smem:$0x3FB0] =	sst s10  }
0x32: {  	s10 =	sld [smem:$0x3FAE];
	_ =	sdelay $0x3  }
0x33: {  	p0 =	seq.s32 s10, $0x1;
	s10 =	sld [smem:$0x3FB0];
	_ =	sdelay $0x3  }
0x34: {  	[smem:$0x3FB0] =	sst s10  }
0x35: {  	s10 =	sld [smem:$0x3FAF];
	_ =	sdelay $0x3  }
0x36: {  	p1 =	seq.s32 s10, $0x1;
	s10 =	sld [smem:$0x3FB0];
	_ =	sdelay $0x3  }
0x37: {  	[smem:$0x3FB0] =	sst s10  }
0x38: {  	s10 =	sld [smem:$0x3FB1]  }
0x39: {  	_ = 	snop;
	(pc) =	sbr.ind lr, $3  }
0x3a: {  	_ = 	snop  }
0x3b: {  	_ = 	snop  }
0x3c: {  	p2 =	seq.s32 s10, $0x1;
	s10 =	sld [smem:$0x3FB0]  }
0x3d: {  	_ =	shalt  }
0x3e: {  	_ =	shalt  }
0x3f: {  	_ =	shalt  }
0x40: {  	_ =	shalt  }
0x41: {  	_ =	shalt  }
0x42: {  	_ =	shalt  }
0x43: {  	_ =	shalt  }
0x44: {  	_ =	shalt  }
0x45: {  	_ =	shalt  }
0x46: {  	_ =	shalt  }
0x47: {  	_ =	shalt  }
0x48: {  	_ =	shalt  }
0x49: {  	_ =	shalt  }
0x4a: {  	_ =	shalt  }
0x4b: {  	_ =	shalt  }
0x4c: {  	_ =	shalt  }
0x4d: {  	_ =	shalt  }
0x4e: {  	_ =	shalt  }
0x4f: {  	_ =	shalt  }
0x50: {  	_ =	shalt  }
0x51: {  	_ =	shalt  }
0x52: {  	_ =	shalt  }
0x53: {  	_ =	shalt  }
0x54: {  	_ =	shalt  }
0x55: {  	_ =	shalt  }
0x56: {  	_ =	shalt  }
0x57: {  	_ =	shalt  }
0x58: {  	_ =	shalt  }
0x59: {  	_ =	shalt  }
0x5a: {  	_ =	shalt  }
0x5b: {  	_ =	shalt  }
0x5c: {  	_ =	shalt  }
0x5d: {  	_ =	shalt  }
0x5e: {  	_ =	shalt  }
0x5f: {  	_ =	shalt  }
0x60: {  	_ =	shalt  }
0x61: {  	_ =	shalt  }
0x62: {  	_ =	shalt  }
0x63: {  	_ =	shalt  }
0x64: {  	_ =	shalt  }
0x65: {  	_ =	shalt  }
0x66: {  	_ =	shalt  }
0x67: {  	_ =	shalt  }
0x68: {  	_ =	shalt  }
0x69: {  	_ =	shalt  }
0x6a: {  	_ =	shalt  }
0x6b: {  	_ =	shalt  }
0x6c: {  	_ =	shalt  }
0x6d: {  	_ =	shalt  }
0x6e: {  	_ =	shalt  }
0x6f: {  	_ =	shalt  }
0x70: {  	_ =	shalt  }
0x71: {  	_ =	shalt  }
0x72: {  	_ =	shalt  }
0x73: {  	_ =	shalt  }
0x74: {  	_ =	shalt  }
0x75: {  	_ =	shalt  }
0x76: {  	_ =	shalt  }
0x77: {  	_ =	shalt  }
0x78: {  	_ =	shalt  }
0x79: {  	_ =	shalt  }
0x7a: {  	_ =	shalt  }
0x7b: {  	_ =	shalt  }
0x7c: {  	_ =	shalt  }
0x7d: {  	_ =	shalt  }
0x7e: {  	_ =	shalt  }
0x7f: {  	_ =	shalt  }
0x80: {  	_ =	shalt  }
0x81: {  	_ =	shalt  }
0x82: {  	_ =	shalt  }
0x83: {  	_ =	shalt  }
0x84: {  	_ =	shalt  }
0x85: {  	_ =	shalt  }
0x86: {  	_ =	shalt  }
0x87: {  	_ =	shalt  }
.Lfunc_end0:
.L_simem_size_0:
called_computation.1_lowered:
.L_overlay_start_0:
0x88: {  	s2 =	sld [smem:$0x3FD9]  }
0x89: {  	s3 =	sld [smem:$0x3FFE];
	_ =	sdelay $0x1  }
0x8a: {  	s1 =	srdreg.scid  }
0x8b: {  	s0 =	sand.u32 $0x1, s1  }
0x8c: {  	s14 =	sshll.u32 s0, $0xA;
	s2 =	sadd.s32 s3, s2  }
0x8d: {  	s2 =	sadd.s32 s2, s14  }
0x8e: {  	[smem:$0x3FBC] =	sst s2  }
0x8f: {  	_ = 	snop  }
0x90: {  	s2 =	sld [smem:$0x3FD0];
	_ =	sdelay $0x2  }
0x91: {  	s15 =	simm.s32 $0xA;
	s4 =	simm.s32 $0x10  }
0x92: {  	[smem:s4], [sflag:s15] =	dma.local [hbm:s2], $0x1  }
0x93: {  	_ =	swait.eq [sflag:s15], $0x1  }
0x94: {  	[sflag:s15] =	ssyncset.done $0x0  }
0x95: {  	[sflag:s15] =	ssyncadd.s32 $0xFFFFFFFF  }
0x96: {  	s16 =	sld [smem:$0x11];
	(tm) =	ssettm $0x1  }
0x97: {  	s17 =	sld [smem:$0x3FFB];
	_ =	sdelay $0x3  }
0x98: {  	_ =	strace s17  }
0x99: {  	s3 =	sld [smem:$0x3FFC];
	_ =	sdelay $0x3  }
0x9a: {  	_ =	strace s3  }
0x9b: {  	s3 =	sld [smem:$0x3FFD];
	_ =	sdelay $0x3  }
0x9c: {  	_ =	strace s3  }
0x9d: {  	_ =	strace $0x8FFFFFFF  }
0x9e: {  	s18 =	sld [smem:$0x3FDB];
	_ =	sdelay $0x1  }
0x9f: {  	s19 =	simm.s32 $_scs_section_size  }
0xa0: {  	s5 =	simm.s32 $_size__tile_overlayer_lowered;
	s6 =	simm.s32 $_tile_overlayer_lowered  }
0xa1: {  	s22 =	simm.s32 $0x1BFF;
	s21 =	sshll.u32 s6, $0x1;
	s3 =	sadd.s32 s19, s18  }
0xa2: {  	s7 =	simm.s32 $0x0;
	s20 =	sshll.u32 s5, $0x1;
	s5 =	sadd.s32 s21, s3  }
0xa3: {  	[timem:s7], [sflag:s22] =	dma.local [hbm:s5], s20  }
0xa4: {  	_ =	swait.ge [sflag:s22], s20  }
0xa5: {  	s4 =	ssub.s32 $0x0, s20;
	[sflag:s22] =	ssyncset.done $0x0  }
0xa6: {  	[sflag:s22] =	ssyncadd.s32 s4;
	_ =	sdelay $0x1  }
0xa7: {  	s23 =	simm.s32 $0x1B8B  }
0xa8: {  	_ =	swait.ge [sflag:s23], $0x1  }
0xa9: {  	[sflag:s23] =	ssyncset.done $0x0  }
0xaa: {  	s25 =	simm.s32 $0x1B8E;
	s24 =	sld [smem:$0x3FFE];
	[sflag:s23] =	ssyncadd.s32 $0xFFFFFFFF  }
0xab: {  	s26 =	simm.s32 $execute0_lowered;
	[smem:$0x3FD2] =	sst s25  }
0xac: {  	s5 =	sshll.u32 s26, $0x1;
	_ =	strace $0x80000049;
	[dreg:$0x1] =	wrdreg $0xFFFFFFFF  }
0xad: {  	s28 =	simm.s32 $_size_execute0_lowered;
	s3 =	sadd.s32 s3, s5;
	[dreg:$0x0] =	wrdreg $0x0  }
0xae: {  	s5 =	sshll.u32 s28, $0x1;
	[dreg:$0x2] =	wrdreg s3  }
0xaf: {  	[dreg:$0x3] =	wrdreg s5  }
0xb0: {  	[dreg:$0x4] =	wrdreg $0xC0  }
0xb1: {  	_ =	task [dreg:s7], $0x5FFFF  }
0xb2: {  	[dreg:$0x1] =	wrdreg $0xFFFFFFFF  }
0xb3: {  	[dreg:$0x0] =	wrdreg $0x60  }
0xb4: {  	[dreg:$0x2] =	wrdreg s16  }
0xb5: {  	[dreg:$0x3] =	wrdreg s24  }
0xb6: {  	[dreg:$0x4] =	wrdreg $0xB8000  }
0xb7: {  	[dreg:$0x5] =	wrdreg $0x9  }
0xb8: {  	_ =	task.clear_ibuf [dreg:s7], $0x6FFFF;
	_ =	strace $0x90000049  }
0xb9: {  	s29 =	simm.s32 $0x9;
	_ =	strace $0x8000004B  }
0xba: {  	_ =	swait.ge [sflag:s29], $0x1  }
0xbb: {  	[sflag:s29] =	ssyncadd.s32 $0xFFFFFFFF  }
0xbc: {  	_ =	strace $0x9000004B  }
0xbd: {  	_ =	sfence  }
0xbe: {  	s30 =	sld [smem:$0x0];
	_ =	sdelay $0x2  }
0xbf: {  	s31 =	sshll.u32 s1, $0xD;
	s1 =	sshrl.u32 s1, $0x2  }
0xc0: {  	s3 =	sand.u32 $0x4000, s31;
	s1 =	sadd.s32 s1, s30  }
0xc1: {  	s0 =	sor.u32 s3, s0;
	s1 =	sshll.u32 s1, $0x11  }
0xc2: {  	s0 =	sor.u32 s1, s0  }
0xc3: {  	s0 =	sadd.s32 $0x8F2B, s0  }
0xc4: {  	[sflag:s0] =	ssyncadd.remote.s32 $0x1  }
0xc5: {  	_ =	sfence.sel $0xFFFF  }
0xc6: {  	[dreg:$0x0] =	wrdreg $0xFFFFFFFF;
	(pc) =	sbr.abs _section_cstart, $3  }
0xc7: {  	[dreg:$0x1] =	wrdreg $0xFFFFFFFF  }
0xc8: {  	_ =	task.clear_ibuf [dreg:s7], $0x2FFFF;
	_ =	strace $0x9FFFFFFF  }
0xc9: {  	(tm) =	ssettm $0x7FFFFFFF  }
tec
execute0_lowered:
.L_overlay_start_1:
0x0: {  	(tag) =	ssettag $0x1  }
0x1: {  	s0 =	rddreg [dreg:$0x0];
	s1 =	srdreg.scid  }
0x2: {  	s12 =	stileid.u32;
	s4 =	rddreg [dreg:$0x1]  }
0x3: {  	s2 =	rddreg [dreg:$0x2];
	s30 =	simm.s32 $0x50;
	s10 =	smul.u32 $0x4E000, s12  }
0x4: {  	s1 =	sand.u32 $0x1, s1;
	s3 =	sshll.u32 s12, $0x1;
	s23 =	smul.u32 $0x2700, s12  }
0x5: {  	s31 =	simm.s32 $0x2780;
	s29 =	smul.u32 $0x4E200, s12;
	s5 =	sor.u32 s1, s3  }
0x6: {  	p0 =	sne.s32 s12, $0xF;
	s3 =	simm.s32 $0x0;
	s6 =	smul.u32 $0x2710, s5  }
0x7: {  	s8 =	ssub.s32 $0x2, s1;
	[smem:$0x7FF] =	sst s3;
	s7 =	smul.u32 $0x27100, s5  }
0x8: {  	s9 =	smul.u32 $0x138800, s5;
	s19 =	sshrl.u32 s8, $0x1;
	s5 =	sadd.s32 $0x138000, s2  }
0x9: {  	s24 =	sshrl.u32 s10, $0x2;
	_ =	strace $0x8000004A;
	s11 =	ssub.s32 s8, s19  }
0xa: {  	s8 =	sadd.s32 s24, s2;
	s6 =	sshrl.u32 s6, $0x3;
	s21 =	sshrl.u32 s9, $0x3  }
0xb: {  	s7 =	sadd.s32 s0, s7;
	s26 =	smax.u32 s11, $0x1;
	s28 =	sadd.s32 $0x1800, s8  }
0xc: {  	s13 =	sadd.s32 $0x3000, s8;
	s14 =	sadd.s32 $0x4800, s8;
	s15 =	sadd.s32 $0x6000, s8  }
0xd: {  	s16 =	sadd.s32 $0x7800, s8;
	s17 =	sadd.s32 $0x9000, s8;
	s18 =	sadd.s32 $0xA800, s8  }
0xe: {  	s19 =	sadd.s32 $0xC000, s8;
	s6 =	sadd.s32 s6, s4;
	[dreg:$0x5] =	wrdreg s7  }
0xf: {  	s4 =	sadd.s32 $0x17C00, s4;
	s22 =	sadd.s32 s0, s21;
	[dreg:$0x9] =	wrdreg s26  }
0x10: {  	[dreg:$0xa] =	wrdreg s28;
	s21 =	sadd.s32 $0xF000, s8;
	s0 =	sadd.s32 s29, s0  }
0x11: {  	s26 =	simm.s32 $0xA000;
	s20 =	sadd.s32 $0xD600, s6;
	s6 =	smul.u32 $0x27100, s1  }
0x12: {  	s1 =	smul.u32 $0x138800, s1;
	s7 =	sadd.s32 $0x500, s22;
	[dreg:$0x4] =	wrdreg s20  }
0x13: {  	s22 =	sadd.s32 $0x10800, s8;
	[dreg:$0x6] =	wrdreg s7;
	s20 =	sadd.s32 $0xD800, s8  }
0x14: {  	s1 =	sshrl.u32 s1, $0x3;
	s25 =	sadd.s32 s23, s6;
	s23 =	sadd.s32 $0x12000, s8  }
0x15: {  	s0 =	sadd.s32 s6, s0;
	s1 =	sadd.s32 s4, s1;
	s4 =	sadd.s32 s4, s25  }
0x16: {  	s24 =	sadd.s32 $0xA00, s0;
	[dreg:$0x7] =	wrdreg s4;
	s1 =	sadd.s32 $0x27000, s1  }
0x17: {  	v0 =	vimm.f32 $0.0e+00;
	s25 =	simm.s32 $0x4;
	[dreg:$0x8] =	wrdreg s1;
	s1 =	simm.s32 $0x0  }
.LBB2_1:
0x18: {  	s0 =	rddreg [dreg:$0x4]  }
0x19: {  	[tilespmem:s3], [sflag:$0x4] =	stream.linear.gather [hbm4b:s0+s3], $0x2710, $0x38;
	[tilespmem:$0x1F080] =	vst v63  }
0x1a: {  	_ =	swait.ge [sflag:s25], $0x2710  }
0x1b: {  	[sflag:s25] =	ssyncset.done $0x0  }
0x1c: {  	s4 =	simm.s32 $0x3C0;
	s0 =	simm.s32 $0x70;
	[sflag:s25] =	ssyncadd.s32 $0xFFFFD8F0  }
.LBB2_2:
0x1d: {  	p1 =	sne.s32 s4, $0x5FC0;
	[tilespmem:s0+$0xA000] =	vst v0  }
0x1e: {  	[tilespmem:s0+$0x9F90] =	vst v0  }
0x1f: {  	[tilespmem:s0+$0x9FA0] =	vst v0  }
.Ltmp0:
0x20: {  	[tilespmem:s0+$0x9FB0] =	vst v0;
	(pc) =	sbr.rel @p1 .LBB2_2-.Ltmp0, $4  }
0x21: {  	[tilespmem:s0+$0x9FC0] =	vst v0  }
0x22: {  	[tilespmem:s0+$0x9FD0] =	vst v0  }
0x23: {  	[tilespmem:s0+$0x9FE0] =	vst v0  }
0x24: {  	[tilespmem:s0+$0x9FF0] =	vst v0;
	s0 =	sshra.s32 s4, $0x2;
	s4 =	sadd.s32 $0x200, s4  }
0x25: {  	[tilespmem:s0+$0xA000] =	vst v0  }
0x26: {  	[tilespmem:s0+$0x9F90] =	vst v0  }
0x27: {  	[tilespmem:s0+$0x9FA0] =	vst v0  }
0x28: {  	[tilespmem:s0+$0x9FB0] =	vst v0  }
0x29: {  	[tilespmem:s0+$0x9FC0] =	vst v0  }
0x2a: {  	[tilespmem:s0+$0x9FD0] =	vst v0  }
0x2b: {  	[tilespmem:s0+$0x9FE0] =	vst v0  }
0x2c: {  	[tilespmem:s0+$0x9FF0] =	vst v0  }
0x2d: {  	[spmem:s8] =	stream.linear.scatter [tilespmem:s26], [sflag:$0x4], $0x1800, $0x38;
	[tilespmem:$0x1F080] =	vst v63  }
0x2e: {  	_ =	swait.ge [sflag:s25], $0x1800  }
0x2f: {  	[sflag:s25] =	ssyncset.done $0x0  }
0x30: {  	s9 =	rddreg [dreg:$0xa];
	[sflag:s25] =	ssyncadd.s32 $0xFFFFE800  }
0x31: {  	[spmem:s9] =	stream.linear.scatter [tilespmem:s26], [sflag:$0x4], $0x1800, $0x38;
	[tilespmem:$0x1F080] =	vst v63  }
0x32: {  	_ =	swait.ge [sflag:s25], $0x1800  }
0x33: {  	[sflag:s25] =	ssyncset.done $0x0  }
0x34: {  	[sflag:s25] =	ssyncadd.s32 $0xFFFFE800  }
0x35: {  	[spmem:s13] =	stream.linear.scatter [tilespmem:s26], [sflag:$0x4], $0x1800, $0x38;
	[tilespmem:$0x1F080] =	vst v63  }
0x36: {  	_ =	swait.ge [sflag:s25], $0x1800  }
0x37: {  	[sflag:s25] =	ssyncset.done $0x0  }
0x38: {  	[sflag:s25] =	ssyncadd.s32 $0xFFFFE800  }
0x39: {  	[spmem:s14] =	stream.linear.scatter [tilespmem:s26], [sflag:$0x4], $0x1800, $0x38;
	[tilespmem:$0x1F080] =	vst v63  }
0x3a: {  	_ =	swait.ge [sflag:s25], $0x1800  }
0x3b: {  	[sflag:s25] =	ssyncset.done $0x0  }
0x3c: {  	[sflag:s25] =	ssyncadd.s32 $0xFFFFE800  }
0x3d: {  	[spmem:s15] =	stream.linear.scatter [tilespmem:s26], [sflag:$0x4], $0x1800, $0x38;
	[tilespmem:$0x1F080] =	vst v63  }
0x3e: {  	_ =	swait.ge [sflag:s25], $0x1800  }
0x3f: {  	[sflag:s25] =	ssyncset.done $0x0  }
0x40: {  	[sflag:s25] =	ssyncadd.s32 $0xFFFFE800  }
0x41: {  	[spmem:s16] =	stream.linear.scatter [tilespmem:s26], [sflag:$0x4], $0x1800, $0x38;
	[tilespmem:$0x1F080] =	vst v63  }
0x42: {  	_ =	swait.ge [sflag:s25], $0x1800  }
0x43: {  	[sflag:s25] =	ssyncset.done $0x0  }
0x44: {  	[sflag:s25] =	ssyncadd.s32 $0xFFFFE800  }
0x45: {  	[spmem:s17] =	stream.linear.scatter [tilespmem:s26], [sflag:$0x4], $0x1800, $0x38;
	[tilespmem:$0x1F080] =	vst v63  }
0x46: {  	_ =	swait.ge [sflag:s25], $0x1800  }
0x47: {  	[sflag:s25] =	ssyncset.done $0x0  }
0x48: {  	[sflag:s25] =	ssyncadd.s32 $0xFFFFE800  }
0x49: {  	[spmem:s18] =	stream.linear.scatter [tilespmem:s26], [sflag:$0x4], $0x1800, $0x38;
	[tilespmem:$0x1F080] =	vst v63  }
0x4a: {  	_ =	swait.ge [sflag:s25], $0x1800  }
0x4b: {  	[sflag:s25] =	ssyncset.done $0x0  }
0x4c: {  	[sflag:s25] =	ssyncadd.s32 $0xFFFFE800  }
0x4d: {  	[spmem:s19] =	stream.linear.scatter [tilespmem:s26], [sflag:$0x4], $0x1800, $0x38;
	[tilespmem:$0x1F080] =	vst v63  }
0x4e: {  	_ =	swait.ge [sflag:s25], $0x1800  }
0x4f: {  	[sflag:s25] =	ssyncset.done $0x0  }
0x50: {  	[sflag:s25] =	ssyncadd.s32 $0xFFFFE800  }
0x51: {  	[spmem:s20] =	stream.linear.scatter [tilespmem:s26], [sflag:$0x4], $0x1800, $0x38;
	[tilespmem:$0x1F080] =	vst v63  }
0x52: {  	_ =	swait.ge [sflag:s25], $0x1800  }
0x53: {  	[sflag:s25] =	ssyncset.done $0x0  }
0x54: {  	[sflag:s25] =	ssyncadd.s32 $0xFFFFE800  }
0x55: {  	[spmem:s21] =	stream.linear.scatter [tilespmem:s26], [sflag:$0x4], $0x1800, $0x38;
	[tilespmem:$0x1F080] =	vst v63  }
0x56: {  	_ =	swait.ge [sflag:s25], $0x1800  }
0x57: {  	[sflag:s25] =	ssyncset.done $0x0  }
0x58: {  	[sflag:s25] =	ssyncadd.s32 $0xFFFFE800  }
0x59: {  	[spmem:s22] =	stream.linear.scatter [tilespmem:s26], [sflag:$0x4], $0x1800, $0x38;
	[tilespmem:$0x1F080] =	vst v63  }
0x5a: {  	_ =	swait.ge [sflag:s25], $0x1800  }
0x5b: {  	[sflag:s25] =	ssyncset.done $0x0  }
0x5c: {  	[sflag:s25] =	ssyncadd.s32 $0xFFFFE800  }
0x5d: {  	[spmem:s23] =	stream.linear.scatter [tilespmem:s26], [sflag:$0x4], $0x1800, $0x38;
	[tilespmem:$0x1F080] =	vst v63  }
0x5e: {  	_ =	swait.ge [sflag:s25], $0x1800  }
0x5f: {  	[sflag:s25] =	ssyncset.done $0x0  }
0x60: {  	s0 =	simm.s32 @!p0 $0xA000;
	[sflag:s25] =	ssyncadd.s32 $0xFFFFE800  }
0x61: {  	[spmem:s5] =	stream.linear.scatter @!p0 [tilespmem:s0], [sflag:$0x4], $0x800, $0x38;
	[tilespmem:$0x1F080] =	vst v63  }
0x62: {  	p1 =	por $0x0, $0x0;
	s4 =	simm.s32 @!p0 $0x4;
	s0 =	simm.s32 $0x2  }
0x63: {  	s0 =	smul.u32 @!p1 $0xAB, s0;
	_ =	swait.ge @!p0 [sflag:s4], $0x800  }
0x64: {  	[sflag:s4] =	ssyncset.done @!p0 $0x0  }
0x65: {  	s0 =	sshrl.u32 @!p1 s0, $0x9;
	[sflag:s4] =	ssyncadd.s32 @!p0 $0xFFFFF800  }
0x66: {  	s0 =	sand.u32 @!p1 $0x7F, s0;
	[bflag:$0x0] =	sbarrier.arrive $0xFFFF  }
0x67: {  	s6 =	simm.s32 $0x2800;
	s0 =	smul.u32 @!p1 $0x3, s0;
	s10 =	rddreg [dreg:$0x5]  }
0x68: {  	[tilespmem:s6], [sflag:$0x1] =	stream.linear.gather [hbm4b:s10+s3], $0x2800, $0x38;
	[tilespmem:$0x1F080] =	vst v63  }
0x69: {  	s0 =	ssub.s32 @!p1 $0x2, s0  }
0x6a: {  	s0 =	sand.u32 @!p1 $0xFF, s0  }
0x6b: {  	s7 =	simm.s32 $0x5000;
	s11 =	rddreg [dreg:$0x6];
	s4 =	smul.u32 @!p1 $0xA000, s0  }
0x6c: {  	[tilespmem:s7], [sflag:$0x2] =	stream.linear.gather [hbm4b:s11+s3], $0x2800, $0x38;
	[tilespmem:$0x1F080] =	vst v63  }
0x6d: {  	s12 =	simm.s32 $0x20;
	s4 =	sshrl.u32 @!p1 s4, $0x2  }
0x6e: {  	s7 =	simm.s32 @!p1 $0x0;
	s0 =	sadd.s32 @!p1 $0x1, s0;
	s4 =	sadd.s32 @!p1 $0x2800, s4  }
0x6f: {  	[tilespmem:s4], [sflag:s0] =	stream.linear.gather @!p1 [hbm4b:s24+s7], $0x2800, $0x38;
	[tilespmem:$0x1F080] =	vst v63  }
0x70: {  	v1 =	vld [tilespmem:s12+$0xFFFFFFE0];
	_ =	sdelay $0x4  }
0x71: {  	[tilespmem:$0x2780] =	vst v1  }
0x72: {  	v1 =	vld [tilespmem:s12+$0xFFFFFFF0];
	_ =	sdelay $0x4  }
0x73: {  	[tilespmem:$0x2790] =	vst v1  }
0x74: {  	v1 =	vld [tilespmem:s12+$0x0];
	_ =	sdelay $0x4  }
0x75: {  	[tilespmem:$0x27A0] =	vst v1  }
0x76: {  	v1 =	vld [tilespmem:s12+$0x10];
	_ =	sdelay $0x1  }
0x77: {  	s7 =	simm.s32 $0x0  }
0x78: {  	s0 =	smul.u32 $0xAB, s7  }
0x79: {  	s9 =	simm.s32 $0x1;
	s6 =	simm.s32 $0x3  }
0x7a: {  	s4 =	smul.u32 $0xAB, s9;
	p1 =	por $0x0, $0x0;
	s0 =	sshrl.u32 s0, $0x9;
	[tilespmem:$0x27B0] =	vst v1  }
0x7b: {  	s6 =	smul.u32 @!p1 $0xAB, s6;
	s0 =	sand.u32 $0x7F, s0;
	v1 =	vld [tilespmem:s12+$0x20]  }
0x7c: {  	s4 =	sshrl.u32 s4, $0x9;
	s0 =	smul.u32 $0x3, s0  }
0x7d: {  	s4 =	sand.u32 $0x7F, s4;
	s6 =	sshrl.u32 @!p1 s6, $0x9  }
0x7e: {  	s4 =	smul.u32 $0x3, s4;
	s6 =	sand.u32 @!p1 $0x7F, s6;
	s0 =	ssub.s32 $0x0, s0  }
0x7f: {  	s6 =	smul.u32 @!p1 $0x3, s6;
	s0 =	sand.u32 $0xFF, s0  }
0x80: {  	s10 =	smul.u32 $0xA000, s0;
	s9 =	sadd.s32 $0x1, s0;
	[tilespmem:$0x27C0] =	vst v1  }
0x81: {  	s29 =	simm.s32 $0x4;
	s11 =	ssub.s32 $0x1, s4;
	_ =	swait.ge [sflag:s9], $0x2800  }
0x82: {  	s4 =	ssub.s32 @!p1 $0x3, s6;
	s7 =	sshrl.u32 s10, $0x2;
	[sflag:s9] =	ssyncset.done $0x0  }
0x83: {  	s12 =	sadd.s32 $0x2800, s7;
	[sflag:s9] =	ssyncadd.s32 $0xFFFFD800;
	s9 =	sand.u32 @!p1 $0xFF, s4  }
0x84: {  	[spmem:s2] =	stream.indirect.scatter.add.f32 [tilespmem:s12], [sflag:$0x4], $0x80, s31, s30, $0xb8;
	[tilespmem:$0x1F080] =	vst v63  }
0x85: {  	s28 =	simm.s32 $0x70;
	s0 =	sand.u32 $0xFF, s11;
	s7 =	smul.u32 @!p1 $0xA000, s9  }
0x86: {  	s6 =	smul.u32 $0xA000, s0;
	s4 =	sadd.s32 $0x500, s24;
	s9 =	sadd.s32 @!p1 $0x1, s9  }
.LBB2_4:
0x87: {  	s10 =	sshrl.u32 @!p1 s7, $0x2  }
0x88: {  	s6 =	sshrl.u32 s6, $0x2;
	_ =	swait.ge [sflag:s25], $0x2800;
	s7 =	smov.u32 s29  }
0x89: {  	s29 =	sadd.s32 $0x1, s29;
	s10 =	sadd.s32 @!p1 $0x2800, s10;
	[sflag:s25] =	ssyncset.done $0x0  }
0x8a: {  	s11 =	simm.s32 @!p1 $0x0;
	p2 =	sne.s32 s29, $0x7F;
	[sflag:s25] =	ssyncadd.s32 $0xFFFFD800  }
0x8b: {  	[tilespmem:s10], [sflag:s9] =	stream.linear.gather @!p1 [hbm4b:s4+s11], $0x2800, $0x38;
	[tilespmem:$0x1F080] =	vst v63  }
0x8c: {  	v1 =	vld [tilespmem:s28+$0xFFFFFFE0];
	_ =	sdelay $0x4  }
0x8d: {  	[tilespmem:$0x2780] =	vst v1  }
0x8e: {  	v1 =	vld [tilespmem:s28+$0xFFFFFFF0];
	_ =	sdelay $0x4  }
0x8f: {  	[tilespmem:$0x2790] =	vst v1  }
0x90: {  	v1 =	vld [tilespmem:s28+$0x0];
	_ =	sdelay $0x4  }
0x91: {  	[tilespmem:$0x27A0] =	vst v1  }
0x92: {  	v1 =	vld [tilespmem:s28+$0x10];
	_ =	sdelay $0x4  }
0x93: {  	s9 =	sadd.s32 $0xFFFFFFFE, s7;
	[tilespmem:$0x27B0] =	vst v1  }
0x94: {  	s10 =	smul.u32 $0xAB, s9;
	p1 =	sgt.u32 s9, $0x7A;
	v1 =	vld [tilespmem:s28+$0x20]  }
0x95: {  	s11 =	smul.u32 @!p1 $0xAB, s7  }
0x96: {  	s10 =	sshrl.u32 s10, $0x9  }
0x97: {  	s10 =	sand.u32 $0x7F, s10;
	s11 =	sshrl.u32 @!p1 s11, $0x9  }
0x98: {  	s12 =	sadd.s32 $0x1, s0;
	s10 =	smul.u32 $0x3, s10;
	s11 =	sand.u32 @!p1 $0x7F, s11  }
0x99: {  	s4 =	sadd.s32 $0x500, s4;
	s11 =	smul.u32 @!p1 $0x3, s11;
	s28 =	sadd.s32 $0x50, s28;
	[tilespmem:$0x27C0] =	vst v1  }
.Ltmp1:
0x9a: {  	s0 =	ssub.s32 s9, s10;
	_ =	swait.ge [sflag:s12], $0x2800;
	(pc) =	sbr.rel @p2 .LBB2_4-.Ltmp1, $4  }
0x9b: {  	s10 =	sadd.s32 $0x2800, s6;
	s0 =	sand.u32 $0xFF, s0;
	s7 =	ssub.s32 @!p1 s7, s11  }
0x9c: {  	s9 =	sand.u32 @!p1 $0xFF, s7;
	s6 =	smul.u32 $0xA000, s0;
	[sflag:s12] =	ssyncset.done $0x0  }
0x9d: {  	s7 =	smul.u32 @!p1 $0xA000, s9;
	s9 =	sadd.s32 @!p1 $0x1, s9;
	[sflag:s12] =	ssyncadd.s32 $0xFFFFD800  }
0x9e: {  	[spmem:s2] =	stream.indirect.scatter.add.f32 [tilespmem:s10], [sflag:$0x4], $0x80, s31, s30, $0xb8;
	[tilespmem:$0x1F080] =	vst v63  }
0x9f: {  	_ =	swait.ge [sflag:s25], $0x2800  }
0xa0: {  	s7 =	sshrl.u32 @!p1 s7, $0x2;
	[sflag:s25] =	ssyncset.done $0x0  }
0xa1: {  	s10 =	simm.s32 @!p1 $0x0;
	s7 =	sadd.s32 @!p1 $0x2800, s7;
	[sflag:s25] =	ssyncadd.s32 $0xFFFFD800  }
0xa2: {  	[tilespmem:s7], [sflag:s9] =	stream.linear.gather @!p1 [hbm4b:s4+s10], $0x2800, $0x38;
	[tilespmem:$0x1F080] =	vst v63  }
0xa3: {  	v1 =	vld [tilespmem:s28+$0xFFFFFFE0];
	_ =	sdelay $0x4  }
0xa4: {  	[tilespmem:$0x2780] =	vst v1  }
0xa5: {  	v1 =	vld [tilespmem:s28+$0xFFFFFFF0];
	_ =	sdelay $0x4  }
0xa6: {  	[tilespmem:$0x2790] =	vst v1  }
0xa7: {  	v1 =	vld [tilespmem:s28+$0x0];
	_ =	sdelay $0x4  }
0xa8: {  	[tilespmem:$0x27A0] =	vst v1  }
0xa9: {  	v1 =	vld [tilespmem:s28+$0x10];
	_ =	sdelay $0x4  }
0xaa: {  	[tilespmem:$0x27B0] =	vst v1  }
0xab: {  	v1 =	vld [tilespmem:s28+$0x20];
	_ =	sdelay $0x4  }
0xac: {  	s0 =	sadd.s32 $0x1, s0;
	[tilespmem:$0x27C0] =	vst v1  }
0xad: {  	_ =	swait.ge [sflag:s0], $0x2800  }
0xae: {  	s10 =	sshrl.u32 s6, $0x2;
	[sflag:s0] =	ssyncset.done $0x0  }
0xaf: {  	s4 =	sadd.s32 $0x2800, s10;
	[sflag:s0] =	ssyncadd.s32 $0xFFFFD800  }
0xb0: {  	[spmem:s2] =	stream.indirect.scatter.add.f32 [tilespmem:s4], [sflag:$0x4], $0x80, s31, s30, $0xb8;
	[tilespmem:$0x1F080] =	vst v63  }
0xb1: {  	_ =	swait.ge [sflag:s25], $0x2800  }
0xb2: {  	[sflag:s25] =	ssyncset.done $0x0  }
0xb3: {  	s11 =	stileid.u32;
	[sflag:s25] =	ssyncadd.s32 $0xFFFFD800  }
0xb4: {  	s0 =	sshll.u32 s11, $0x6;
	[bflag:$0x0] =	sbarrier.arrive $0xFFFF  }
0xb5: {  	s12 =	sshrl.u32 s8, $0x3;
	s0 =	sor.u32 $0x1C04, s0;
	s28 =	rddreg [dreg:$0x7]  }
0xb6: {  	[hbm:s28], [sflag:s0] =	dma.local [spmem:s12], $0x2700  }
0xb7: {  	_ =	swait.ge [sflag:s25], $0x2700  }
0xb8: {  	[sflag:s25] =	ssyncset.done $0x0  }
0xb9: {  	s4 =	sshrl.u32 @!p0 s5, $0x3;
	s6 =	rddreg [dreg:$0x8];
	[sflag:s25] =	ssyncadd.s32 $0xFFFFD900  }
0xba: {  	[hbm:s6], [sflag:s0] =	dma.local @!p0 [spmem:s4], $0x100  }
0xbb: {  	s0 =	simm.s32 @!p0 $0x4  }
0xbc: {  	_ =	swait.ge @!p0 [sflag:s0], $0x100  }
0xbd: {  	s1 =	sadd.s32 $0x1, s1;
	s29 =	rddreg [dreg:$0x9]  }
0xbe: {  	p1 =	sne.s32 s1, s29  }
.Ltmp2:
0xbf: {  	_ = 	snop;
	(pc) =	sbr.rel @p1 .LBB2_1-.Ltmp2, $3  }
0xc0: {  	_ =	sdelay $0x1  }
0xc1: {  	[sflag:s0] =	ssyncset.done @!p0 $0x0  }
0xc2: {  	[sflag:s0] =	ssyncadd.s32 @!p0 $0xFFFFFF00  }
0xc3: {  	_ =	sfence.sel $0x180000  }
0xc4: {  	[bflag:$0x0] =	sbarrier.arrive $0xFFFF  }
0xc5: {  	_ =	strace $0x9000004A  }
0xc6: {  	s0 =	stileid.u32;
	[bflag:$0x2] =	sbarrier.arrive $0xFFFF  }
0xc7: {  	p0 =	sne.s32 s0, $0x0;
	s0 =	rddreg [dreg:$0x3]  }
0xc8: {  	s0 =	sadd.s32 @!p0 $0x100000, s0  }
0xc9: {  	[sflag:s0] =	ssyncadd.tile.s32 @!p0 $0x1;
	_ =	shalt  }
.Lfunc_end2:
_tile_overlayer_lowered:
.L_overlay_start_2:
0xca: {  	(tag) =	ssettag $0x2  }
0xcb: {  	s0 =	rddreg [dreg:$0x0];
	s2 =	stileid.u32  }
0xcc: {  	s1 =	rddreg [dreg:$0x1];
	p0 =	sne.s32 s2, $0x0  }
0xcd: {  	s3 =	rddreg [dreg:$0x2];
	[bflag:$0x3] =	sbarrier.arrive $0xFFFF;
	s2 =	simm.s32 @!p0 $0x1C04  }
0xce: {  	[timem:s3], [sflag:s2] =	dma.local @!p0 [hbm:s0], s1  }
0xcf: {  	s0 =	simm.s32 @!p0 $0x4  }
0xd0: {  	_ =	swait.ge @!p0 [sflag:s0], s1  }
0xd1: {  	s1 =	ssub.s32 @!p0 $0x0, s1;
	[sflag:s0] =	ssyncset.done @!p0 $0x0  }
0xd2: {  	[sflag:s0] =	ssyncadd.s32 @!p0 s1  }
0xd3: {  	[bflag:$0x3] =	sbarrier.arrive $0xFFFF  }
0xd4: {  	_ =	shalt  }

// kernel: kernel.7.cloned.1.call-start
scs
__scs_entry_jumppad:
0x0: {  	(pc) =	sbr.rel $0x88, $3  }
0x1: {  	(tag) =	ssettag $0x0;
	lr =	simm.s32 $0x1  }
0x2: {  	[smem:$0x3F95] =	sst lr;
	_ =	strace $0xD0000000  }
0x3: {  	_ = 	snop  }
0x4: {  	_ = 	snop  }
0x5: {  	_ = 	snop  }
0x6: {  	_ = 	snop  }
0x7: {  	_ = 	snop  }
__scs_overlays_trampoline_lowered:
0x8: {  	[smem:$0x3FA4] =	sst s0  }
0x9: {  	[smem:$0x3FA5] =	sst s1  }
0xa: {  	[smem:$0x3FA6] =	sst s2  }
0xb: {  	[smem:$0x3FA7] =	sst s3  }
0xc: {  	[smem:$0x3FA8] =	sst s4  }
0xd: {  	[smem:$0x3FA9] =	sst s5  }
0xe: {  	[smem:$0x3FAA] =	sst s6  }
0xf: {  	[smem:$0x3FAB] =	sst s7  }
0x10: {  	[smem:$0x3FAC] =	sst s8  }
0x11: {  	[smem:$0x3FAD] =	sst s9;
	s0 =	simm.s32 @!p0 $0x0  }
0x12: {  	s1 =	sld [smem:$0x3F93];
	s0 =	simm.s32 @p0 $0x1  }
0x13: {  	[smem:$0x3FAE] =	sst s0;
	s0 =	simm.s32 @!p1 $0x0  }
0x14: {  	s2 =	sld [smem:$0x3F92];
	s0 =	simm.s32 @p1 $0x1  }
0x15: {  	[smem:$0x3FAF] =	sst s0;
	s0 =	simm.s32 @!p2 $0x0  }
0x16: {  	s3 =	sld [smem:$0x3FDB];
	s0 =	simm.s32 @p2 $0x1  }
0x17: {  	s4 =	simm.s32 $0x1BF5;
	[smem:$0x3FB1] =	sst s0  }
0x18: {  	s0 =	sld [smem:$0x3F94];
	_ =	swait.ge [sflag:s4], $0x0  }
0x19: {  	s7 =	sld [smem:$0x3F95]  }
0x1a: {  	s8 =	sadd.s32 $0xFFFFE003, lr  }
0x1b: {  	s9 =	sadd.s32 $0xFFFFFEF7, lr;
	s5 =	simm.s32 $0xFFFFFFFF;
	p2 =	slt.u32 s8, $0xFFFFF086  }
0x1c: {  	p1 =	slt.u32 s9, $0xF7A;
	s5 =	simm.s32 @!p2 $0x0  }
0x1d: {  	s5 =	simm.s32 @p1 $0x1;
	p0 =	seq.s32 s7, s2  }
0x1e: {  	s7 =	smul.u32 @!p0 $0xF7A, s2;
	p2 =	seq.s32 @!p0 s5, $0x0  }
0x1f: {  	s9 =	smul.u32 $0xF7A, s1;
	s8 =	simm.s32 @!p0 $0x1BF5;
	p2 =	por !p2, p0  }
0x20: {  	[sflag:s8] =	ssyncset.s32 @!p0 $0xFFFFF086;
	s6 =	sadd.s32 @!p0 s3, s7;
	s7 =	simm.s32 @!p0 $0x108  }
0x21: {  	s3 =	sadd.s32 s3, s9;
	s6 =	sadd.s32 @!p0 $0x88, s6;
	s7 =	simm.s32 @p2 $0x1082  }
0x22: {  	[simem:s7], [sflag:s8] =	dma.local @!p0 [hbm:s6], $0xF7A  }
0x23: {  	s9 =	sor.u32 $0xD0000000, s2;
	s6 =	simm.s32 $0x108;
	_ =	swait.ge @!p0 [sflag:s8], $0x0  }
0x24: {  	s3 =	sadd.s32 $0x88, s3;
	s6 =	simm.s32 @!p1 $0x1082;
	[sflag:s4] =	ssyncset.s32 $0xFFFFF086  }
0x25: {  	[simem:s6], [sflag:s4] =	dma.local [hbm:s3], $0xF7A  }
0x26: {  	[smem:$0x3F95] =	sst s1;
	(tag) =	ssettag s2;
	_ =	strace s9  }
0x27: {  	s1 =	sld [smem:$0x3FA5]  }
0x28: {  	s2 =	sld [smem:$0x3FA6]  }
0x29: {  	s4 =	sld [smem:$0x3FA8]  }
0x2a: {  	p0 =	seq.s32 s5, $0x0;
	s5 =	sld [smem:$0x3FA9]  }
0x2b: {  	s6 =	sld [smem:$0x3FAA]  }
0x2c: {  	s7 =	sld [smem:$0x3FAB]  }
0x2d: {  	s3 =	simm.s32 $0x108;
	s8 =	sld [smem:$0x3FAC]  }
0x2e: {  	s3 =	simm.s32 @!p0 $0x1082;
	s9 =	sld [smem:$0x3FAD]  }
0x2f: {  	lr =	sadd.s32 s0, s3;
	s0 =	sld [smem:$0x3FA4]  }
0x30: {  	s3 =	sld [smem:$0x3FA7]  }
0x31: {  	[smem:$0x3FB0] =	sst s10  }
0x32: {  	s10 =	sld [smem:$0x3FAE];
	_ =	sdelay $0x3  }
0x33: {  	p0 =	seq.s32 s10, $0x1;
	s10 =	sld [smem:$0x3FB0];
	_ =	sdelay $0x3  }
0x34: {  	[smem:$0x3FB0] =	sst s10  }
0x35: {  	s10 =	sld [smem:$0x3FAF];
	_ =	sdelay $0x3  }
0x36: {  	p1 =	seq.s32 s10, $0x1;
	s10 =	sld [smem:$0x3FB0];
	_ =	sdelay $0x3  }
0x37: {  	[smem:$0x3FB0] =	sst s10  }
0x38: {  	s10 =	sld [smem:$0x3FB1]  }
0x39: {  	_ = 	snop;
	(pc) =	sbr.ind lr, $3  }
0x3a: {  	_ = 	snop  }
0x3b: {  	_ = 	snop  }
0x3c: {  	p2 =	seq.s32 s10, $0x1;
	s10 =	sld [smem:$0x3FB0]  }
0x3d: {  	_ =	shalt  }
0x3e: {  	_ =	shalt  }
0x3f: {  	_ =	shalt  }
0x40: {  	_ =	shalt  }
0x41: {  	_ =	shalt  }
0x42: {  	_ =	shalt  }
0x43: {  	_ =	shalt  }
0x44: {  	_ =	shalt  }
0x45: {  	_ =	shalt  }
0x46: {  	_ =	shalt  }
0x47: {  	_ =	shalt  }
0x48: {  	_ =	shalt  }
0x49: {  	_ =	shalt  }
0x4a: {  	_ =	shalt  }
0x4b: {  	_ =	shalt  }
0x4c: {  	_ =	shalt  }
0x4d: {  	_ =	shalt  }
0x4e: {  	_ =	shalt  }
0x4f: {  	_ =	shalt  }
0x50: {  	_ =	shalt  }
0x51: {  	_ =	shalt  }
0x52: {  	_ =	shalt  }
0x53: {  	_ =	shalt  }
0x54: {  	_ =	shalt  }
0x55: {  	_ =	shalt  }
0x56: {  	_ =	shalt  }
0x57: {  	_ =	shalt  }
0x58: {  	_ =	shalt  }
0x59: {  	_ =	shalt  }
0x5a: {  	_ =	shalt  }
0x5b: {  	_ =	shalt  }
0x5c: {  	_ =	shalt  }
0x5d: {  	_ =	shalt  }
0x5e: {  	_ =	shalt  }
0x5f: {  	_ =	shalt  }
0x60: {  	_ =	shalt  }
0x61: {  	_ =	shalt  }
0x62: {  	_ =	shalt  }
0x63: {  	_ =	shalt  }
0x64: {  	_ =	shalt  }
0x65: {  	_ =	shalt  }
0x66: {  	_ =	shalt  }
0x67: {  	_ =	shalt  }
0x68: {  	_ =	shalt  }
0x69: {  	_ =	shalt  }
0x6a: {  	_ =	shalt  }
0x6b: {  	_ =	shalt  }
0x6c: {  	_ =	shalt  }
0x6d: {  	_ =	shalt  }
0x6e: {  	_ =	shalt  }
0x6f: {  	_ =	shalt  }
0x70: {  	_ =	shalt  }
0x71: {  	_ =	shalt  }
0x72: {  	_ =	shalt  }
0x73: {  	_ =	shalt  }
0x74: {  	_ =	shalt  }
0x75: {  	_ =	shalt  }
0x76: {  	_ =	shalt  }
0x77: {  	_ =	shalt  }
0x78: {  	_ =	shalt  }
0x79: {  	_ =	shalt  }
0x7a: {  	_ =	shalt  }
0x7b: {  	_ =	shalt  }
0x7c: {  	_ =	shalt  }
0x7d: {  	_ =	shalt  }
0x7e: {  	_ =	shalt  }
0x7f: {  	_ =	shalt  }
0x80: {  	_ =	shalt  }
0x81: {  	_ =	shalt  }
0x82: {  	_ =	shalt  }
0x83: {  	_ =	shalt  }
0x84: {  	_ =	shalt  }
0x85: {  	_ =	shalt  }
0x86: {  	_ =	shalt  }
0x87: {  	_ =	shalt  }
.Lfunc_end0:
.L_simem_size_0:
called_computation_lowered:
.L_overlay_start_0:
0x88: {  	s2 =	sld [smem:$0x3FD9]  }
0x89: {  	s3 =	sld [smem:$0x3FFE];
	_ =	sdelay $0x1  }
0x8a: {  	s1 =	srdreg.scid  }
0x8b: {  	s0 =	sand.u32 $0x1, s1  }
0x8c: {  	s14 =	sshll.u32 s0, $0xA;
	s2 =	sadd.s32 s3, s2  }
0x8d: {  	s2 =	sadd.s32 s2, s14  }
0x8e: {  	[smem:$0x3FBC] =	sst s2  }
0x8f: {  	_ = 	snop  }
0x90: {  	s2 =	sld [smem:$0x3FD0];
	_ =	sdelay $0x2  }
0x91: {  	s15 =	simm.s32 $0xA;
	s4 =	simm.s32 $0x10  }
0x92: {  	[smem:s4], [sflag:s15] =	dma.local [hbm:s2], $0x1  }
0x93: {  	_ =	swait.eq [sflag:s15], $0x1  }
0x94: {  	[sflag:s15] =	ssyncset.done $0x0  }
0x95: {  	[sflag:s15] =	ssyncadd.s32 $0xFFFFFFFF  }
0x96: {  	s16 =	sld [smem:$0x11];
	(tm) =	ssettm $0x1  }
0x97: {  	s17 =	sld [smem:$0x3FFB];
	_ =	sdelay $0x3  }
0x98: {  	_ =	strace s17  }
0x99: {  	s3 =	sld [smem:$0x3FFC];
	_ =	sdelay $0x3  }
0x9a: {  	_ =	strace s3  }
0x9b: {  	s3 =	sld [smem:$0x3FFD];
	_ =	sdelay $0x3  }
0x9c: {  	_ =	strace s3  }
0x9d: {  	_ =	strace $0x8FFFFFFF  }
0x9e: {  	s18 =	sld [smem:$0x3FDB];
	_ =	sdelay $0x1  }
0x9f: {  	s19 =	simm.s32 $_scs_section_size  }
0xa0: {  	s5 =	simm.s32 $_size__tile_overlayer_lowered;
	s6 =	simm.s32 $_tile_overlayer_lowered  }
0xa1: {  	s22 =	simm.s32 $0x1BFF;
	s21 =	sshll.u32 s6, $0x1;
	s3 =	sadd.s32 s19, s18  }
0xa2: {  	s7 =	simm.s32 $0x0;
	s20 =	sshll.u32 s5, $0x1;
	s5 =	sadd.s32 s21, s3  }
0xa3: {  	[timem:s7], [sflag:s22] =	dma.local [hbm:s5], s20  }
0xa4: {  	_ =	swait.ge [sflag:s22], s20  }
0xa5: {  	s4 =	ssub.s32 $0x0, s20;
	[sflag:s22] =	ssyncset.done $0x0  }
0xa6: {  	[sflag:s22] =	ssyncadd.s32 s4;
	_ =	sdelay $0x1  }
0xa7: {  	s23 =	simm.s32 $0x1B8B  }
0xa8: {  	_ =	swait.ge [sflag:s23], $0x1  }
0xa9: {  	[sflag:s23] =	ssyncset.done $0x0  }
0xaa: {  	s25 =	simm.s32 $0x1B8E;
	s24 =	sld [smem:$0x3FFE];
	[sflag:s23] =	ssyncadd.s32 $0xFFFFFFFF  }
0xab: {  	s26 =	simm.s32 $execute0_lowered;
	[smem:$0x3FD2] =	sst s25  }
0xac: {  	s5 =	sshll.u32 s26, $0x1;
	_ =	strace $0x80000046;
	[dreg:$0x1] =	wrdreg $0xFFFFFFFF  }
0xad: {  	s28 =	simm.s32 $_size_execute0_lowered;
	s3 =	sadd.s32 s3, s5;
	[dreg:$0x0] =	wrdreg $0x0  }
0xae: {  	s5 =	sshll.u32 s28, $0x1;
	[dreg:$0x2] =	wrdreg s3  }
0xaf: {  	[dreg:$0x3] =	wrdreg s5  }
0xb0: {  	[dreg:$0x4] =	wrdreg $0xC0  }
0xb1: {  	_ =	task [dreg:s7], $0x5FFFF  }
0xb2: {  	[dreg:$0x1] =	wrdreg $0xFFFFFFFF  }
0xb3: {  	[dreg:$0x0] =	wrdreg $0x60  }
0xb4: {  	[dreg:$0x2] =	wrdreg s16  }
0xb5: {  	[dreg:$0x3] =	wrdreg s24  }
0xb6: {  	[dreg:$0x4] =	wrdreg $0x9  }
0xb7: {  	_ =	task.clear_ibuf [dreg:s7], $0x5FFFF;
	_ =	strace $0x90000046  }
0xb8: {  	s29 =	simm.s32 $0x9;
	_ =	strace $0x80000048  }
0xb9: {  	_ =	swait.ge [sflag:s29], $0x1  }
0xba: {  	[sflag:s29] =	ssyncadd.s32 $0xFFFFFFFF  }
0xbb: {  	_ =	strace $0x90000048  }
0xbc: {  	_ =	sfence  }
0xbd: {  	s30 =	sld [smem:$0x0];
	_ =	sdelay $0x2  }
0xbe: {  	s31 =	sshll.u32 s1, $0xD;
	s1 =	sshrl.u32 s1, $0x2  }
0xbf: {  	s3 =	sand.u32 $0x4000, s31;
	s1 =	sadd.s32 s1, s30  }
0xc0: {  	s0 =	sor.u32 s3, s0;
	s1 =	sshll.u32 s1, $0x11  }
0xc1: {  	s0 =	sor.u32 s1, s0  }
0xc2: {  	s0 =	sadd.s32 $0x8F2B, s0  }
0xc3: {  	[sflag:s0] =	ssyncadd.remote.s32 $0x1  }
0xc4: {  	_ =	sfence.sel $0xFFFF  }
0xc5: {  	[dreg:$0x0] =	wrdreg $0xFFFFFFFF;
	(pc) =	sbr.abs _section_cstart, $3  }
0xc6: {  	[dreg:$0x1] =	wrdreg $0xFFFFFFFF  }
0xc7: {  	_ =	task.clear_ibuf [dreg:s7], $0x2FFFF;
	_ =	strace $0x9FFFFFFF  }
0xc8: {  	(tm) =	ssettm $0x7FFFFFFF  }
0xc9: {  	_ =	shalt  }
tec
execute0_lowered:
.L_overlay_start_1:
0x0: {  	(tag) =	ssettag $0x1  }
0x1: {  	s2 =	rddreg [dreg:$0x0];
	s1 =	srdreg.scid  }
0x2: {  	s0 =	stileid.u32;
	s6 =	rddreg [dreg:$0x1];
	s3 =	simm.s32 $0x0  }
0x3: {  	s10 =	simm.s32 $0xA;
	s11 =	simm.s32 $0x2780;
	s12 =	simm.s32 $0x50  }
0x4: {  	s13 =	simm.s32 $0x4F00;
	s14 =	simm.s32 $0xC700;
	s15 =	simm.s32 $0x7700  }
0x5: {  	s16 =	simm.s32 $0x27D0;
	s5 =	sand.u32 $0x1, s1;
	s4 =	sshll.u32 s0, $0x1  }
0x6: {  	s17 =	simm.s32 $0xEF00;
	s18 =	simm.s32 $0x9;
	s4 =	sor.u32 s5, s4  }
0x7: {  	s19 =	simm.s32 $0x7;
	s20 =	simm.s32 $0x8;
	s4 =	smul.u32 $0x2710, s4  }
.Ltmp0:
0x8: {  	s1 =	rddreg [dreg:$0x2];
	s7 =	ssub.s32 $0x2, s5;
	(pc) =	sbr.rel .LBB2_1-.Ltmp0, $4  }
0x9: {  	s21 =	simm.s32 $0x0;
	[smem:$0x7FF] =	sst s3;
	s9 =	sshrl.u32 s7, $0x1  }
0xa: {  	_ =	strace $0x80000047;
	s9 =	ssub.s32 s7, s9;
	s8 =	sshrl.u32 s4, $0x3  }
0xb: {  	s5 =	sadd.s32 $0x17C00, s6;
	s9 =	smax.u32 s9, $0x1;
	s8 =	sadd.s32 s8, s6  }
0xc: {  	s6 =	sadd.s32 $0x3EE00, s6;
	s7 =	sadd.s32 $0xD600, s8;
	s8 =	sadd.s32 $0x3800, s8  }
.LBB2_14:
0xd: {  	_ =	swait.ge [sflag:s18], $0x2800  }
0xe: {  	[sflag:s18] =	ssyncset.done $0x0  }
0xf: {  	s21 =	sadd.s32 $0x1, s21;
	[sflag:s18] =	ssyncadd.s32 $0xFFFFD800  }
0x10: {  	p0 =	sne.s32 s21, s9;
	_ =	swait.ge [sflag:s19], $0x2800  }
.Ltmp1:
0x11: {  	[sflag:s19] =	ssyncset.done $0x0;
	(pc) =	sbr.rel @!p0 .LBB2_15-.Ltmp1, $4  }
0x12: {  	[sflag:s19] =	ssyncadd.s32 $0xFFFFD800  }
0x13: {  	_ =	swait.ge [sflag:s20], $0x2800  }
0x14: {  	[sflag:s20] =	ssyncset.done $0x0  }
0x15: {  	[sflag:s20] =	ssyncadd.s32 $0xFFFFD800  }
.LBB2_1:
0x16: {  	[tilespmem:s3], [sflag:$0xA] =	stream.linear.gather [hbm4b:s7+s3], $0x2710, $0x38;
	[tilespmem:$0x1B700] =	vst v63  }
0x17: {  	_ =	swait.ge [sflag:s10], $0x2710  }
0x18: {  	[sflag:s10] =	ssyncset.done $0x0  }
0x19: {  	[sflag:s10] =	ssyncadd.s32 $0xFFFFD8F0  }
0x1a: {  	[tilespmem:s11], [sflag:$0xA] =	stream.linear.gather [hbm4b:s8+s3], $0x2710, $0x38;
	[tilespmem:$0x1B700] =	vst v63  }
0x1b: {  	_ =	swait.ge [sflag:s10], $0x2710  }
0x1c: {  	[sflag:s10] =	ssyncset.done $0x0  }
0x1d: {  	[sflag:s10] =	ssyncadd.s32 $0xFFFFD8F0  }
0x1e: {  	[tilespmem:s13], [sflag:$0x1] =	stream.indirect.gather [hbm4b:s2+s12], $0x80, s3, s12, $0xb8;
	[tilespmem:$0x1B700] =	vst v63  }
0x1f: {  	_ = 	snop  }
0x20: {  	[tilespmem:s14], [sflag:$0x4] =	stream.indirect.gather [hbm4b:s5+s12], $0x80, s11, s12, $0xb8;
	[tilespmem:$0x1B700] =	vst v63  }
.Ltmp2:
0x21: {  	_ = 	snop;
	(pc) =	sbr.rel .LBB2_2-.Ltmp2, $4  }
0x22: {  	_ = 	snop  }
0x23: {  	[tilespmem:s15], [sflag:$0x2] =	stream.indirect.gather [hbm4b:s2+s12], $0x80, s12, s12, $0xb8;
	[tilespmem:$0x1B700] =	vst v63  }
0x24: {  	s22 =	simm.s32 $0x0  }
0x25: {  	[tilespmem:s17], [sflag:$0x5] =	stream.indirect.gather [hbm4b:s5+s12], $0x80, s16, s12, $0xb8;
	[tilespmem:$0x1B700] =	vst v63  }
.LBB2_13:
0x26: {  	s24 =	smul.u32 $0x50, s22;
	s22 =	sadd.s32 $0x1, s22  }
0x27: {  	s25 =	smul.u32 $0xA000, s23;
	p0 =	sne.s32 s22, $0x7D  }
.Ltmp3:
0x28: {  	_ = 	snop;
	(pc) =	sbr.rel @!p0 .LBB2_14-.Ltmp3, $4  }
0x29: {  	s24 =	sadd.s32 s4, s24  }
0x2a: {  	s25 =	sshrl.u32 s25, $0x2;
	s24 =	sshll.u32 s24, $0x4  }
0x2b: {  	s31 =	sadd.s32 $0x7, s23;
	s25 =	sadd.s32 $0x13F00, s25;
	s24 =	sadd.s32 s6, s24  }
0x2c: {  	[hbm4b:s24+s3] =	stream.linear.scatter [tilespmem:s25], [sflag:s31], $0x2800, $0x38;
	[tilespmem:$0x1B700] =	vst v63  }
.LBB2_2:
0x2d: {  	s23 =	smul.u32 $0xAB, s22;
	_ =	sdelay $0x1  }
0x2e: {  	s23 =	sshrl.u32 s23, $0x9  }
0x2f: {  	s23 =	sand.u32 $0x7F, s23  }
0x30: {  	s23 =	smul.u32 $0x3, s23;
	_ =	sdelay $0x1  }
0x31: {  	s23 =	ssub.s32 s22, s23  }
0x32: {  	p0 =	slt.u32 s22, $0x3;
	s23 =	sand.u32 $0xFF, s23  }
0x33: {  	s24 =	sadd.s32 @!p0 $0x7, s23  }
0x34: {  	p1 =	sgt.u32 @!p0 s22, $0x7A;
	_ =	swait.ge @!p0 [sflag:s24], $0x2800  }
0x35: {  	p1 =	por p0, !p1;
	[sflag:s24] =	ssyncset.done @!p0 $0x0  }
0x36: {  	[sflag:s24] =	ssyncadd.s32 @!p0 $0xFFFFD800;
	s24 =	sadd.s32 @p1 $0x2, s22  }
0x37: {  	s25 =	smul.u32 @p1 $0xAB, s24;
	_ =	sdelay $0x1  }
0x38: {  	s25 =	sshrl.u32 @p1 s25, $0x9  }
0x39: {  	s25 =	sand.u32 @p1 $0x7F, s25  }
0x3a: {  	s25 =	smul.u32 @p1 $0x3, s25;
	_ =	sdelay $0x1  }
0x3b: {  	s25 =	ssub.s32 @p1 s24, s25  }
0x3c: {  	s25 =	sand.u32 @p1 $0xFF, s25  }
0x3d: {  	s26 =	smul.u32 @p1 $0x2800, s25  }
0x3e: {  	s24 =	smul.u32 @p1 $0x50, s24  }
0x3f: {  	s30 =	sadd.s32 $0x1, s23;
	s29 =	sadd.s32 @p1 $0x1, s25;
	s28 =	sadd.s32 @p1 $0x4F00, s26  }
0x40: {  	[tilespmem:s28], [sflag:s29] =	stream.indirect.gather @p1 [hbm4b:s2+s12], $0x80, s24, s12, $0xb8;
	[tilespmem:$0x1B700] =	vst v63  }
0x41: {  	s25 =	sor.u32 @p1 $0x4, s25;
	s26 =	sadd.s32 @p1 $0xC700, s26;
	s24 =	sadd.s32 @p1 $0x2780, s24  }
0x42: {  	[tilespmem:s26], [sflag:s25] =	stream.indirect.gather @p1 [hbm4b:s5+s12], $0x80, s24, s12, $0xb8;
	[tilespmem:$0x1B700] =	vst v63  }
0x43: {  	p0 =	seq.s32 s23, $0x2;
	_ =	swait.ge [sflag:s30], $0x2800  }
.Ltmp4:
0x44: {  	[sflag:s30] =	ssyncset.done $0x0;
	(pc) =	sbr.rel @p0 .LBB2_10-.Ltmp4, $4  }
0x45: {  	s31 =	sadd.s32 $0x4, s23;
	[sflag:s30] =	ssyncadd.s32 $0xFFFFD800  }
0x46: {  	_ =	swait.ge [sflag:s31], $0x2800  }
0x47: {  	[sflag:s31] =	ssyncset.done $0x0  }
0x48: {  	[sflag:s31] =	ssyncadd.s32 $0xFFFFD800  }
0x49: {  	p0 =	seq.s32 s23, $0x1  }
.Ltmp5:
0x4a: {  	_ = 	snop;
	(pc) =	sbr.rel @!p0 .LBB2_7-.Ltmp5, $1  }
0x4b: {  	_ =	sdelay $0x3  }
0x4c: {  	s25 =	simm.s32 $0x77F0  }
0x4d: {  	s26 =	simm.s32 $0xEFF0;
	v0 =	vld [tilespmem:s25+$0xFFFFFF10]  }
0x4e: {  	v1 =	vld [tilespmem:s26+$0xFFFFFF20]  }
0x4f: {  	v2 =	vld [tilespmem:s25+$0xFFFFFF20]  }
0x50: {  	v3 =	vld [tilespmem:s26+$0xFFFFFF10];
	_ =	sdelay $0x4  }
0x51: {  	v1 =	vadd.f32 v1, v2;
	v0 =	vadd.f32 v3, v0;
	_ =	sdelay $0x1  }
0x52: {  	v2 =	vshrl.u32 v1, $0x10;
	v3 =	vshrl.u32 v0, $0x10  }
0x53: {  	v2 =	vand.u32 $0x1, v2;
	v3 =	vand.u32 $0x1, v3  }
0x54: {  	v1 =	vadd.s32 v2, v1;
	v0 =	vadd.s32 v3, v0  }
0x55: {  	v1 =	vadd.s32 $0x7FFF, v1;
	v0 =	vadd.s32 $0x7FFF, v0  }
0x56: {  	v0 =	vshrl.u32 v0, $0x10;
	v1 =	vand.u32 $0xFFFF0000, v1  }
0x57: {  	s24 =	simm.s32 $0x167B0;
	v0 =	vor.u32 v0, v1  }
0x58: {  	[tilespmem:s24+$0xFFFFFF50] =	vst v0  }
0x59: {  	v0 =	vld [tilespmem:s26+$0xFFFFFF40]  }
0x5a: {  	v1 =	vld [tilespmem:s26+$0xFFFFFF30]  }
0x5b: {  	v2 =	vld [tilespmem:s25+$0xFFFFFF40]  }
0x5c: {  	v3 =	vld [tilespmem:s25+$0xFFFFFF30];
	_ =	sdelay $0x4  }
0x5d: {  	v0 =	vadd.f32 v0, v2;
	v1 =	vadd.f32 v1, v3;
	_ =	sdelay $0x1  }
0x5e: {  	v2 =	vshrl.u32 v0, $0x10;
	v3 =	vshrl.u32 v1, $0x10  }
0x5f: {  	v2 =	vand.u32 $0x1, v2;
	v3 =	vand.u32 $0x1, v3  }
0x60: {  	v0 =	vadd.s32 v2, v0;
	v1 =	vadd.s32 v3, v1  }
0x61: {  	v0 =	vadd.s32 $0x7FFF, v0;
	v1 =	vadd.s32 $0x7FFF, v1  }
0x62: {  	v1 =	vshrl.u32 v1, $0x10;
	v0 =	vand.u32 $0xFFFF0000, v0  }
0x63: {  	v0 =	vor.u32 v1, v0  }
0x64: {  	[tilespmem:s24+$0xFFFFFF60] =	vst v0  }
0x65: {  	v0 =	vld [tilespmem:s25+$0xFFFFFF60]  }
0x66: {  	v1 =	vld [tilespmem:s26+$0xFFFFFF50]  }
0x67: {  	v2 =	vld [tilespmem:s25+$0xFFFFFF50]  }
0x68: {  	v3 =	vld [tilespmem:s26+$0xFFFFFF60];
	_ =	sdelay $0x4  }
0x69: {  	v1 =	vadd.f32 v1, v2;
	v0 =	vadd.f32 v3, v0;
	_ =	sdelay $0x1  }
0x6a: {  	v2 =	vshrl.u32 v1, $0x10;
	v3 =	vshrl.u32 v0, $0x10  }
0x6b: {  	v2 =	vand.u32 $0x1, v2;
	v3 =	vand.u32 $0x1, v3  }
0x6c: {  	v1 =	vadd.s32 v2, v1;
	v0 =	vadd.s32 v3, v0  }
0x6d: {  	v1 =	vadd.s32 $0x7FFF, v1;
	v0 =	vadd.s32 $0x7FFF, v0  }
0x6e: {  	v1 =	vshrl.u32 v1, $0x10;
	v0 =	vand.u32 $0xFFFF0000, v0  }
0x6f: {  	v0 =	vor.u32 v1, v0  }
0x70: {  	[tilespmem:s24+$0xFFFFFF70] =	vst v0  }
0x71: {  	v0 =	vld [tilespmem:s26+$0xFFFFFF80]  }
0x72: {  	v1 =	vld [tilespmem:s26+$0xFFFFFF70]  }
0x73: {  	v2 =	vld [tilespmem:s25+$0xFFFFFF70]  }
0x74: {  	v3 =	vld [tilespmem:s25+$0xFFFFFF80];
	_ =	sdelay $0x4  }
0x75: {  	v1 =	vadd.f32 v1, v2;
	v0 =	vadd.f32 v0, v3;
	_ =	sdelay $0x1  }
0x76: {  	v2 =	vshrl.u32 v1, $0x10;
	v3 =	vshrl.u32 v0, $0x10  }
0x77: {  	v2 =	vand.u32 $0x1, v2;
	v3 =	vand.u32 $0x1, v3  }
0x78: {  	v1 =	vadd.s32 v2, v1;
	v0 =	vadd.s32 v3, v0  }
0x79: {  	v1 =	vadd.s32 $0x7FFF, v1;
	v0 =	vadd.s32 $0x7FFF, v0  }
0x7a: {  	v1 =	vshrl.u32 v1, $0x10;
	v0 =	vand.u32 $0xFFFF0000, v0  }
0x7b: {  	v0 =	vor.u32 v1, v0  }
0x7c: {  	[tilespmem:s24+$0xFFFFFF80] =	vst v0  }
0x7d: {  	v0 =	vld [tilespmem:s25+$0xFFFFFFA0]  }
0x7e: {  	v1 =	vld [tilespmem:s26+$0xFFFFFF90]  }
0x7f: {  	v2 =	vld [tilespmem:s25+$0xFFFFFF90]  }
0x80: {  	v3 =	vld [tilespmem:s26+$0xFFFFFFA0];
	_ =	sdelay $0x4  }
0x81: {  	v1 =	vadd.f32 v1, v2;
	v0 =	vadd.f32 v3, v0;
	_ =	sdelay $0x1  }
0x82: {  	v2 =	vshrl.u32 v1, $0x10;
	v3 =	vshrl.u32 v0, $0x10  }
0x83: {  	v2 =	vand.u32 $0x1, v2;
	v3 =	vand.u32 $0x1, v3  }
0x84: {  	v1 =	vadd.s32 v2, v1;
	v0 =	vadd.s32 v3, v0  }
0x85: {  	v1 =	vadd.s32 $0x7FFF, v1;
	v0 =	vadd.s32 $0x7FFF, v0  }
0x86: {  	v1 =	vshrl.u32 v1, $0x10;
	v0 =	vand.u32 $0xFFFF0000, v0  }
0x87: {  	v0 =	vor.u32 v1, v0  }
0x88: {  	[tilespmem:s24+$0xFFFFFFD0] =	vst v0  }
0x89: {  	v0 =	vld [tilespmem:s25+$0xFFFFFFB0]  }
0x8a: {  	v1 =	vld [tilespmem:s25+$0xFFFFFFC0]  }
0x8b: {  	v2 =	vld [tilespmem:s26+$0xFFFFFFC0]  }
0x8c: {  	v3 =	vld [tilespmem:s26+$0xFFFFFFB0];
	_ =	sdelay $0x4  }
0x8d: {  	v1 =	vadd.f32 v2, v1;
	v0 =	vadd.f32 v3, v0;
	_ =	sdelay $0x1  }
0x8e: {  	v2 =	vshrl.u32 v1, $0x10;
	v3 =	vshrl.u32 v0, $0x10  }
0x8f: {  	v2 =	vand.u32 $0x1, v2;
	v3 =	vand.u32 $0x1, v3  }
0x90: {  	v1 =	vadd.s32 v2, v1;
	v0 =	vadd.s32 v3, v0  }
0x91: {  	v1 =	vadd.s32 $0x7FFF, v1;
	v0 =	vadd.s32 $0x7FFF, v0  }
0x92: {  	v1 =	vand.u32 $0xFFFF0000, v1;
	v0 =	vshrl.u32 v0, $0x10  }
0x93: {  	v0 =	vor.u32 v0, v1  }
0x94: {  	[tilespmem:s24+$0xFFFFFFE0] =	vst v0  }
0x95: {  	v0 =	vld [tilespmem:s26+$0xFFFFFFE0]  }
0x96: {  	v1 =	vld [tilespmem:s25+$0xFFFFFFD0]  }
0x97: {  	v2 =	vld [tilespmem:s26+$0xFFFFFFD0]  }
0x98: {  	v3 =	vld [tilespmem:s25+$0xFFFFFFE0];
	_ =	sdelay $0x3  }
0x99: {  	v1 =	vadd.f32 v2, v1  }
0x9a: {  	v0 =	vadd.f32 v0, v3  }
0x9b: {  	v2 =	vshrl.u32 v1, $0x10  }
0x9c: {  	s30 =	simm.s32 $0x0;
	v3 =	vshrl.u32 v0, $0x10;
	v2 =	vand.u32 $0x1, v2  }
0x9d: {  	s31 =	simm.s32 $0x168B0;
	s28 =	simm.s32 $0x77F0;
	s29 =	simm.s32 $0xEFF0;
	v1 =	vadd.s32 v2, v1;
	v2 =	vand.u32 $0x1, v3  }
.LBB2_5:
0x9e: {  	s30 =	sadd.s32 $0x2, s30;
	s25 =	sadd.s32 $0x100, s25;
	s26 =	sadd.s32 $0x100, s26  }
0x9f: {  	v0 =	vadd.s32 v2, v0;
	p0 =	slt.u32 s30, $0x4E  }
0xa0: {  	v1 =	vadd.s32 $0x7FFF, v1;
	v0 =	vadd.s32 $0x7FFF, v0  }
0xa1: {  	v1 =	vshrl.u32 v1, $0x10;
	v0 =	vand.u32 $0xFFFF0000, v0  }
0xa2: {  	v0 =	vor.u32 v1, v0  }
0xa3: {  	[tilespmem:s24+$0xFFFFFFF0] =	vst v0  }
0xa4: {  	v0 =	vld [tilespmem:s28+$0xFFFFFFF0]  }
0xa5: {  	v1 =	vld [tilespmem:s29+$0x0]  }
0xa6: {  	v2 =	vld [tilespmem:s28+$0x0];
	s28 =	smov.u32 s25  }
0xa7: {  	v3 =	vld [tilespmem:s29+$0xFFFFFFF0];
	s29 =	smov.u32 s26;
	_ =	sdelay $0x3  }
0xa8: {  	v1 =	vadd.f32 v1, v2  }
0xa9: {  	v0 =	vadd.f32 v3, v0  }
0xaa: {  	v2 =	vshrl.u32 v1, $0x10  }
0xab: {  	v3 =	vshrl.u32 v0, $0x10;
	v2 =	vand.u32 $0x1, v2  }
0xac: {  	v3 =	vand.u32 $0x1, v3;
	v1 =	vadd.s32 v2, v1  }
0xad: {  	v0 =	vadd.s32 v3, v0;
	v1 =	vadd.s32 $0x7FFF, v1  }
0xae: {  	v0 =	vadd.s32 $0x7FFF, v0;
	v1 =	vand.u32 $0xFFFF0000, v1  }
0xaf: {  	v0 =	vshrl.u32 v0, $0x10  }
0xb0: {  	v0 =	vor.u32 v0, v1  }
0xb1: {  	[tilespmem:s24+$0x0] =	vst v0;
	s24 =	smov.u32 s31;
	_ =	sdelay $0x1  }
0xb2: {  	v0 =	vld [tilespmem:s25+$0xFFFFFF10]  }
0xb3: {  	v1 =	vld [tilespmem:s26+$0xFFFFFF20]  }
0xb4: {  	v2 =	vld [tilespmem:s25+$0xFFFFFF20]  }
0xb5: {  	v3 =	vld [tilespmem:s26+$0xFFFFFF10];
	_ =	sdelay $0x3  }
0xb6: {  	v1 =	vadd.f32 v1, v2  }
0xb7: {  	v0 =	vadd.f32 v3, v0  }
0xb8: {  	v2 =	vshrl.u32 v1, $0x10  }
0xb9: {  	v3 =	vshrl.u32 v0, $0x10;
	v2 =	vand.u32 $0x1, v2  }
0xba: {  	v3 =	vand.u32 $0x1, v3;
	v1 =	vadd.s32 v2, v1  }
0xbb: {  	v0 =	vadd.s32 v3, v0;
	v1 =	vadd.s32 $0x7FFF, v1  }
0xbc: {  	v0 =	vadd.s32 $0x7FFF, v0  }
0xbd: {  	v1 =	vand.u32 $0xFFFF0000, v1;
	v0 =	vshrl.u32 v0, $0x10  }
0xbe: {  	v0 =	vor.u32 v0, v1  }
0xbf: {  	[tilespmem:s31+$0xFFFFFF50] =	vst v0  }
0xc0: {  	v0 =	vld [tilespmem:s26+$0xFFFFFF40]  }
0xc1: {  	v1 =	vld [tilespmem:s26+$0xFFFFFF30]  }
0xc2: {  	v2 =	vld [tilespmem:s25+$0xFFFFFF40]  }
0xc3: {  	v3 =	vld [tilespmem:s25+$0xFFFFFF30];
	_ =	sdelay $0x3  }
0xc4: {  	v0 =	vadd.f32 v0, v2  }
0xc5: {  	v1 =	vadd.f32 v1, v3  }
0xc6: {  	v2 =	vshrl.u32 v0, $0x10  }
0xc7: {  	v3 =	vshrl.u32 v1, $0x10;
	v2 =	vand.u32 $0x1, v2  }
0xc8: {  	v3 =	vand.u32 $0x1, v3;
	v0 =	vadd.s32 v2, v0  }
0xc9: {  	v1 =	vadd.s32 v3, v1;
	v0 =	vadd.s32 $0x7FFF, v0  }
0xca: {  	v1 =	vadd.s32 $0x7FFF, v1  }
0xcb: {  	v0 =	vand.u32 $0xFFFF0000, v0;
	v1 =	vshrl.u32 v1, $0x10  }
0xcc: {  	v0 =	vor.u32 v1, v0  }
0xcd: {  	[tilespmem:s31+$0xFFFFFF60] =	vst v0  }
0xce: {  	v0 =	vld [tilespmem:s25+$0xFFFFFF60]  }
0xcf: {  	v1 =	vld [tilespmem:s26+$0xFFFFFF50]  }
0xd0: {  	v2 =	vld [tilespmem:s25+$0xFFFFFF50]  }
0xd1: {  	v3 =	vld [tilespmem:s26+$0xFFFFFF60];
	_ =	sdelay $0x3  }
0xd2: {  	v1 =	vadd.f32 v1, v2  }
0xd3: {  	v0 =	vadd.f32 v3, v0  }
0xd4: {  	v2 =	vshrl.u32 v1, $0x10  }
0xd5: {  	v2 =	vand.u32 $0x1, v2;
	v3 =	vshrl.u32 v0, $0x10  }
0xd6: {  	v1 =	vadd.s32 v2, v1;
	v2 =	vand.u32 $0x1, v3  }
0xd7: {  	v1 =	vadd.s32 $0x7FFF, v1;
	v0 =	vadd.s32 v2, v0  }
0xd8: {  	v0 =	vadd.s32 $0x7FFF, v0  }
0xd9: {  	v1 =	vshrl.u32 v1, $0x10;
	v0 =	vand.u32 $0xFFFF0000, v0  }
0xda: {  	v0 =	vor.u32 v1, v0  }
0xdb: {  	[tilespmem:s31+$0xFFFFFF70] =	vst v0  }
0xdc: {  	v0 =	vld [tilespmem:s26+$0xFFFFFF80]  }
0xdd: {  	v1 =	vld [tilespmem:s26+$0xFFFFFF70]  }
0xde: {  	v2 =	vld [tilespmem:s25+$0xFFFFFF70]  }
0xdf: {  	v3 =	vld [tilespmem:s25+$0xFFFFFF80];
	_ =	sdelay $0x3  }
0xe0: {  	v1 =	vadd.f32 v1, v2  }
0xe1: {  	v0 =	vadd.f32 v0, v3  }
0xe2: {  	v2 =	vshrl.u32 v1, $0x10  }
0xe3: {  	v2 =	vand.u32 $0x1, v2;
	v3 =	vshrl.u32 v0, $0x10  }
0xe4: {  	v1 =	vadd.s32 v2, v1;
	v2 =	vand.u32 $0x1, v3  }
0xe5: {  	v1 =	vadd.s32 $0x7FFF, v1;
	v0 =	vadd.s32 v2, v0  }
0xe6: {  	v0 =	vadd.s32 $0x7FFF, v0  }
0xe7: {  	v1 =	vshrl.u32 v1, $0x10;
	v0 =	vand.u32 $0xFFFF0000, v0  }
0xe8: {  	v0 =	vor.u32 v1, v0  }
0xe9: {  	[tilespmem:s31+$0xFFFFFF80] =	vst v0  }
0xea: {  	v0 =	vld [tilespmem:s25+$0xFFFFFFA0]  }
0xeb: {  	v1 =	vld [tilespmem:s26+$0xFFFFFF90]  }
0xec: {  	v2 =	vld [tilespmem:s25+$0xFFFFFF90]  }
0xed: {  	v3 =	vld [tilespmem:s26+$0xFFFFFFA0];
	_ =	sdelay $0x3  }
0xee: {  	v1 =	vadd.f32 v1, v2  }
0xef: {  	v0 =	vadd.f32 v3, v0  }
0xf0: {  	v2 =	vshrl.u32 v1, $0x10  }
0xf1: {  	v2 =	vand.u32 $0x1, v2;
	v3 =	vshrl.u32 v0, $0x10  }
0xf2: {  	v1 =	vadd.s32 v2, v1;
	v2 =	vand.u32 $0x1, v3  }
0xf3: {  	v0 =	vadd.s32 v2, v0  }
0xf4: {  	v1 =	vadd.s32 $0x7FFF, v1;
	v0 =	vadd.s32 $0x7FFF, v0  }
0xf5: {  	v1 =	vshrl.u32 v1, $0x10;
	v0 =	vand.u32 $0xFFFF0000, v0  }
0xf6: {  	v0 =	vor.u32 v1, v0  }
0xf7: {  	[tilespmem:s31+$0xFFFFFFD0] =	vst v0  }
0xf8: {  	v0 =	vld [tilespmem:s25+$0xFFFFFFB0]  }
0xf9: {  	v1 =	vld [tilespmem:s25+$0xFFFFFFC0]  }
0xfa: {  	v2 =	vld [tilespmem:s26+$0xFFFFFFC0]  }
0xfb: {  	v3 =	vld [tilespmem:s26+$0xFFFFFFB0];
	_ =	sdelay $0x3  }
0xfc: {  	v1 =	vadd.f32 v2, v1  }
0xfd: {  	v0 =	vadd.f32 v3, v0  }
0xfe: {  	v2 =	vshrl.u32 v1, $0x10  }
0xff: {  	v3 =	vshrl.u32 v0, $0x10;
	v2 =	vand.u32 $0x1, v2  }
0x100: {  	v3 =	vand.u32 $0x1, v3;
	v1 =	vadd.s32 v2, v1  }
0x101: {  	v0 =	vadd.s32 v3, v0;
	v1 =	vadd.s32 $0x7FFF, v1  }
0x102: {  	v0 =	vadd.s32 $0x7FFF, v0;
	v1 =	vand.u32 $0xFFFF0000, v1  }
0x103: {  	v0 =	vshrl.u32 v0, $0x10  }
0x104: {  	v0 =	vor.u32 v0, v1  }
0x105: {  	[tilespmem:s31+$0xFFFFFFE0] =	vst v0  }
0x106: {  	v0 =	vld [tilespmem:s26+$0xFFFFFFE0]  }
0x107: {  	v1 =	vld [tilespmem:s25+$0xFFFFFFD0]  }
0x108: {  	v2 =	vld [tilespmem:s26+$0xFFFFFFD0]  }
0x109: {  	v3 =	vld [tilespmem:s25+$0xFFFFFFE0];
	_ =	sdelay $0x3  }
.Ltmp6:
0x10a: {  	v1 =	vadd.f32 v2, v1;
	(pc) =	sbr.rel @p0 .LBB2_5-.Ltmp6, $4  }
0x10b: {  	v0 =	vadd.f32 v0, v3  }
0x10c: {  	v2 =	vshrl.u32 v1, $0x10  }
0x10d: {  	v2 =	vand.u32 $0x1, v2;
	v3 =	vshrl.u32 v0, $0x10  }
0x10e: {  	s31 =	sadd.s32 $0x100, s31;
	v1 =	vadd.s32 v2, v1;
	v2 =	vand.u32 $0x1, v3  }
0x10f: {  	v0 =	vadd.s32 v2, v0  }
0x110: {  	v1 =	vadd.s32 $0x7FFF, v1;
	v0 =	vadd.s32 $0x7FFF, v0  }
0x111: {  	v1 =	vshrl.u32 v1, $0x10;
	v0 =	vand.u32 $0xFFFF0000, v0  }
0x112: {  	v0 =	vor.u32 v1, v0  }
0x113: {  	[tilespmem:s24+$0xFFFFFFF0] =	vst v0  }
0x114: {  	v0 =	vld [tilespmem:s28+$0xFFFFFFF0]  }
0x115: {  	v62 =	vld [tilespmem:s29+$0x0]  }
0x116: {  	v63 =	vld [tilespmem:s28+$0x0]  }
0x117: {  	v3 =	vld [tilespmem:s29+$0xFFFFFFF0];
	_ =	sdelay $0x4  }
0x118: {  	v1 =	vadd.f32 v62, v63;
	v0 =	vadd.f32 v3, v0;
	_ =	sdelay $0x1  }
0x119: {  	v2 =	vshrl.u32 v1, $0x10;
	v3 =	vshrl.u32 v0, $0x10  }
0x11a: {  	v2 =	vand.u32 $0x1, v2;
	v3 =	vand.u32 $0x1, v3  }
.Ltmp7:
0x11b: {  	v1 =	vadd.s32 v2, v1;
	v0 =	vadd.s32 v3, v0;
	(pc) =	sbr.rel .LBB2_13-.Ltmp7, $4  }
0x11c: {  	v1 =	vadd.s32 $0x7FFF, v1;
	v0 =	vadd.s32 $0x7FFF, v0  }
0x11d: {  	v1 =	vand.u32 $0xFFFF0000, v1;
	v0 =	vshrl.u32 v0, $0x10  }
0x11e: {  	v0 =	vor.u32 v0, v1  }
0x11f: {  	[tilespmem:s24+$0x0] =	vst v0  }
.LBB2_10:
0x120: {  	s24 =	simm.s32 $0x0  }
0x121: {  	v0 =	vld [tilespmem:s24+$0x9FE0]  }
0x122: {  	v1 =	vld [tilespmem:s24+$0x117E0]  }
0x123: {  	v2 =	vld [tilespmem:s24+$0x9FF0]  }
0x124: {  	v3 =	vld [tilespmem:s24+$0x117F0]  }
0x125: {  	v4 =	vld [tilespmem:s24+$0x9F00]  }
0x126: {  	v5 =	vld [tilespmem:s24+$0x11700]  }
0x127: {  	v6 =	vld [tilespmem:s24+$0x9F10]  }
0x128: {  	v7 =	vld [tilespmem:s24+$0x11710]  }
0x129: {  	v8 =	vld [tilespmem:s24+$0x9F20]  }
0x12a: {  	v11 =	vld [tilespmem:s24+$0x11730]  }
0x12b: {  	v15 =	vld [tilespmem:s24+$0x9FB0];
	v0 =	vadd.f32 v1, v0  }
0x12c: {  	v1 =	vadd.f32 v3, v2;
	v2 =	vld [tilespmem:s24+$0x11720];
	v4 =	vadd.f32 v5, v4  }
0x12d: {  	v17 =	vld [tilespmem:s24+$0x117B0];
	v6 =	vadd.f32 v7, v6  }
0x12e: {  	v3 =	vld [tilespmem:s24+$0x9F30];
	v9 =	vshrl.u32 v0, $0x10;
	v10 =	vshrl.u32 v1, $0x10;
	v7 =	vshrl.u32 v4, $0x10  }
0x12f: {  	v12 =	vshrl.u32 v6, $0x10;
	v5 =	vand.u32 $0x1, v9;
	v9 =	vand.u32 $0x1, v10;
	v10 =	vld [tilespmem:s24+$0x9F40]  }
0x130: {  	v7 =	vand.u32 $0x1, v7;
	v0 =	vadd.s32 v5, v0;
	v1 =	vadd.s32 v9, v1;
	v5 =	vld [tilespmem:s24+$0x11740]  }
0x131: {  	v9 =	vld [tilespmem:s24+$0x9F50];
	v0 =	vadd.s32 $0x7FFF, v0;
	v1 =	vadd.s32 $0x7FFF, v1;
	v2 =	vadd.f32 v2, v8  }
0x132: {  	v12 =	vand.u32 $0x1, v12;
	v8 =	vld [tilespmem:s24+$0x11750];
	v0 =	vshrl.u32 v0, $0x10;
	v1 =	vand.u32 $0xFFFF0000, v1  }
0x133: {  	v3 =	vadd.f32 v11, v3;
	v0 =	vor.u32 v0, v1;
	v1 =	vld [tilespmem:s24+$0x9F60];
	v11 =	vshrl.u32 v2, $0x10  }
0x134: {  	[tilespmem:s24+$0x18FB0] =	vst v0;
	v0 =	vadd.s32 v7, v4;
	v4 =	vadd.s32 v12, v6;
	v6 =	vand.u32 $0x1, v11;
	v7 =	vld [tilespmem:s24+$0x11760]  }
0x135: {  	v11 =	vld [tilespmem:s24+$0x11770];
	v2 =	vadd.s32 v6, v2;
	v6 =	vshrl.u32 v3, $0x10;
	v5 =	vadd.f32 v5, v10  }
0x136: {  	v10 =	vld [tilespmem:s24+$0x9F70];
	v6 =	vand.u32 $0x1, v6  }
0x137: {  	v12 =	vld [tilespmem:s24+$0x11780];
	v3 =	vadd.s32 v6, v3;
	v6 =	vadd.f32 v8, v9;
	v8 =	vshrl.u32 v5, $0x10  }
0x138: {  	v15 =	vadd.f32 v17, v15;
	v9 =	vld [tilespmem:s24+$0x9F80];
	v8 =	vand.u32 $0x1, v8  }
0x139: {  	v13 =	vld [tilespmem:s24+$0x9F90];
	v5 =	vadd.s32 v8, v5;
	v8 =	vshrl.u32 v6, $0x10;
	v7 =	vadd.f32 v7, v1  }
0x13a: {  	v0 =	vadd.s32 $0x7FFF, v0;
	v4 =	vadd.s32 $0x7FFF, v4;
	v1 =	vand.u32 $0x1, v8;
	v8 =	vld [tilespmem:s24+$0x11790]  }
0x13b: {  	v2 =	vadd.s32 $0x7FFF, v2;
	v10 =	vadd.f32 v11, v10;
	v11 =	vshrl.u32 v7, $0x10  }
0x13c: {  	v14 =	vld [tilespmem:s24+$0x9FA0];
	v6 =	vadd.s32 v1, v6;
	v1 =	vand.u32 $0xFFFF0000, v4;
	v4 =	vand.u32 $0x1, v11  }
0x13d: {  	v11 =	vld [tilespmem:s24+$0x117A0];
	v9 =	vadd.f32 v12, v9;
	v4 =	vadd.s32 v4, v7;
	v7 =	vshrl.u32 v10, $0x10  }
0x13e: {  	v16 =	vadd.s32 $0x7FFF, v6;
	v6 =	vadd.s32 $0x7FFF, v4;
	v4 =	vand.u32 $0x1, v7  }
0x13f: {  	v4 =	vadd.s32 v4, v10;
	v13 =	vadd.f32 v8, v13;
	v8 =	vshrl.u32 v9, $0x10  }
0x140: {  	v0 =	vshrl.u32 v0, $0x10;
	v12 =	vld [tilespmem:s24+$0x117C0];
	v7 =	vadd.s32 $0x7FFF, v4;
	v4 =	vand.u32 $0x1, v8  }
0x141: {  	v5 =	vadd.s32 $0x7FFF, v5;
	v10 =	vld [tilespmem:s24+$0x9FC0];
	v8 =	vadd.s32 v4, v9;
	v9 =	vshrl.u32 v13, $0x10  }
0x142: {  	v14 =	vadd.f32 v11, v14;
	v4 =	vshrl.u32 v5, $0x10;
	v11 =	vld [tilespmem:s24+$0x9FD0];
	v5 =	vand.u32 $0x1, v9  }
0x143: {  	v2 =	vshrl.u32 v2, $0x10;
	v3 =	vadd.s32 $0x7FFF, v3;
	v9 =	vadd.s32 v5, v13;
	v13 =	vld [tilespmem:s24+$0x117D0]  }
0x144: {  	v3 =	vand.u32 $0xFFFF0000, v3;
	v8 =	vadd.s32 $0x7FFF, v8;
	v17 =	vshrl.u32 v14, $0x10  }
0x145: {  	s25 =	simm.s32 $0x0;
	s26 =	simm.s32 $0x400;
	v5 =	vand.u32 $0xFFFF0000, v16;
	v9 =	vadd.s32 $0x7FFF, v9;
	v16 =	vand.u32 $0x1, v17  }
.LBB2_11:
0x146: {  	s28 =	sshra.s32 s26, $0x2;
	v14 =	vadd.s32 v16, v14;
	v16 =	vshrl.u32 v15, $0x10;
	v10 =	vadd.f32 v12, v10  }
0x147: {  	v6 =	vshrl.u32 v6, $0x10;
	v12 =	vld [tilespmem:s28+$0x9FE0];
	v14 =	vadd.s32 $0x7FFF, v14;
	v16 =	vand.u32 $0x1, v16  }
0x148: {  	v17 =	vld [tilespmem:s28+$0x117E0];
	v15 =	vadd.s32 v16, v15;
	v11 =	vadd.f32 v13, v11;
	v13 =	vshrl.u32 v10, $0x10  }
0x149: {  	s25 =	sadd.s32 $0x2, s25;
	v7 =	vand.u32 $0xFFFF0000, v7;
	v16 =	vld [tilespmem:s28+$0x9FF0];
	v15 =	vadd.s32 $0x7FFF, v15;
	v13 =	vand.u32 $0x1, v13  }
0x14a: {  	v8 =	vshrl.u32 v8, $0x10;
	p0 =	slt.u32 s25, $0x4E;
	v18 =	vld [tilespmem:s28+$0x117F0];
	v10 =	vadd.s32 v13, v10;
	v13 =	vshrl.u32 v11, $0x10  }
0x14b: {  	v9 =	vand.u32 $0xFFFF0000, v9;
	v19 =	vld [tilespmem:s28+$0x9F00];
	v10 =	vadd.s32 $0x7FFF, v10;
	v13 =	vand.u32 $0x1, v13  }
0x14c: {  	v14 =	vshrl.u32 v14, $0x10;
	v15 =	vand.u32 $0xFFFF0000, v15;
	v20 =	vld [tilespmem:s28+$0x11700];
	v11 =	vadd.s32 v13, v11  }
0x14d: {  	v0 =	vor.u32 v0, v1;
	v1 =	vshrl.u32 v10, $0x10;
	v13 =	vld [tilespmem:s28+$0x9F10];
	v10 =	vadd.s32 $0x7FFF, v11  }
0x14e: {  	v11 =	vld [tilespmem:s28+$0x11710];
	[tilespmem:s24+$0x18F00] =	vst v0;
	v0 =	vor.u32 v2, v3;
	v2 =	vor.u32 v4, v5;
	v3 =	vand.u32 $0xFFFF0000, v10  }
0x14f: {  	v5 =	vadd.f32 v17, v12;
	v4 =	vld [tilespmem:s28+$0x9F20];
	v10 =	vadd.f32 v18, v16;
	[tilespmem:s24+$0x18F10] =	vst v0;
	v0 =	vor.u32 v6, v7  }
0x150: {  	v7 =	vor.u32 v14, v15;
	v1 =	vor.u32 v1, v3;
	v6 =	vld [tilespmem:s28+$0x11720];
	[tilespmem:s24+$0x18F20] =	vst v2;
	v2 =	vor.u32 v8, v9  }
0x151: {  	v9 =	vshrl.u32 v5, $0x10;
	v3 =	vadd.f32 v20, v19;
	v8 =	vld [tilespmem:s28+$0x9F30];
	v12 =	vshrl.u32 v10, $0x10;
	[tilespmem:s24+$0x18F30] =	vst v0  }
0x152: {  	v9 =	vand.u32 $0x1, v9;
	v0 =	vld [tilespmem:s28+$0x11730];
	v12 =	vand.u32 $0x1, v12;
	[tilespmem:s24+$0x18F80] =	vst v2  }
0x153: {  	v5 =	vadd.s32 v9, v5;
	v2 =	vadd.f32 v11, v13;
	v11 =	vld [tilespmem:s28+$0x9F40];
	v9 =	vadd.s32 v12, v10;
	[tilespmem:s24+$0x18F90] =	vst v7  }
0x154: {  	v7 =	vshrl.u32 v3, $0x10;
	v5 =	vadd.s32 $0x7FFF, v5;
	v10 =	vld [tilespmem:s28+$0x11740];
	v9 =	vadd.s32 $0x7FFF, v9;
	[tilespmem:s24+$0x18FA0] =	vst v1;
	s24 =	smov.u32 s28  }
0x155: {  	v5 =	vshrl.u32 v5, $0x10;
	v1 =	vadd.f32 v6, v4;
	v4 =	vld [tilespmem:s24+$0x9F50];
	v6 =	vand.u32 $0xFFFF0000, v9  }
0x156: {  	v7 =	vand.u32 $0x1, v7;
	v9 =	vshrl.u32 v2, $0x10;
	v12 =	vld [tilespmem:s24+$0x11750];
	v5 =	vor.u32 v5, v6  }
0x157: {  	v6 =	vand.u32 $0x1, v9;
	v0 =	vadd.f32 v0, v8;
	v8 =	vshrl.u32 v1, $0x10;
	v9 =	vld [tilespmem:s24+$0x9F60];
	[tilespmem:s24+$0x18FB0] =	vst v5  }
0x158: {  	v3 =	vadd.s32 v7, v3;
	v2 =	vadd.s32 v6, v2;
	v5 =	vand.u32 $0x1, v8;
	v6 =	vld [tilespmem:s24+$0x11760]  }
0x159: {  	v1 =	vadd.s32 v5, v1;
	v5 =	vshrl.u32 v0, $0x10;
	v7 =	vadd.f32 v10, v11;
	v8 =	vld [tilespmem:s24+$0x9F70]  }
0x15a: {  	v3 =	vadd.s32 $0x7FFF, v3;
	v2 =	vadd.s32 $0x7FFF, v2;
	v5 =	vand.u32 $0x1, v5;
	v10 =	vld [tilespmem:s24+$0x11770]  }
0x15b: {  	v0 =	vadd.s32 v5, v0;
	v4 =	vadd.f32 v12, v4;
	v5 =	vshrl.u32 v7, $0x10;
	v11 =	vld [tilespmem:s24+$0x9F80]  }
0x15c: {  	v12 =	vadd.s32 $0x7FFF, v1;
	v13 =	vadd.s32 $0x7FFF, v0;
	v0 =	vand.u32 $0x1, v5;
	v5 =	vld [tilespmem:s24+$0x11780]  }
0x15d: {  	v1 =	vadd.s32 v0, v7;
	v7 =	vshrl.u32 v4, $0x10;
	v6 =	vadd.f32 v6, v9;
	v9 =	vld [tilespmem:s24+$0x9F90]  }
0x15e: {  	v0 =	vshrl.u32 v3, $0x10;
	v15 =	vadd.s32 $0x7FFF, v1;
	v1 =	vand.u32 $0x1, v7;
	v3 =	vld [tilespmem:s24+$0x11790]  }
0x15f: {  	v4 =	vadd.s32 v1, v4;
	v7 =	vadd.f32 v10, v8;
	v8 =	vshrl.u32 v6, $0x10;
	v14 =	vld [tilespmem:s24+$0x9FA0]  }
0x160: {  	v1 =	vand.u32 $0xFFFF0000, v2;
	v16 =	vadd.s32 $0x7FFF, v4;
	v2 =	vand.u32 $0x1, v8;
	v4 =	vld [tilespmem:s24+$0x117A0]  }
0x161: {  	v6 =	vadd.s32 v2, v6;
	v8 =	vshrl.u32 v7, $0x10;
	v5 =	vadd.f32 v5, v11;
	v17 =	vld [tilespmem:s24+$0x9FB0]  }
0x162: {  	v2 =	vshrl.u32 v12, $0x10;
	v6 =	vadd.s32 $0x7FFF, v6;
	v8 =	vand.u32 $0x1, v8;
	v18 =	vld [tilespmem:s24+$0x117B0]  }
0x163: {  	v7 =	vadd.s32 v8, v7;
	v9 =	vadd.f32 v3, v9;
	v8 =	vshrl.u32 v5, $0x10;
	v10 =	vld [tilespmem:s24+$0x9FC0]  }
.Ltmp8:
0x164: {  	v3 =	vand.u32 $0xFFFF0000, v13;
	v7 =	vadd.s32 $0x7FFF, v7;
	v8 =	vand.u32 $0x1, v8;
	v12 =	vld [tilespmem:s24+$0x117C0];
	(pc) =	sbr.rel @p0 .LBB2_11-.Ltmp8, $4  }
0x165: {  	v5 =	vadd.s32 v8, v5;
	v13 =	vshrl.u32 v9, $0x10;
	v14 =	vadd.f32 v4, v14;
	v11 =	vld [tilespmem:s24+$0x9FD0]  }
0x166: {  	v4 =	vshrl.u32 v15, $0x10;
	v8 =	vadd.s32 $0x7FFF, v5;
	v5 =	vand.u32 $0x1, v13;
	v13 =	vld [tilespmem:s24+$0x117D0]  }
0x167: {  	v9 =	vadd.s32 v5, v9;
	v15 =	vadd.f32 v18, v17;
	v17 =	vshrl.u32 v14, $0x10  }
0x168: {  	s26 =	sadd.s32 $0x400, s26;
	v5 =	vand.u32 $0xFFFF0000, v16;
	v9 =	vadd.s32 $0x7FFF, v9;
	v16 =	vand.u32 $0x1, v17  }
0x169: {  	v14 =	vadd.s32 v16, v14;
	v52 =	vshrl.u32 v15, $0x10;
	v10 =	vadd.f32 v12, v10  }
0x16a: {  	v6 =	vshrl.u32 v6, $0x10;
	v7 =	vand.u32 $0xFFFF0000, v7;
	v8 =	vshrl.u32 v8, $0x10  }
0x16b: {  	v0 =	vor.u32 v0, v1;
	v9 =	vand.u32 $0xFFFF0000, v9;
	v57 =	vor.u32 v2, v3  }
0x16c: {  	v59 =	vor.u32 v4, v5;
	v53 =	vadd.s32 $0x7FFF, v14;
	v11 =	vadd.f32 v13, v11  }
0x16d: {  	v54 =	vand.u32 $0x1, v52;
	v61 =	vor.u32 v6, v7;
	v63 =	vor.u32 v8, v9  }
0x16e: {  	[tilespmem:s24+$0x18F00] =	vst v0;
	v14 =	vadd.s32 v54, v15;
	v55 =	vshrl.u32 v10, $0x10;
	v56 =	vshrl.u32 v11, $0x10  }
0x16f: {  	[tilespmem:s24+$0x18F10] =	vst v57;
	v60 =	vshrl.u32 v53, $0x10;
	v13 =	vand.u32 $0x1, v55;
	v1 =	vand.u32 $0x1, v56  }
.Ltmp9:
0x170: {  	[tilespmem:s24+$0x18F20] =	vst v59;
	v14 =	vadd.s32 $0x7FFF, v14;
	v10 =	vadd.s32 v13, v10;
	v1 =	vadd.s32 v1, v11;
	(pc) =	sbr.rel .LBB2_13-.Ltmp9, $4  }
0x171: {  	[tilespmem:s24+$0x18F30] =	vst v61;
	v62 =	vand.u32 $0xFFFF0000, v14;
	v58 =	vadd.s32 $0x7FFF, v10;
	v1 =	vadd.s32 $0x7FFF, v1  }
0x172: {  	[tilespmem:s24+$0x18F80] =	vst v63;
	v0 =	vor.u32 v60, v62;
	v2 =	vshrl.u32 v58, $0x10;
	v1 =	vand.u32 $0xFFFF0000, v1  }
0x173: {  	[tilespmem:s24+$0x18F90] =	vst v0;
	v1 =	vor.u32 v2, v1  }
0x174: {  	[tilespmem:s24+$0x18FA0] =	vst v1  }
.LBB2_7:
0x175: {  	s24 =	simm.s32 $0x4F80  }
0x176: {  	s25 =	simm.s32 $0xC780;
	v0 =	vld [tilespmem:s24+$0xFFFFFF80]  }
0x177: {  	v1 =	vld [tilespmem:s25+$0xFFFFFF90]  }
0x178: {  	v2 =	vld [tilespmem:s24+$0xFFFFFF90]  }
0x179: {  	v3 =	vld [tilespmem:s25+$0xFFFFFF80];
	_ =	sdelay $0x4  }
0x17a: {  	v1 =	vadd.f32 v1, v2;
	v0 =	vadd.f32 v3, v0;
	_ =	sdelay $0x1  }
0x17b: {  	v2 =	vshrl.u32 v1, $0x10;
	v3 =	vshrl.u32 v0, $0x10  }
0x17c: {  	v2 =	vand.u32 $0x1, v2;
	v3 =	vand.u32 $0x1, v3  }
0x17d: {  	v1 =	vadd.s32 v2, v1;
	v0 =	vadd.s32 v3, v0  }
0x17e: {  	v1 =	vadd.s32 $0x7FFF, v1;
	v0 =	vadd.s32 $0x7FFF, v0  }
0x17f: {  	v0 =	vshrl.u32 v0, $0x10;
	v1 =	vand.u32 $0xFFFF0000, v1  }
0x180: {  	s26 =	simm.s32 $0x13F80;
	v0 =	vor.u32 v0, v1  }
0x181: {  	[tilespmem:s26+$0xFFFFFF80] =	vst v0  }
0x182: {  	v0 =	vld [tilespmem:s25+$0xFFFFFFB0]  }
0x183: {  	v1 =	vld [tilespmem:s25+$0xFFFFFFA0]  }
0x184: {  	v2 =	vld [tilespmem:s24+$0xFFFFFFB0]  }
0x185: {  	v3 =	vld [tilespmem:s24+$0xFFFFFFA0];
	_ =	sdelay $0x4  }
0x186: {  	v0 =	vadd.f32 v0, v2;
	v1 =	vadd.f32 v1, v3;
	_ =	sdelay $0x1  }
0x187: {  	v2 =	vshrl.u32 v0, $0x10;
	v3 =	vshrl.u32 v1, $0x10  }
0x188: {  	v2 =	vand.u32 $0x1, v2;
	v3 =	vand.u32 $0x1, v3  }
0x189: {  	v0 =	vadd.s32 v2, v0;
	v1 =	vadd.s32 v3, v1  }
0x18a: {  	v0 =	vadd.s32 $0x7FFF, v0;
	v1 =	vadd.s32 $0x7FFF, v1  }
0x18b: {  	v1 =	vshrl.u32 v1, $0x10;
	v0 =	vand.u32 $0xFFFF0000, v0  }
0x18c: {  	v0 =	vor.u32 v1, v0  }
0x18d: {  	[tilespmem:s26+$0xFFFFFF90] =	vst v0  }
0x18e: {  	v0 =	vld [tilespmem:s24+$0xFFFFFFD0]  }
0x18f: {  	v1 =	vld [tilespmem:s25+$0xFFFFFFC0]  }
0x190: {  	v2 =	vld [tilespmem:s24+$0xFFFFFFC0]  }
0x191: {  	v3 =	vld [tilespmem:s25+$0xFFFFFFD0];
	_ =	sdelay $0x4  }
0x192: {  	v1 =	vadd.f32 v1, v2;
	v0 =	vadd.f32 v3, v0;
	_ =	sdelay $0x1  }
0x193: {  	v2 =	vshrl.u32 v1, $0x10;
	v3 =	vshrl.u32 v0, $0x10  }
0x194: {  	v2 =	vand.u32 $0x1, v2;
	v3 =	vand.u32 $0x1, v3  }
0x195: {  	v1 =	vadd.s32 v2, v1;
	v0 =	vadd.s32 v3, v0  }
0x196: {  	v1 =	vadd.s32 $0x7FFF, v1;
	v0 =	vadd.s32 $0x7FFF, v0  }
0x197: {  	v1 =	vshrl.u32 v1, $0x10;
	v0 =	vand.u32 $0xFFFF0000, v0  }
0x198: {  	v0 =	vor.u32 v1, v0  }
0x199: {  	[tilespmem:s26+$0xFFFFFFA0] =	vst v0  }
0x19a: {  	v0 =	vld [tilespmem:s25+$0xFFFFFFF0]  }
0x19b: {  	v1 =	vld [tilespmem:s25+$0xFFFFFFE0]  }
0x19c: {  	v2 =	vld [tilespmem:s24+$0xFFFFFFE0]  }
0x19d: {  	v3 =	vld [tilespmem:s24+$0xFFFFFFF0];
	_ =	sdelay $0x4  }
0x19e: {  	v1 =	vadd.f32 v1, v2;
	v0 =	vadd.f32 v0, v3;
	_ =	sdelay $0x1  }
0x19f: {  	v2 =	vshrl.u32 v1, $0x10;
	v3 =	vshrl.u32 v0, $0x10  }
0x1a0: {  	v2 =	vand.u32 $0x1, v2;
	v3 =	vand.u32 $0x1, v3  }
0x1a1: {  	v1 =	vadd.s32 v2, v1;
	v0 =	vadd.s32 v3, v0  }
0x1a2: {  	v1 =	vadd.s32 $0x7FFF, v1;
	v0 =	vadd.s32 $0x7FFF, v0  }
0x1a3: {  	v1 =	vshrl.u32 v1, $0x10;
	v0 =	vand.u32 $0xFFFF0000, v0  }
0x1a4: {  	v0 =	vor.u32 v1, v0  }
0x1a5: {  	[tilespmem:s26+$0xFFFFFFB0] =	vst v0  }
0x1a6: {  	v0 =	vld [tilespmem:s24+$0x10]  }
0x1a7: {  	v1 =	vld [tilespmem:s25+$0x0]  }
0x1a8: {  	v2 =	vld [tilespmem:s24+$0x0]  }
0x1a9: {  	v3 =	vld [tilespmem:s25+$0x10];
	_ =	sdelay $0x4  }
0x1aa: {  	v1 =	vadd.f32 v1, v2;
	v0 =	vadd.f32 v3, v0;
	_ =	sdelay $0x1  }
0x1ab: {  	v2 =	vshrl.u32 v1, $0x10;
	v3 =	vshrl.u32 v0, $0x10  }
0x1ac: {  	v2 =	vand.u32 $0x1, v2;
	v3 =	vand.u32 $0x1, v3  }
0x1ad: {  	v1 =	vadd.s32 v2, v1;
	v0 =	vadd.s32 v3, v0  }
0x1ae: {  	v1 =	vadd.s32 $0x7FFF, v1;
	v0 =	vadd.s32 $0x7FFF, v0  }
0x1af: {  	v1 =	vshrl.u32 v1, $0x10;
	v0 =	vand.u32 $0xFFFF0000, v0  }
0x1b0: {  	v0 =	vor.u32 v1, v0  }
0x1b1: {  	[tilespmem:s26+$0x0] =	vst v0  }
0x1b2: {  	v0 =	vld [tilespmem:s24+$0x20]  }
0x1b3: {  	v1 =	vld [tilespmem:s24+$0x30]  }
0x1b4: {  	v2 =	vld [tilespmem:s25+$0x30]  }
0x1b5: {  	v3 =	vld [tilespmem:s25+$0x20];
	_ =	sdelay $0x4  }
0x1b6: {  	v1 =	vadd.f32 v2, v1;
	v0 =	vadd.f32 v3, v0;
	_ =	sdelay $0x1  }
0x1b7: {  	v2 =	vshrl.u32 v1, $0x10;
	v3 =	vshrl.u32 v0, $0x10  }
0x1b8: {  	v2 =	vand.u32 $0x1, v2;
	v3 =	vand.u32 $0x1, v3  }
0x1b9: {  	v1 =	vadd.s32 v2, v1;
	v0 =	vadd.s32 v3, v0  }
0x1ba: {  	v1 =	vadd.s32 $0x7FFF, v1;
	v0 =	vadd.s32 $0x7FFF, v0  }
0x1bb: {  	v1 =	vand.u32 $0xFFFF0000, v1;
	v0 =	vshrl.u32 v0, $0x10  }
0x1bc: {  	v0 =	vor.u32 v0, v1  }
0x1bd: {  	[tilespmem:s26+$0x10] =	vst v0  }
0x1be: {  	v0 =	vld [tilespmem:s25+$0x50]  }
0x1bf: {  	v1 =	vld [tilespmem:s24+$0x40]  }
0x1c0: {  	v2 =	vld [tilespmem:s25+$0x40]  }
0x1c1: {  	v3 =	vld [tilespmem:s24+$0x50];
	_ =	sdelay $0x3  }
0x1c2: {  	v1 =	vadd.f32 v2, v1  }
0x1c3: {  	v0 =	vadd.f32 v0, v3  }
0x1c4: {  	v2 =	vshrl.u32 v1, $0x10  }
0x1c5: {  	s30 =	simm.s32 $0x0;
	v3 =	vshrl.u32 v0, $0x10;
	v2 =	vand.u32 $0x1, v2  }
0x1c6: {  	s31 =	simm.s32 $0x5080;
	s28 =	simm.s32 $0x13F80;
	s29 =	simm.s32 $0xC780;
	v1 =	vadd.s32 v2, v1;
	v2 =	vand.u32 $0x1, v3  }
.LBB2_8:
0x1c7: {  	s30 =	sadd.s32 $0x2, s30;
	s26 =	sadd.s32 $0x100, s26;
	s25 =	sadd.s32 $0x100, s25  }
0x1c8: {  	v0 =	vadd.s32 v2, v0;
	p0 =	slt.u32 s30, $0x4E  }
0x1c9: {  	v1 =	vadd.s32 $0x7FFF, v1;
	v0 =	vadd.s32 $0x7FFF, v0  }
0x1ca: {  	v1 =	vshrl.u32 v1, $0x10;
	v0 =	vand.u32 $0xFFFF0000, v0  }
0x1cb: {  	v0 =	vor.u32 v1, v0  }
0x1cc: {  	[tilespmem:s28+$0x20] =	vst v0  }
0x1cd: {  	v0 =	vld [tilespmem:s24+$0x60]  }
0x1ce: {  	v1 =	vld [tilespmem:s29+$0x70]  }
0x1cf: {  	v2 =	vld [tilespmem:s24+$0x70];
	s24 =	smov.u32 s31  }
0x1d0: {  	v3 =	vld [tilespmem:s29+$0x60];
	s29 =	smov.u32 s25;
	_ =	sdelay $0x3  }
0x1d1: {  	v1 =	vadd.f32 v1, v2  }
0x1d2: {  	v0 =	vadd.f32 v3, v0  }
0x1d3: {  	v2 =	vshrl.u32 v1, $0x10  }
0x1d4: {  	v3 =	vshrl.u32 v0, $0x10;
	v2 =	vand.u32 $0x1, v2  }
0x1d5: {  	v3 =	vand.u32 $0x1, v3;
	v1 =	vadd.s32 v2, v1  }
0x1d6: {  	v0 =	vadd.s32 v3, v0;
	v1 =	vadd.s32 $0x7FFF, v1  }
0x1d7: {  	v0 =	vadd.s32 $0x7FFF, v0;
	v1 =	vand.u32 $0xFFFF0000, v1  }
0x1d8: {  	v0 =	vshrl.u32 v0, $0x10  }
0x1d9: {  	v0 =	vor.u32 v0, v1  }
0x1da: {  	[tilespmem:s28+$0x30] =	vst v0;
	s28 =	smov.u32 s26;
	_ =	sdelay $0x1  }
0x1db: {  	v0 =	vld [tilespmem:s31+$0xFFFFFF80]  }
0x1dc: {  	v1 =	vld [tilespmem:s25+$0xFFFFFF90]  }
0x1dd: {  	v2 =	vld [tilespmem:s31+$0xFFFFFF90]  }
0x1de: {  	v3 =	vld [tilespmem:s25+$0xFFFFFF80];
	_ =	sdelay $0x3  }
0x1df: {  	v1 =	vadd.f32 v1, v2  }
0x1e0: {  	v0 =	vadd.f32 v3, v0  }
0x1e1: {  	v2 =	vshrl.u32 v1, $0x10  }
0x1e2: {  	v3 =	vshrl.u32 v0, $0x10;
	v2 =	vand.u32 $0x1, v2  }
0x1e3: {  	v3 =	vand.u32 $0x1, v3;
	v1 =	vadd.s32 v2, v1  }
0x1e4: {  	v0 =	vadd.s32 v3, v0;
	v1 =	vadd.s32 $0x7FFF, v1  }
0x1e5: {  	v0 =	vadd.s32 $0x7FFF, v0  }
0x1e6: {  	v1 =	vand.u32 $0xFFFF0000, v1;
	v0 =	vshrl.u32 v0, $0x10  }
0x1e7: {  	v0 =	vor.u32 v0, v1  }
0x1e8: {  	[tilespmem:s26+$0xFFFFFF80] =	vst v0  }
0x1e9: {  	v0 =	vld [tilespmem:s25+$0xFFFFFFB0]  }
0x1ea: {  	v1 =	vld [tilespmem:s25+$0xFFFFFFA0]  }
0x1eb: {  	v2 =	vld [tilespmem:s31+$0xFFFFFFB0]  }
0x1ec: {  	v3 =	vld [tilespmem:s31+$0xFFFFFFA0];
	_ =	sdelay $0x3  }
0x1ed: {  	v0 =	vadd.f32 v0, v2  }
0x1ee: {  	v1 =	vadd.f32 v1, v3  }
0x1ef: {  	v2 =	vshrl.u32 v0, $0x10  }
0x1f0: {  	v3 =	vshrl.u32 v1, $0x10;
	v2 =	vand.u32 $0x1, v2  }
0x1f1: {  	v3 =	vand.u32 $0x1, v3;
	v0 =	vadd.s32 v2, v0  }
0x1f2: {  	v1 =	vadd.s32 v3, v1;
	v0 =	vadd.s32 $0x7FFF, v0  }
0x1f3: {  	v1 =	vadd.s32 $0x7FFF, v1  }
0x1f4: {  	v0 =	vand.u32 $0xFFFF0000, v0;
	v1 =	vshrl.u32 v1, $0x10  }
0x1f5: {  	v0 =	vor.u32 v1, v0  }
0x1f6: {  	[tilespmem:s26+$0xFFFFFF90] =	vst v0  }
0x1f7: {  	v0 =	vld [tilespmem:s31+$0xFFFFFFD0]  }
0x1f8: {  	v1 =	vld [tilespmem:s25+$0xFFFFFFC0]  }
0x1f9: {  	v2 =	vld [tilespmem:s31+$0xFFFFFFC0]  }
0x1fa: {  	v3 =	vld [tilespmem:s25+$0xFFFFFFD0];
	_ =	sdelay $0x3  }
0x1fb: {  	v1 =	vadd.f32 v1, v2  }
0x1fc: {  	v0 =	vadd.f32 v3, v0  }
0x1fd: {  	v2 =	vshrl.u32 v1, $0x10  }
0x1fe: {  	v2 =	vand.u32 $0x1, v2;
	v3 =	vshrl.u32 v0, $0x10  }
0x1ff: {  	v1 =	vadd.s32 v2, v1;
	v2 =	vand.u32 $0x1, v3  }
0x200: {  	v1 =	vadd.s32 $0x7FFF, v1;
	v0 =	vadd.s32 v2, v0  }
0x201: {  	v0 =	vadd.s32 $0x7FFF, v0  }
0x202: {  	v1 =	vshrl.u32 v1, $0x10;
	v0 =	vand.u32 $0xFFFF0000, v0  }
0x203: {  	v0 =	vor.u32 v1, v0  }
0x204: {  	[tilespmem:s26+$0xFFFFFFA0] =	vst v0  }
0x205: {  	v0 =	vld [tilespmem:s25+$0xFFFFFFF0]  }
0x206: {  	v1 =	vld [tilespmem:s25+$0xFFFFFFE0]  }
0x207: {  	v2 =	vld [tilespmem:s31+$0xFFFFFFE0]  }
0x208: {  	v3 =	vld [tilespmem:s31+$0xFFFFFFF0];
	_ =	sdelay $0x3  }
0x209: {  	v1 =	vadd.f32 v1, v2  }
0x20a: {  	v0 =	vadd.f32 v0, v3  }
0x20b: {  	v2 =	vshrl.u32 v1, $0x10  }
0x20c: {  	v2 =	vand.u32 $0x1, v2;
	v3 =	vshrl.u32 v0, $0x10  }
0x20d: {  	v1 =	vadd.s32 v2, v1;
	v2 =	vand.u32 $0x1, v3  }
0x20e: {  	v1 =	vadd.s32 $0x7FFF, v1;
	v0 =	vadd.s32 v2, v0  }
0x20f: {  	v0 =	vadd.s32 $0x7FFF, v0  }
0x210: {  	v1 =	vshrl.u32 v1, $0x10;
	v0 =	vand.u32 $0xFFFF0000, v0  }
0x211: {  	v0 =	vor.u32 v1, v0  }
0x212: {  	[tilespmem:s26+$0xFFFFFFB0] =	vst v0  }
0x213: {  	v0 =	vld [tilespmem:s31+$0x10]  }
0x214: {  	v1 =	vld [tilespmem:s25+$0x0]  }
0x215: {  	v2 =	vld [tilespmem:s31+$0x0]  }
0x216: {  	v3 =	vld [tilespmem:s25+$0x10];
	_ =	sdelay $0x3  }
0x217: {  	v1 =	vadd.f32 v1, v2  }
0x218: {  	v0 =	vadd.f32 v3, v0  }
0x219: {  	v2 =	vshrl.u32 v1, $0x10  }
0x21a: {  	v2 =	vand.u32 $0x1, v2;
	v3 =	vshrl.u32 v0, $0x10  }
0x21b: {  	v1 =	vadd.s32 v2, v1;
	v2 =	vand.u32 $0x1, v3  }
0x21c: {  	v0 =	vadd.s32 v2, v0  }
0x21d: {  	v1 =	vadd.s32 $0x7FFF, v1;
	v0 =	vadd.s32 $0x7FFF, v0  }
0x21e: {  	v1 =	vshrl.u32 v1, $0x10;
	v0 =	vand.u32 $0xFFFF0000, v0  }
0x21f: {  	v0 =	vor.u32 v1, v0  }
0x220: {  	[tilespmem:s26+$0x0] =	vst v0  }
0x221: {  	v0 =	vld [tilespmem:s31+$0x20]  }
0x222: {  	v1 =	vld [tilespmem:s31+$0x30]  }
0x223: {  	v2 =	vld [tilespmem:s25+$0x30]  }
0x224: {  	v3 =	vld [tilespmem:s25+$0x20];
	_ =	sdelay $0x3  }
0x225: {  	v1 =	vadd.f32 v2, v1  }
0x226: {  	v0 =	vadd.f32 v3, v0  }
0x227: {  	v2 =	vshrl.u32 v1, $0x10  }
0x228: {  	v3 =	vshrl.u32 v0, $0x10;
	v2 =	vand.u32 $0x1, v2  }
0x229: {  	v3 =	vand.u32 $0x1, v3;
	v1 =	vadd.s32 v2, v1  }
0x22a: {  	v0 =	vadd.s32 v3, v0;
	v1 =	vadd.s32 $0x7FFF, v1  }
0x22b: {  	v0 =	vadd.s32 $0x7FFF, v0;
	v1 =	vand.u32 $0xFFFF0000, v1  }
0x22c: {  	v0 =	vshrl.u32 v0, $0x10  }
0x22d: {  	v0 =	vor.u32 v0, v1  }
0x22e: {  	[tilespmem:s26+$0x10] =	vst v0  }
0x22f: {  	v0 =	vld [tilespmem:s25+$0x50]  }
0x230: {  	v1 =	vld [tilespmem:s31+$0x40]  }
0x231: {  	v2 =	vld [tilespmem:s25+$0x40]  }
0x232: {  	v3 =	vld [tilespmem:s31+$0x50];
	_ =	sdelay $0x3  }
.Ltmp10:
0x233: {  	v1 =	vadd.f32 v2, v1;
	(pc) =	sbr.rel @p0 .LBB2_8-.Ltmp10, $4  }
0x234: {  	v0 =	vadd.f32 v0, v3  }
0x235: {  	v2 =	vshrl.u32 v1, $0x10  }
0x236: {  	v2 =	vand.u32 $0x1, v2;
	v3 =	vshrl.u32 v0, $0x10  }
0x237: {  	s31 =	sadd.s32 $0x100, s31;
	v1 =	vadd.s32 v2, v1;
	v2 =	vand.u32 $0x1, v3  }
0x238: {  	v0 =	vadd.s32 v2, v0  }
0x239: {  	v1 =	vadd.s32 $0x7FFF, v1;
	v0 =	vadd.s32 $0x7FFF, v0  }
0x23a: {  	v1 =	vshrl.u32 v1, $0x10;
	v0 =	vand.u32 $0xFFFF0000, v0  }
0x23b: {  	v0 =	vor.u32 v1, v0  }
0x23c: {  	[tilespmem:s28+$0x20] =	vst v0  }
0x23d: {  	v0 =	vld [tilespmem:s24+$0x60]  }
0x23e: {  	v62 =	vld [tilespmem:s29+$0x70]  }
0x23f: {  	v63 =	vld [tilespmem:s24+$0x70]  }
0x240: {  	v3 =	vld [tilespmem:s29+$0x60];
	_ =	sdelay $0x4  }
0x241: {  	v1 =	vadd.f32 v62, v63;
	v0 =	vadd.f32 v3, v0;
	_ =	sdelay $0x1  }
0x242: {  	v2 =	vshrl.u32 v1, $0x10;
	v3 =	vshrl.u32 v0, $0x10  }
0x243: {  	v2 =	vand.u32 $0x1, v2;
	v3 =	vand.u32 $0x1, v3  }
.Ltmp11:
0x244: {  	v1 =	vadd.s32 v2, v1;
	v0 =	vadd.s32 v3, v0;
	(pc) =	sbr.rel .LBB2_13-.Ltmp11, $4  }
0x245: {  	v1 =	vadd.s32 $0x7FFF, v1;
	v0 =	vadd.s32 $0x7FFF, v0  }
0x246: {  	v1 =	vand.u32 $0xFFFF0000, v1;
	v0 =	vshrl.u32 v0, $0x10  }
0x247: {  	v0 =	vor.u32 v0, v1  }
0x248: {  	[tilespmem:s28+$0x30] =	vst v0  }
.LBB2_15:
0x249: {  	_ =	sfence.sel $0x180000  }
0x24a: {  	[bflag:$0x0] =	sbarrier.arrive $0xFFFF  }
0x24b: {  	p0 =	sne.s32 s0, $0x0;
	_ =	strace $0x90000047  }
0x24c: {  	s0 =	sadd.s32 @!p0 $0x100000, s1;
	[bflag:$0x2] =	sbarrier.arrive $0xFFFF  }
0x24d: {  	[sflag:s0] =	ssyncadd.tile.s32 @!p0 $0x1;
	_ =	shalt  }
.Lfunc_end2:
_tile_overlayer_lowered:
.L_overlay_start_2:
0x24e: {  	(tag) =	ssettag $0x2  }
0x24f: {  	s0 =	rddreg [dreg:$0x0];
	s2 =	stileid.u32  }
0x250: {  	s1 =	rddreg [dreg:$0x1];
	p0 =	sne.s32 s2, $0x0  }
0x251: {  	s3 =	rddreg [dreg:$0x2];
	[bflag:$0x3] =	sbarrier.arrive $0xFFFF;
	s2 =	simm.s32 @!p0 $0x1C0A  }
0x252: {  	[timem:s3], [sflag:s2] =	dma.local @!p0 [hbm:s0], s1  }
0x253: {  	s0 =	simm.s32 @!p0 $0xA  }
0x254: {  	_ =	swait.ge @!p0 [sflag:s0], s1  }
0x255: {  	s1 =	ssub.s32 @!p0 $0x0, s1;
	[sflag:s0] =	ssyncset.done @!p0 $0x0  }
0x256: {  	[sflag:s0] =	ssyncadd.s32 @!p0 s1  }
0x257: {  	[bflag:$0x3] =	sbarrier.arrive $0xFFFF  }
0x258: {  	_ =	shalt  }

</sc_bundles>
